<compile_context>
chip_gen: v7x
topology: tpu7x:2x2x1
jax: 0.10.2.dev20260603
libtpu: 0.0.44.dev20260713+nightly
codegen_flags: <defaults>
</compile_context>

<pallas_src>
import functools

import jax
import jax.numpy as jnp
from jax import lax
from jax.experimental import pallas as pl
from jax.experimental.pallas import tpu as pltpu
from jax.experimental.pallas import tpu_sc as plsc

N = 10000
E = 320000
D = 128
LAYERS = 3
NC = 2
NS = 16
DHALF = D // NC
LANES = 16
CHUNK = 80
NBUF = 5
GEDGES = NBUF * CHUNK
EDGES_PER_TILE = E // NS
NGRP = EDGES_PER_TILE // GEDGES
ROWS_PER_TILE = N // NS
ROWS_BLK = 125
NBLK = ROWS_PER_TILE // ROWS_BLK


def _body(edge_index, edge_values, embedding, out,
          x_hbm, tot_hbm, acc,
          src_blk, dst_blk, val_blk, rows_v, blk_a, blk_b,
          sem_idx, sem_g, sem_s):
    c = lax.axis_index("c")
    s = lax.axis_index("s")
    r0 = s * ROWS_PER_TILE
    e_base = s * EDGES_PER_TILE
    col0 = c * DHALF
    coff = c * N
    zero16 = jnp.zeros((LANES,), jnp.float32)
    inv = jnp.float32(1.0 / (LAYERS + 1))

    def init_body(bk, _):
        rb = r0 + bk * ROWS_BLK
        pltpu.sync_copy(
            embedding.at[pl.ds(rb, ROWS_BLK), pl.ds(col0, DHALF)], blk_a)
        pltpu.sync_copy(blk_a, tot_hbm.at[pl.ds(coff + rb, ROWS_BLK)])
        pltpu.sync_copy(blk_a, x_hbm.at[pl.ds(coff + rb, ROWS_BLK)])
        return 0
    lax.fori_loop(0, NBLK, init_body, 0)

    @pl.when(s == 0)
    def _():
        for j in range(DHALF // LANES):
            blk_b[0, pl.ds(j * LANES, LANES)] = zero16
        pltpu.sync_copy(blk_b.at[0], out.at[0, pl.ds(col0, DHALF)])

    def idx_fire(g):
        q = lax.rem(g, 3)
        e0 = e_base + g * GEDGES
        pltpu.async_copy(
            edge_index.at[1, pl.ds(e0, GEDGES)], src_blk.at[q], sem_idx.at[q])

        def dfire(p, _):
            pltpu.async_copy(
                edge_index.at[0, pl.ds(e0 + p * CHUNK, CHUNK)],
                dst_blk.at[q, p], sem_idx.at[q])
            return 0
        lax.fori_loop(0, NBUF, dfire, 0)
        pltpu.async_copy(
            edge_values.at[pl.ds(e0, GEDGES)], val_blk.at[q], sem_idx.at[q])

    def idx_wait_and_offset(g):
        q = lax.rem(g, 3)
        e0 = e_base + g * GEDGES
        pltpu.make_async_copy(
            edge_index.at[1, pl.ds(e0, GEDGES)], src_blk.at[q],
            sem_idx.at[q]).wait()
        def dwait(p, _):
            pltpu.make_async_copy(
                edge_index.at[0, pl.ds(e0 + p * CHUNK, CHUNK)],
                dst_blk.at[q, p], sem_idx.at[q]).wait()
            return 0
        lax.fori_loop(0, NBUF, dwait, 0)
        pltpu.make_async_copy(
            edge_values.at[pl.ds(e0, GEDGES)], val_blk.at[q],
            sem_idx.at[q]).wait()
        for w in range(GEDGES // LANES):
            sl = pl.ds(w * LANES, LANES)
            src_blk[q, sl] = src_blk[q, sl] + coff

    def g_fire(g, p):
        b = lax.rem(g, 2)
        q = lax.rem(g, 3)
        pltpu.async_copy(
            x_hbm.at[src_blk.at[q, pl.ds(p * CHUNK, CHUNK)]],
            rows_v.at[b, p], sem_g.at[b, p])

    def g_wait(g, p):
        b = lax.rem(g, 2)
        q = lax.rem(g, 3)
        pltpu.make_async_copy(
            x_hbm.at[src_blk.at[q, pl.ds(p * CHUNK, CHUNK)]],
            rows_v.at[b, p], sem_g.at[b, p]).wait()

    def s_fire(g, p):
        b = lax.rem(g, 2)
        q = lax.rem(g, 3)
        pltpu.async_copy(
            rows_v.at[b, p], acc.at[dst_blk.at[q, p]], sem_s.at[b, p],
            add=True)

    def s_wait(g, p):
        b = lax.rem(g, 2)
        q = lax.rem(g, 3)
        pltpu.make_async_copy(
            rows_v.at[b, p], acc.at[dst_blk.at[q, p]],
            sem_s.at[b, p]).wait()

    def scale(g, p):
        b = lax.rem(g, 2)
        q = lax.rem(g, 3)

        def sc16(t, _):
            vals16 = val_blk[q, pl.ds(p * CHUNK + t * LANES, LANES)]
            for e in range(LANES):
                v = vals16[e]
                ii = t * LANES + e
                for j in range(DHALF // LANES):
                    sl = pl.ds(j * LANES, LANES)
                    rows_v[b, p, ii, sl] = rows_v[b, p, ii, sl] * v
            return 0
        lax.fori_loop(0, CHUNK // LANES, sc16, 0)

    def layer_body(layer, _):
        def zfill(i, _):
            for j in range(DHALF // LANES):
                blk_b[i, pl.ds(j * LANES, LANES)] = zero16
            return 0
        lax.fori_loop(0, ROWS_BLK, zfill, 0)

        def zcopy(bk, _):
            pltpu.sync_copy(blk_b, acc.at[pl.ds(r0 + bk * ROWS_BLK, ROWS_BLK)])
            return 0
        lax.fori_loop(0, NBLK, zcopy, 0)
        plsc.subcore_barrier()

        idx_fire(0)
        idx_fire(1)
        idx_wait_and_offset(0)

        def gf0(p, _):
            g_fire(0, p)
            return 0
        lax.fori_loop(0, NBUF, gf0, 0)

        def grp_body(g, _):
            @pl.when(g < NGRP - 1)
            def _():
                idx_wait_and_offset(g + 1)

            def p_body(p, _):
                @pl.when(g > 0)
                def _():
                    s_wait(g - 1, p)

                @pl.when(g < NGRP - 1)
                def _():
                    g_fire(g + 1, p)
                g_wait(g, p)
                scale(g, p)
                s_fire(g, p)
                return 0
            lax.fori_loop(0, NBUF, p_body, 0)

            @pl.when(g < NGRP - 2)
            def _():
                idx_fire(g + 2)
            return 0
        lax.fori_loop(0, NGRP, grp_body, 0)

        def sw_last(p, _):
            s_wait(NGRP - 1, p)
            return 0
        lax.fori_loop(0, NBUF, sw_last, 0)
        plsc.subcore_barrier()

        def fold(bk, _):
            rb = r0 + bk * ROWS_BLK
            pltpu.sync_copy(acc.at[pl.ds(rb, ROWS_BLK)], blk_a)
            pltpu.sync_copy(tot_hbm.at[pl.ds(coff + rb, ROWS_BLK)], blk_b)

            def addb(i, _):
                for j in range(DHALF // LANES):
                    sl = pl.ds(j * LANES, LANES)
                    blk_b[i, sl] = blk_b[i, sl] + blk_a[i, sl]
                return 0
            lax.fori_loop(0, ROWS_BLK, addb, 0)
            pltpu.sync_copy(blk_b, tot_hbm.at[pl.ds(coff + rb, ROWS_BLK)])
            pltpu.sync_copy(blk_a, x_hbm.at[pl.ds(coff + rb, ROWS_BLK)])

            @pl.when(layer == LAYERS - 1)
            def _():
                def scb(i, _):
                    for j in range(DHALF // LANES):
                        sl = pl.ds(j * LANES, LANES)
                        blk_b[i, sl] = blk_b[i, sl] * inv
                    return 0
                lax.fori_loop(0, ROWS_BLK, scb, 0)
                pltpu.sync_copy(
                    blk_b,
                    out.at[pl.ds(1 + rb, ROWS_BLK), pl.ds(col0, DHALF)])
            return 0
        lax.fori_loop(0, NBLK, fold, 0)
        plsc.subcore_barrier()
        return 0
    lax.fori_loop(0, LAYERS, layer_body, 0)


_hyperconv = functools.partial(
    pl.kernel,
    out_type=jax.ShapeDtypeStruct((N + 1, D), jnp.float32),
    mesh=plsc.VectorSubcoreMesh(core_axis_name="c", subcore_axis_name="s"),
    compiler_params=pltpu.CompilerParams(use_tc_tiling_on_sc=False),
    scratch_types=[
        pltpu.HBM((NC * N, DHALF), jnp.float32),
        pltpu.HBM((NC * N, DHALF), jnp.float32),
        pltpu.VMEM_SHARED((N, DHALF), jnp.float32),
        pltpu.VMEM((3, GEDGES), jnp.int32),
        pltpu.VMEM((3, NBUF, CHUNK), jnp.int32),
        pltpu.VMEM((3, GEDGES), jnp.float32),
        pltpu.VMEM((2, NBUF, CHUNK, DHALF), jnp.float32),
        pltpu.VMEM((ROWS_BLK, DHALF), jnp.float32),
        pltpu.VMEM((ROWS_BLK, DHALF), jnp.float32),
        pltpu.SemaphoreType.DMA((3,)),
        pltpu.SemaphoreType.DMA((2, NBUF)),
        pltpu.SemaphoreType.DMA((2, NBUF)),
    ],
)(_body)


def kernel(edge_index, edge_values, embedding):
    return _hyperconv(edge_index, edge_values, embedding)

# --- scband reference (transcript-rebuilt; emitter-appended) ---
"""Pipeline reference for scband-hyper-conv-49263274885451 (READ-ONLY COPY).

The authoritative reference and input builder live on the scoring server;
editing this copy changes nothing except your own understanding.
"""

import jax, jax.numpy as jnp
import numpy as np

N = 10000
E = 320000
D = 128
LAYERS = 3


def setup_inputs(seed: int = 0) -> dict:
    key = jax.random.key(seed)
    k1, k2, k3 = jax.random.split(key, 3)
    # COO representation of the sparse adjacency D^-1 H B^-1 H^T (N x N, nnz=E)
    edge_index = jax.random.randint(k1, (2, E), 0, N, dtype=jnp.int32)
    # positive normalized weights, roughly 1/avg_degree scale
    edge_values = jax.random.uniform(k2, (E,), dtype=jnp.float32) / 32.0
    embedding = jax.random.normal(k3, (N, D), dtype=jnp.float32)
    return {"edge_index": edge_index, "edge_values": edge_values, "embedding": embedding}


def _spmm(edge_index, edge_values, x):
    # sparse @ dense: out[dst] += val * x[src]
    dst = edge_index[0]
    src = edge_index[1]
    msgs = edge_values[:, None] * jnp.take(x, src, axis=0)
    return jax.ops.segment_sum(msgs, dst, num_segments=N)


def reference(edge_index, edge_values, embedding):
    item_embeddings = embedding
    acc = item_embeddings
    for _ in range(LAYERS):
        item_embeddings = _spmm(edge_index, edge_values, item_embeddings)
        acc = acc + item_embeddings
    item_embeddings = acc / (LAYERS + 1)
    zero_row = jnp.zeros((1, D), dtype=item_embeddings.dtype)
    return jnp.concatenate([zero_row, item_embeddings], axis=0)

if __name__ == "__main__":
    import jax
    _d = setup_inputs()
    print(jax.jit(kernel)(*tuple(_d.values())))

</pallas_src>

<mosaic_0001>
#map = affine_map<(d0, d1) -> (0, 0)>
#map1 = affine_map<(d0, d1) -> (0)>
module attributes {stable_mosaic.version = 14 : i64} {
  func.func @_body(%arg0: i32, %arg1: i32, %arg2: memref<2x320000xi32, #tpu.memory_space<hbm>>, %arg3: memref<320000xf32, #tpu.memory_space<hbm>>, %arg4: memref<10000x128xf32, #tpu.memory_space<hbm>>, %arg5: memref<10001x128xf32, #tpu.memory_space<hbm>>, %arg6: memref<20000x64xf32, #tpu.memory_space<hbm>>, %arg7: memref<20000x64xf32, #tpu.memory_space<hbm>>, %arg8: memref<10000x64xf32, #tpu.memory_space<vmem_shared>>, %arg9: memref<3x400xi32, #tpu.memory_space<vmem>>, %arg10: memref<3x5x80xi32, #tpu.memory_space<vmem>>, %arg11: memref<3x400xf32, #tpu.memory_space<vmem>>, %arg12: memref<2x5x80x64xf32, #tpu.memory_space<vmem>>, %arg13: memref<125x64xf32, #tpu.memory_space<vmem>>, %arg14: memref<125x64xf32, #tpu.memory_space<vmem>>, %arg15: memref<3x!tpu.dma_semaphore, #tpu.memory_space<semaphore_mem>>, %arg16: memref<2x5x!tpu.dma_semaphore, #tpu.memory_space<semaphore_mem>>, %arg17: memref<2x5x!tpu.dma_semaphore, #tpu.memory_space<semaphore_mem>>) attributes {dimension_semantics = [#tpu.dimension_semantics<core_parallel>, #tpu.dimension_semantics<subcore_parallel>], iteration_bounds = array<i64: 2, 16>, scalar_prefetch = 0 : i64, scratch_operands = 12 : i64, tpu.core_type = #tpu.core_type<sc_vector_subcore>, window_params = [{transform_indices = #map}, {transform_indices = #map1}, {transform_indices = #map}, {transform_indices = #map}]} {
    %mul3A = arith.constant 625 : i32
    %mul3A_0 = arith.muli %arg1, %mul3A : i32
    %mul3A_1 = arith.constant 20000 : i32
    %mul3A_2 = arith.muli %arg1, %mul3A_1 : i32
    %mul3A_3 = arith.constant 64 : i32
    %mul3A_4 = arith.muli %arg0, %mul3A_3 : i32
    %mul3A_5 = arith.constant 10000 : i32
    %mul3A_6 = arith.muli %arg0, %mul3A_5 : i32
    %broadcast_in_dim3A = arith.constant 0.000000e+00 : f32
    %broadcast_in_dim3A_7 = vector.broadcast %broadcast_in_dim3A : f32 to vector<16xf32>
    %scan3A = arith.constant 0 : i32
    %scan3A_8 = arith.constant 0 : i32
    %scan3A_9 = arith.constant 5 : i32
    %scan3A_10 = arith.addi %scan3A_8, %scan3A_9 : i32
    %scan3A_11 = arith.constant 1 : i32
    %scan3A_12 = scf.for %scan3A_24 = %scan3A_8 to %scan3A_10 step %scan3A_11 iter_args(%scan3A_25 = %scan3A) -> (i32)  : i32 {
      %mul3A_26 = arith.constant 125 : i32
      %mul3A_27 = arith.muli %scan3A_24, %mul3A_26 : i32
      %add3A = arith.addi %mul3A_0, %mul3A_27 : i32
      "tpu.region"() ({
        %run_scoped3A = tpu.sem_alloc : memref<!tpu.dma_semaphore, #tpu.memory_space<semaphore_mem>>
        %dma_start3A = tpu.memref_slice %arg4[%add3A, %mul3A_4] : memref<10000x128xf32, #tpu.memory_space<hbm>> -> memref<125x64xf32, #tpu.memory_space<hbm>>
        %dma_start3A_31 = tpu.memref_slice %arg4[%add3A, %mul3A_4] : memref<10000x128xf32, #tpu.memory_space<hbm>> -> memref<125x64xf32, #tpu.memory_space<hbm>>
        tpu.enqueue_dma source(%dma_start3A_31 : memref<125x64xf32, #tpu.memory_space<hbm>>) target(%arg13 : memref<125x64xf32, #tpu.memory_space<vmem>>) target_semaphore(%run_scoped3A : memref<!tpu.dma_semaphore, #tpu.memory_space<semaphore_mem>>)
        %dma_wait3A = tpu.memref_slice %arg4[%add3A, %mul3A_4] : memref<10000x128xf32, #tpu.memory_space<hbm>> -> memref<125x64xf32, #tpu.memory_space<hbm>>
        %dma_wait3A_32 = tpu.memref_slice %arg4[%add3A, %mul3A_4] : memref<10000x128xf32, #tpu.memory_space<hbm>> -> memref<125x64xf32, #tpu.memory_space<hbm>>
        tpu.wait_dma2 semaphore(%run_scoped3A : memref<!tpu.dma_semaphore, #tpu.memory_space<semaphore_mem>>) src(%dma_wait3A_32 : memref<125x64xf32, #tpu.memory_space<hbm>>) dst(%arg13 : memref<125x64xf32, #tpu.memory_space<vmem>>)
        tpu.yield
      }) : () -> ()
      %add3A_28 = arith.addi %mul3A_6, %add3A : i32
      "tpu.region"() ({
        %run_scoped3A = tpu.sem_alloc : memref<!tpu.dma_semaphore, #tpu.memory_space<semaphore_mem>>
        %dma_start3A = arith.constant 0 : i32
        %dma_start3A_31 = tpu.memref_slice %arg7[%add3A_28, %dma_start3A] : memref<20000x64xf32, #tpu.memory_space<hbm>> -> memref<125x64xf32, #tpu.memory_space<hbm>>
        %dma_start3A_32 = arith.constant 0 : i32
        %dma_start3A_33 = tpu.memref_slice %arg7[%add3A_28, %dma_start3A_32] : memref<20000x64xf32, #tpu.memory_space<hbm>> -> memref<125x64xf32, #tpu.memory_space<hbm>>
        tpu.enqueue_dma source(%arg13 : memref<125x64xf32, #tpu.memory_space<vmem>>) target(%dma_start3A_33 : memref<125x64xf32, #tpu.memory_space<hbm>>) target_semaphore(%run_scoped3A : memref<!tpu.dma_semaphore, #tpu.memory_space<semaphore_mem>>)
        %dma_wait3A = arith.constant 0 : i32
        %dma_wait3A_34 = tpu.memref_slice %arg7[%add3A_28, %dma_wait3A] : memref<20000x64xf32, #tpu.memory_space<hbm>> -> memref<125x64xf32, #tpu.memory_space<hbm>>
        %dma_wait3A_35 = arith.constant 0 : i32
        %dma_wait3A_36 = tpu.memref_slice %arg7[%add3A_28, %dma_wait3A_35] : memref<20000x64xf32, #tpu.memory_space<hbm>> -> memref<125x64xf32, #tpu.memory_space<hbm>>
        tpu.wait_dma2 semaphore(%run_scoped3A : memref<!tpu.dma_semaphore, #tpu.memory_space<semaphore_mem>>) src(%arg13 : memref<125x64xf32, #tpu.memory_space<vmem>>) dst(%dma_wait3A_36 : memref<125x64xf32, #tpu.memory_space<hbm>>)
        tpu.yield
      }) : () -> ()
      %add3A_29 = arith.addi %mul3A_6, %add3A : i32
      "tpu.region"() ({
        %run_scoped3A = tpu.sem_alloc : memref<!tpu.dma_semaphore, #tpu.memory_space<semaphore_mem>>
        %dma_start3A = arith.constant 0 : i32
        %dma_start3A_31 = tpu.memref_slice %arg6[%add3A_29, %dma_start3A] : memref<20000x64xf32, #tpu.memory_space<hbm>> -> memref<125x64xf32, #tpu.memory_space<hbm>>
        %dma_start3A_32 = arith.constant 0 : i32
        %dma_start3A_33 = tpu.memref_slice %arg6[%add3A_29, %dma_start3A_32] : memref<20000x64xf32, #tpu.memory_space<hbm>> -> memref<125x64xf32, #tpu.memory_space<hbm>>
        tpu.enqueue_dma source(%arg13 : memref<125x64xf32, #tpu.memory_space<vmem>>) target(%dma_start3A_33 : memref<125x64xf32, #tpu.memory_space<hbm>>) target_semaphore(%run_scoped3A : memref<!tpu.dma_semaphore, #tpu.memory_space<semaphore_mem>>)
        %dma_wait3A = arith.constant 0 : i32
        %dma_wait3A_34 = tpu.memref_slice %arg6[%add3A_29, %dma_wait3A] : memref<20000x64xf32, #tpu.memory_space<hbm>> -> memref<125x64xf32, #tpu.memory_space<hbm>>
        %dma_wait3A_35 = arith.constant 0 : i32
        %dma_wait3A_36 = tpu.memref_slice %arg6[%add3A_29, %dma_wait3A_35] : memref<20000x64xf32, #tpu.memory_space<hbm>> -> memref<125x64xf32, #tpu.memory_space<hbm>>
        tpu.wait_dma2 semaphore(%run_scoped3A : memref<!tpu.dma_semaphore, #tpu.memory_space<semaphore_mem>>) src(%arg13 : memref<125x64xf32, #tpu.memory_space<vmem>>) dst(%dma_wait3A_36 : memref<125x64xf32, #tpu.memory_space<hbm>>)
        tpu.yield
      }) : () -> ()
      %scan3A_30 = arith.constant 0 : i32
      scf.yield %scan3A_30 : i32
    }
    %scan3A_13 = arith.constant 5 : i32
    %eq3A = arith.constant 0 : i32
    %eq3A_14 = arith.cmpi eq, %arg1, %eq3A : i32
    %convert_element_type3A = arith.extui %eq3A_14 : i1 to i32
    %cond3A = arith.constant 0 : i32
    %cond3A_15 = arith.cmpi ne, %convert_element_type3A, %cond3A : i32
    scf.if %cond3A_15 {
      %swap3A = arith.constant 0 : i32
      %swap3A_24 = arith.index_cast %swap3A : i32 to index
      %swap3A_25 = arith.constant 0 : index
      %swap3A_26 = tpu.vector_load %arg14[%swap3A_24, %swap3A_25] {strides = array<i32>} : memref<125x64xf32, #tpu.memory_space<vmem>>, vector<1x16xf32>,
      %swap3A_27 = vector.shape_cast %swap3A_26 : vector<1x16xf32> to vector<16xf32>
      %swap3A_28 = vector.shape_cast %broadcast_in_dim3A_7 : vector<16xf32> to vector<1x16xf32>
      tpu.vector_store %arg14[%swap3A_24, %swap3A_25], %swap3A_28 {strides = array<i32>} : memref<125x64xf32, #tpu.memory_space<vmem>>, vector<1x16xf32>,
      %swap3A_29 = arith.constant 0 : i32
      %swap3A_30 = arith.index_cast %swap3A_29 : i32 to index
      %swap3A_31 = arith.constant 16 : index
      %swap3A_32 = tpu.vector_load %arg14[%swap3A_30, %swap3A_31] {strides = array<i32>} : memref<125x64xf32, #tpu.memory_space<vmem>>, vector<1x16xf32>,
      %swap3A_33 = vector.shape_cast %swap3A_32 : vector<1x16xf32> to vector<16xf32>
      %swap3A_34 = vector.shape_cast %broadcast_in_dim3A_7 : vector<16xf32> to vector<1x16xf32>
      tpu.vector_store %arg14[%swap3A_30, %swap3A_31], %swap3A_34 {strides = array<i32>} : memref<125x64xf32, #tpu.memory_space<vmem>>, vector<1x16xf32>,
      %swap3A_35 = arith.constant 0 : i32
      %swap3A_36 = arith.index_cast %swap3A_35 : i32 to index
      %swap3A_37 = arith.constant 32 : index
      %swap3A_38 = tpu.vector_load %arg14[%swap3A_36, %swap3A_37] {strides = array<i32>} : memref<125x64xf32, #tpu.memory_space<vmem>>, vector<1x16xf32>,
      %swap3A_39 = vector.shape_cast %swap3A_38 : vector<1x16xf32> to vector<16xf32>
      %swap3A_40 = vector.shape_cast %broadcast_in_dim3A_7 : vector<16xf32> to vector<1x16xf32>
      tpu.vector_store %arg14[%swap3A_36, %swap3A_37], %swap3A_40 {strides = array<i32>} : memref<125x64xf32, #tpu.memory_space<vmem>>, vector<1x16xf32>,
      %swap3A_41 = arith.constant 0 : i32
      %swap3A_42 = arith.index_cast %swap3A_41 : i32 to index
      %swap3A_43 = arith.constant 48 : index
      %swap3A_44 = tpu.vector_load %arg14[%swap3A_42, %swap3A_43] {strides = array<i32>} : memref<125x64xf32, #tpu.memory_space<vmem>>, vector<1x16xf32>,
      %swap3A_45 = vector.shape_cast %swap3A_44 : vector<1x16xf32> to vector<16xf32>
      %swap3A_46 = vector.shape_cast %broadcast_in_dim3A_7 : vector<16xf32> to vector<1x16xf32>
      tpu.vector_store %arg14[%swap3A_42, %swap3A_43], %swap3A_46 {strides = array<i32>} : memref<125x64xf32, #tpu.memory_space<vmem>>, vector<1x16xf32>,
      %run_scoped3A = arith.constant 0 : i32
      %run_scoped3A_47 = arith.constant 0 : i32
      "tpu.region"() ({
        %run_scoped3A_48 = tpu.sem_alloc : memref<!tpu.dma_semaphore, #tpu.memory_space<semaphore_mem>>
        %dma_start3A = arith.constant 0 : i32
        %dma_start3A_49 = tpu.memref_slice %arg14[%run_scoped3A, %dma_start3A] : memref<125x64xf32, #tpu.memory_space<vmem>> -> memref<1x64xf32, #tpu.memory_space<vmem>>
        %dma_start3A_50 = tpu.memref_squeeze %dma_start3A_49 : memref<1x64xf32, #tpu.memory_space<vmem>> -> memref<64xf32, #tpu.memory_space<vmem>>
        %dma_start3A_51 = tpu.memref_slice %arg5[%run_scoped3A_47, %mul3A_4] : memref<10001x128xf32, #tpu.memory_space<hbm>> -> memref<1x64xf32, #tpu.memory_space<hbm>>
        %dma_start3A_52 = tpu.memref_squeeze %dma_start3A_51 : memref<1x64xf32, #tpu.memory_space<hbm>> -> memref<64xf32, #tpu.memory_space<hbm>>
        %dma_start3A_53 = tpu.memref_slice %arg5[%run_scoped3A_47, %mul3A_4] : memref<10001x128xf32, #tpu.memory_space<hbm>> -> memref<1x64xf32, #tpu.memory_space<hbm>>
        %dma_start3A_54 = tpu.memref_squeeze %dma_start3A_53 : memref<1x64xf32, #tpu.memory_space<hbm>> -> memref<64xf32, #tpu.memory_space<hbm>>
        %dma_start3A_55 = arith.constant 0 : i32
        %dma_start3A_56 = tpu.memref_slice %arg14[%run_scoped3A, %dma_start3A_55] : memref<125x64xf32, #tpu.memory_space<vmem>> -> memref<1x64xf32, #tpu.memory_space<vmem>>
        %dma_start3A_57 = tpu.memref_squeeze %dma_start3A_56 : memref<1x64xf32, #tpu.memory_space<vmem>> -> memref<64xf32, #tpu.memory_space<vmem>>
        tpu.enqueue_dma source(%dma_start3A_57 : memref<64xf32, #tpu.memory_space<vmem>>) target(%dma_start3A_54 : memref<64xf32, #tpu.memory_space<hbm>>) target_semaphore(%run_scoped3A_48 : memref<!tpu.dma_semaphore, #tpu.memory_space<semaphore_mem>>)
        %dma_wait3A = arith.constant 0 : i32
        %dma_wait3A_58 = tpu.memref_slice %arg14[%run_scoped3A, %dma_wait3A] : memref<125x64xf32, #tpu.memory_space<vmem>> -> memref<1x64xf32, #tpu.memory_space<vmem>>
        %dma_wait3A_59 = tpu.memref_squeeze %dma_wait3A_58 : memref<1x64xf32, #tpu.memory_space<vmem>> -> memref<64xf32, #tpu.memory_space<vmem>>
        %dma_wait3A_60 = tpu.memref_slice %arg5[%run_scoped3A_47, %mul3A_4] : memref<10001x128xf32, #tpu.memory_space<hbm>> -> memref<1x64xf32, #tpu.memory_space<hbm>>
        %dma_wait3A_61 = tpu.memref_squeeze %dma_wait3A_60 : memref<1x64xf32, #tpu.memory_space<hbm>> -> memref<64xf32, #tpu.memory_space<hbm>>
        %dma_wait3A_62 = tpu.memref_slice %arg5[%run_scoped3A_47, %mul3A_4] : memref<10001x128xf32, #tpu.memory_space<hbm>> -> memref<1x64xf32, #tpu.memory_space<hbm>>
        %dma_wait3A_63 = tpu.memref_squeeze %dma_wait3A_62 : memref<1x64xf32, #tpu.memory_space<hbm>> -> memref<64xf32, #tpu.memory_space<hbm>>
        %dma_wait3A_64 = arith.constant 0 : i32
        %dma_wait3A_65 = tpu.memref_slice %arg14[%run_scoped3A, %dma_wait3A_64] : memref<125x64xf32, #tpu.memory_space<vmem>> -> memref<1x64xf32, #tpu.memory_space<vmem>>
        %dma_wait3A_66 = tpu.memref_squeeze %dma_wait3A_65 : memref<1x64xf32, #tpu.memory_space<vmem>> -> memref<64xf32, #tpu.memory_space<vmem>>
        tpu.wait_dma2 semaphore(%run_scoped3A_48 : memref<!tpu.dma_semaphore, #tpu.memory_space<semaphore_mem>>) src(%dma_wait3A_66 : memref<64xf32, #tpu.memory_space<vmem>>) dst(%dma_wait3A_63 : memref<64xf32, #tpu.memory_space<hbm>>)
        tpu.yield
      }) : () -> ()
    } else {
    }
    %scan3A_16 = arith.constant 2.500000e-01 : f32
    %scan3A_17 = arith.constant 0 : i32
    %scan3A_18 = arith.constant 0 : i32
    %scan3A_19 = arith.constant 3 : i32
    %scan3A_20 = arith.addi %scan3A_18, %scan3A_19 : i32
    %scan3A_21 = arith.constant 1 : i32
    %scan3A_22 = scf.for %scan3A_24 = %scan3A_18 to %scan3A_20 step %scan3A_21 iter_args(%scan3A_25 = %scan3A_17) -> (i32)  : i32 {
      %scan3A_26 = arith.constant 0 : i32
      %scan3A_27 = arith.constant 0 : i32
      %scan3A_28 = arith.constant 125 : i32
      %scan3A_29 = arith.addi %scan3A_27, %scan3A_28 : i32
      %scan3A_30 = arith.constant 1 : i32
      %scan3A_31 = scf.for %scan3A_445 = %scan3A_27 to %scan3A_29 step %scan3A_30 iter_args(%scan3A_446 = %scan3A_26) -> (i32)  : i32 {
        %swap3A_447 = arith.index_cast %scan3A_445 : i32 to index
        %swap3A_448 = arith.constant 0 : index
        %swap3A_449 = tpu.vector_load %arg14[%swap3A_447, %swap3A_448] {strides = array<i32>} : memref<125x64xf32, #tpu.memory_space<vmem>>, vector<1x16xf32>,
        %swap3A_450 = vector.shape_cast %swap3A_449 : vector<1x16xf32> to vector<16xf32>
        %swap3A_451 = vector.shape_cast %broadcast_in_dim3A_7 : vector<16xf32> to vector<1x16xf32>
        tpu.vector_store %arg14[%swap3A_447, %swap3A_448], %swap3A_451 {strides = array<i32>} : memref<125x64xf32, #tpu.memory_space<vmem>>, vector<1x16xf32>,
        %swap3A_452 = arith.index_cast %scan3A_445 : i32 to index
        %swap3A_453 = arith.constant 16 : index
        %swap3A_454 = tpu.vector_load %arg14[%swap3A_452, %swap3A_453] {strides = array<i32>} : memref<125x64xf32, #tpu.memory_space<vmem>>, vector<1x16xf32>,
        %swap3A_455 = vector.shape_cast %swap3A_454 : vector<1x16xf32> to vector<16xf32>
        %swap3A_456 = vector.shape_cast %broadcast_in_dim3A_7 : vector<16xf32> to vector<1x16xf32>
        tpu.vector_store %arg14[%swap3A_452, %swap3A_453], %swap3A_456 {strides = array<i32>} : memref<125x64xf32, #tpu.memory_space<vmem>>, vector<1x16xf32>,
        %swap3A_457 = arith.index_cast %scan3A_445 : i32 to index
        %swap3A_458 = arith.constant 32 : index
        %swap3A_459 = tpu.vector_load %arg14[%swap3A_457, %swap3A_458] {strides = array<i32>} : memref<125x64xf32, #tpu.memory_space<vmem>>, vector<1x16xf32>,
        %swap3A_460 = vector.shape_cast %swap3A_459 : vector<1x16xf32> to vector<16xf32>
        %swap3A_461 = vector.shape_cast %broadcast_in_dim3A_7 : vector<16xf32> to vector<1x16xf32>
        tpu.vector_store %arg14[%swap3A_457, %swap3A_458], %swap3A_461 {strides = array<i32>} : memref<125x64xf32, #tpu.memory_space<vmem>>, vector<1x16xf32>,
        %swap3A_462 = arith.index_cast %scan3A_445 : i32 to index
        %swap3A_463 = arith.constant 48 : index
        %swap3A_464 = tpu.vector_load %arg14[%swap3A_462, %swap3A_463] {strides = array<i32>} : memref<125x64xf32, #tpu.memory_space<vmem>>, vector<1x16xf32>,
        %swap3A_465 = vector.shape_cast %swap3A_464 : vector<1x16xf32> to vector<16xf32>
        %swap3A_466 = vector.shape_cast %broadcast_in_dim3A_7 : vector<16xf32> to vector<1x16xf32>
        tpu.vector_store %arg14[%swap3A_462, %swap3A_463], %swap3A_466 {strides = array<i32>} : memref<125x64xf32, #tpu.memory_space<vmem>>, vector<1x16xf32>,
        %scan3A_467 = arith.constant 0 : i32
        scf.yield %scan3A_467 : i32
      }
      %scan3A_32 = arith.constant 125 : i32
      %scan3A_33 = arith.constant 0 : i32
      %scan3A_34 = arith.constant 0 : i32
      %scan3A_35 = arith.constant 5 : i32
      %scan3A_36 = arith.addi %scan3A_34, %scan3A_35 : i32
      %scan3A_37 = arith.constant 1 : i32
      %scan3A_38 = scf.for %scan3A_445 = %scan3A_34 to %scan3A_36 step %scan3A_37 iter_args(%scan3A_446 = %scan3A_33) -> (i32)  : i32 {
        %mul3A_447 = arith.constant 125 : i32
        %mul3A_448 = arith.muli %scan3A_445, %mul3A_447 : i32
        %add3A_449 = arith.addi %mul3A_0, %mul3A_448 : i32
        "tpu.region"() ({
          %run_scoped3A = tpu.sem_alloc : memref<!tpu.dma_semaphore, #tpu.memory_space<semaphore_mem>>
          %dma_start3A_451 = arith.constant 0 : i32
          %dma_start3A_452 = tpu.memref_slice %arg8[%add3A_449, %dma_start3A_451] : memref<10000x64xf32, #tpu.memory_space<vmem_shared>> -> memref<125x64xf32, #tpu.memory_space<vmem_shared>>
          %dma_start3A_453 = arith.constant 0 : i32
          %dma_start3A_454 = tpu.memref_slice %arg8[%add3A_449, %dma_start3A_453] : memref<10000x64xf32, #tpu.memory_space<vmem_shared>> -> memref<125x64xf32, #tpu.memory_space<vmem_shared>>
          tpu.enqueue_dma source(%arg14 : memref<125x64xf32, #tpu.memory_space<vmem>>) target(%dma_start3A_454 : memref<125x64xf32, #tpu.memory_space<vmem_shared>>) target_semaphore(%run_scoped3A : memref<!tpu.dma_semaphore, #tpu.memory_space<semaphore_mem>>)
          %dma_wait3A_455 = arith.constant 0 : i32
          %dma_wait3A_456 = tpu.memref_slice %arg8[%add3A_449, %dma_wait3A_455] : memref<10000x64xf32, #tpu.memory_space<vmem_shared>> -> memref<125x64xf32, #tpu.memory_space<vmem_shared>>
          %dma_wait3A_457 = arith.constant 0 : i32
          %dma_wait3A_458 = tpu.memref_slice %arg8[%add3A_449, %dma_wait3A_457] : memref<10000x64xf32, #tpu.memory_space<vmem_shared>> -> memref<125x64xf32, #tpu.memory_space<vmem_shared>>
          tpu.wait_dma2 semaphore(%run_scoped3A : memref<!tpu.dma_semaphore, #tpu.memory_space<semaphore_mem>>) src(%arg14 : memref<125x64xf32, #tpu.memory_space<vmem>>) dst(%dma_wait3A_458 : memref<125x64xf32, #tpu.memory_space<vmem_shared>>)
          tpu.yield
        }) : () -> ()
        %scan3A_450 = arith.constant 0 : i32
        scf.yield %scan3A_450 : i32
      }
      %scan3A_39 = arith.constant 5 : i32
      %barrier3A = arith.constant 0 : index
      tpu.barrier barrier_id(%barrier3A)
      %rem3A = arith.constant 0 : i32
      %rem3A_40 = arith.constant 3 : i32
      %rem3A_41 = arith.remsi %rem3A, %rem3A_40 : i32
      %add3A = arith.constant 0 : i32
      %add3A_42 = arith.addi %mul3A_2, %add3A : i32
      %dma_start3A = arith.constant 1 : i32
      %dma_start3A_43 = arith.constant 0 : i32
      %dma_start3A_44 = tpu.memref_slice %arg9[%rem3A_41, %dma_start3A_43] : memref<3x400xi32, #tpu.memory_space<vmem>> -> memref<1x400xi32, #tpu.memory_space<vmem>>
      %dma_start3A_45 = tpu.memref_squeeze %dma_start3A_44 : memref<1x400xi32, #tpu.memory_space<vmem>> -> memref<400xi32, #tpu.memory_space<vmem>>
      %dma_start3A_46 = tpu.memref_slice %arg2[%dma_start3A, %add3A_42] : memref<2x320000xi32, #tpu.memory_space<hbm>> -> memref<1x400xi32, #tpu.memory_space<hbm>>
      %dma_start3A_47 = tpu.memref_squeeze %dma_start3A_46 : memref<1x400xi32, #tpu.memory_space<hbm>> -> memref<400xi32, #tpu.memory_space<hbm>>
      %dma_start3A_48 = tpu.memref_slice %arg15[%rem3A_41] : memref<3x!tpu.dma_semaphore, #tpu.memory_space<semaphore_mem>> -> memref<1x!tpu.dma_semaphore, #tpu.memory_space<semaphore_mem>>
      %dma_start3A_49 = tpu.memref_squeeze %dma_start3A_48 : memref<1x!tpu.dma_semaphore, #tpu.memory_space<semaphore_mem>> -> memref<!tpu.dma_semaphore, #tpu.memory_space<semaphore_mem>>
      %dma_start3A_50 = arith.constant 0 : i32
      %dma_start3A_51 = tpu.memref_slice %arg9[%rem3A_41, %dma_start3A_50] : memref<3x400xi32, #tpu.memory_space<vmem>> -> memref<1x400xi32, #tpu.memory_space<vmem>>
      %dma_start3A_52 = tpu.memref_squeeze %dma_start3A_51 : memref<1x400xi32, #tpu.memory_space<vmem>> -> memref<400xi32, #tpu.memory_space<vmem>>
      %dma_start3A_53 = tpu.memref_slice %arg2[%dma_start3A, %add3A_42] : memref<2x320000xi32, #tpu.memory_space<hbm>> -> memref<1x400xi32, #tpu.memory_space<hbm>>
      %dma_start3A_54 = tpu.memref_squeeze %dma_start3A_53 : memref<1x400xi32, #tpu.memory_space<hbm>> -> memref<400xi32, #tpu.memory_space<hbm>>
      tpu.enqueue_dma source(%dma_start3A_54 : memref<400xi32, #tpu.memory_space<hbm>>) target(%dma_start3A_52 : memref<400xi32, #tpu.memory_space<vmem>>) target_semaphore(%dma_start3A_49 : memref<!tpu.dma_semaphore, #tpu.memory_space<semaphore_mem>>)
      %scan3A_55 = arith.constant 0 : i32
      %scan3A_56 = arith.constant 0 : i32
      %scan3A_57 = arith.constant 5 : i32
      %scan3A_58 = arith.addi %scan3A_56, %scan3A_57 : i32
      %scan3A_59 = arith.constant 1 : i32
      %scan3A_60 = scf.for %scan3A_445 = %scan3A_56 to %scan3A_58 step %scan3A_59 iter_args(%scan3A_446 = %scan3A_55) -> (i32)  : i32 {
        %mul3A_447 = arith.constant 80 : i32
        %mul3A_448 = arith.muli %scan3A_445, %mul3A_447 : i32
        %add3A_449 = arith.addi %add3A_42, %mul3A_448 : i32
        %dma_start3A_450 = arith.constant 0 : i32
        %dma_start3A_451 = arith.constant 0 : i32
        %dma_start3A_452 = tpu.memref_slice %arg10[%rem3A_41, %scan3A_445, %dma_start3A_451] : memref<3x5x80xi32, #tpu.memory_space<vmem>> -> memref<1x1x80xi32, #tpu.memory_space<vmem>>
        %dma_start3A_453 = tpu.memref_squeeze %dma_start3A_452 : memref<1x1x80xi32, #tpu.memory_space<vmem>> -> memref<80xi32, #tpu.memory_space<vmem>>
        %dma_start3A_454 = tpu.memref_slice %arg2[%dma_start3A_450, %add3A_449] : memref<2x320000xi32, #tpu.memory_space<hbm>> -> memref<1x80xi32, #tpu.memory_space<hbm>>
        %dma_start3A_455 = tpu.memref_squeeze %dma_start3A_454 : memref<1x80xi32, #tpu.memory_space<hbm>> -> memref<80xi32, #tpu.memory_space<hbm>>
        %dma_start3A_456 = tpu.memref_slice %arg15[%rem3A_41] : memref<3x!tpu.dma_semaphore, #tpu.memory_space<semaphore_mem>> -> memref<1x!tpu.dma_semaphore, #tpu.memory_space<semaphore_mem>>
        %dma_start3A_457 = tpu.memref_squeeze %dma_start3A_456 : memref<1x!tpu.dma_semaphore, #tpu.memory_space<semaphore_mem>> -> memref<!tpu.dma_semaphore, #tpu.memory_space<semaphore_mem>>
        %dma_start3A_458 = arith.constant 0 : i32
        %dma_start3A_459 = tpu.memref_slice %arg10[%rem3A_41, %scan3A_445, %dma_start3A_458] : memref<3x5x80xi32, #tpu.memory_space<vmem>> -> memref<1x1x80xi32, #tpu.memory_space<vmem>>
        %dma_start3A_460 = tpu.memref_squeeze %dma_start3A_459 : memref<1x1x80xi32, #tpu.memory_space<vmem>> -> memref<80xi32, #tpu.memory_space<vmem>>
        %dma_start3A_461 = tpu.memref_slice %arg2[%dma_start3A_450, %add3A_449] : memref<2x320000xi32, #tpu.memory_space<hbm>> -> memref<1x80xi32, #tpu.memory_space<hbm>>
        %dma_start3A_462 = tpu.memref_squeeze %dma_start3A_461 : memref<1x80xi32, #tpu.memory_space<hbm>> -> memref<80xi32, #tpu.memory_space<hbm>>
        tpu.enqueue_dma source(%dma_start3A_462 : memref<80xi32, #tpu.memory_space<hbm>>) target(%dma_start3A_460 : memref<80xi32, #tpu.memory_space<vmem>>) target_semaphore(%dma_start3A_457 : memref<!tpu.dma_semaphore, #tpu.memory_space<semaphore_mem>>)
        %scan3A_463 = arith.constant 0 : i32
        scf.yield %scan3A_463 : i32
      }
      %scan3A_61 = arith.constant 5 : i32
      %dma_start3A_62 = arith.constant 0 : i32
      %dma_start3A_63 = tpu.memref_slice %arg11[%rem3A_41, %dma_start3A_62] : memref<3x400xf32, #tpu.memory_space<vmem>> -> memref<1x400xf32, #tpu.memory_space<vmem>>
      %dma_start3A_64 = tpu.memref_squeeze %dma_start3A_63 : memref<1x400xf32, #tpu.memory_space<vmem>> -> memref<400xf32, #tpu.memory_space<vmem>>
      %dma_start3A_65 = tpu.memref_slice %arg3[%add3A_42] : memref<320000xf32, #tpu.memory_space<hbm>> -> memref<400xf32, #tpu.memory_space<hbm>>
      %dma_start3A_66 = tpu.memref_slice %arg15[%rem3A_41] : memref<3x!tpu.dma_semaphore, #tpu.memory_space<semaphore_mem>> -> memref<1x!tpu.dma_semaphore, #tpu.memory_space<semaphore_mem>>
      %dma_start3A_67 = tpu.memref_squeeze %dma_start3A_66 : memref<1x!tpu.dma_semaphore, #tpu.memory_space<semaphore_mem>> -> memref<!tpu.dma_semaphore, #tpu.memory_space<semaphore_mem>>
      %dma_start3A_68 = arith.constant 0 : i32
      %dma_start3A_69 = tpu.memref_slice %arg11[%rem3A_41, %dma_start3A_68] : memref<3x400xf32, #tpu.memory_space<vmem>> -> memref<1x400xf32, #tpu.memory_space<vmem>>
      %dma_start3A_70 = tpu.memref_squeeze %dma_start3A_69 : memref<1x400xf32, #tpu.memory_space<vmem>> -> memref<400xf32, #tpu.memory_space<vmem>>
      %dma_start3A_71 = tpu.memref_slice %arg3[%add3A_42] : memref<320000xf32, #tpu.memory_space<hbm>> -> memref<400xf32, #tpu.memory_space<hbm>>
      tpu.enqueue_dma source(%dma_start3A_71 : memref<400xf32, #tpu.memory_space<hbm>>) target(%dma_start3A_70 : memref<400xf32, #tpu.memory_space<vmem>>) target_semaphore(%dma_start3A_67 : memref<!tpu.dma_semaphore, #tpu.memory_space<semaphore_mem>>)
      %rem3A_72 = arith.constant 1 : i32
      %rem3A_73 = arith.constant 3 : i32
      %rem3A_74 = arith.remsi %rem3A_72, %rem3A_73 : i32
      %add3A_75 = arith.constant 400 : i32
      %add3A_76 = arith.addi %mul3A_2, %add3A_75 : i32
      %dma_start3A_77 = arith.constant 1 : i32
      %dma_start3A_78 = arith.constant 0 : i32
      %dma_start3A_79 = tpu.memref_slice %arg9[%rem3A_74, %dma_start3A_78] : memref<3x400xi32, #tpu.memory_space<vmem>> -> memref<1x400xi32, #tpu.memory_space<vmem>>
      %dma_start3A_80 = tpu.memref_squeeze %dma_start3A_79 : memref<1x400xi32, #tpu.memory_space<vmem>> -> memref<400xi32, #tpu.memory_space<vmem>>
      %dma_start3A_81 = tpu.memref_slice %arg2[%dma_start3A_77, %add3A_76] : memref<2x320000xi32, #tpu.memory_space<hbm>> -> memref<1x400xi32, #tpu.memory_space<hbm>>
      %dma_start3A_82 = tpu.memref_squeeze %dma_start3A_81 : memref<1x400xi32, #tpu.memory_space<hbm>> -> memref<400xi32, #tpu.memory_space<hbm>>
      %dma_start3A_83 = tpu.memref_slice %arg15[%rem3A_74] : memref<3x!tpu.dma_semaphore, #tpu.memory_space<semaphore_mem>> -> memref<1x!tpu.dma_semaphore, #tpu.memory_space<semaphore_mem>>
      %dma_start3A_84 = tpu.memref_squeeze %dma_start3A_83 : memref<1x!tpu.dma_semaphore, #tpu.memory_space<semaphore_mem>> -> memref<!tpu.dma_semaphore, #tpu.memory_space<semaphore_mem>>
      %dma_start3A_85 = arith.constant 0 : i32
      %dma_start3A_86 = tpu.memref_slice %arg9[%rem3A_74, %dma_start3A_85] : memref<3x400xi32, #tpu.memory_space<vmem>> -> memref<1x400xi32, #tpu.memory_space<vmem>>
      %dma_start3A_87 = tpu.memref_squeeze %dma_start3A_86 : memref<1x400xi32, #tpu.memory_space<vmem>> -> memref<400xi32, #tpu.memory_space<vmem>>
      %dma_start3A_88 = tpu.memref_slice %arg2[%dma_start3A_77, %add3A_76] : memref<2x320000xi32, #tpu.memory_space<hbm>> -> memref<1x400xi32, #tpu.memory_space<hbm>>
      %dma_start3A_89 = tpu.memref_squeeze %dma_start3A_88 : memref<1x400xi32, #tpu.memory_space<hbm>> -> memref<400xi32, #tpu.memory_space<hbm>>
      tpu.enqueue_dma source(%dma_start3A_89 : memref<400xi32, #tpu.memory_space<hbm>>) target(%dma_start3A_87 : memref<400xi32, #tpu.memory_space<vmem>>) target_semaphore(%dma_start3A_84 : memref<!tpu.dma_semaphore, #tpu.memory_space<semaphore_mem>>)
      %scan3A_90 = arith.constant 0 : i32
      %scan3A_91 = arith.constant 0 : i32
      %scan3A_92 = arith.constant 5 : i32
      %scan3A_93 = arith.addi %scan3A_91, %scan3A_92 : i32
      %scan3A_94 = arith.constant 1 : i32
      %scan3A_95 = scf.for %scan3A_445 = %scan3A_91 to %scan3A_93 step %scan3A_94 iter_args(%scan3A_446 = %scan3A_90) -> (i32)  : i32 {
        %mul3A_447 = arith.constant 80 : i32
        %mul3A_448 = arith.muli %scan3A_445, %mul3A_447 : i32
        %add3A_449 = arith.addi %add3A_76, %mul3A_448 : i32
        %dma_start3A_450 = arith.constant 0 : i32
        %dma_start3A_451 = arith.constant 0 : i32
        %dma_start3A_452 = tpu.memref_slice %arg10[%rem3A_74, %scan3A_445, %dma_start3A_451] : memref<3x5x80xi32, #tpu.memory_space<vmem>> -> memref<1x1x80xi32, #tpu.memory_space<vmem>>
        %dma_start3A_453 = tpu.memref_squeeze %dma_start3A_452 : memref<1x1x80xi32, #tpu.memory_space<vmem>> -> memref<80xi32, #tpu.memory_space<vmem>>
        %dma_start3A_454 = tpu.memref_slice %arg2[%dma_start3A_450, %add3A_449] : memref<2x320000xi32, #tpu.memory_space<hbm>> -> memref<1x80xi32, #tpu.memory_space<hbm>>
        %dma_start3A_455 = tpu.memref_squeeze %dma_start3A_454 : memref<1x80xi32, #tpu.memory_space<hbm>> -> memref<80xi32, #tpu.memory_space<hbm>>
        %dma_start3A_456 = tpu.memref_slice %arg15[%rem3A_74] : memref<3x!tpu.dma_semaphore, #tpu.memory_space<semaphore_mem>> -> memref<1x!tpu.dma_semaphore, #tpu.memory_space<semaphore_mem>>
        %dma_start3A_457 = tpu.memref_squeeze %dma_start3A_456 : memref<1x!tpu.dma_semaphore, #tpu.memory_space<semaphore_mem>> -> memref<!tpu.dma_semaphore, #tpu.memory_space<semaphore_mem>>
        %dma_start3A_458 = arith.constant 0 : i32
        %dma_start3A_459 = tpu.memref_slice %arg10[%rem3A_74, %scan3A_445, %dma_start3A_458] : memref<3x5x80xi32, #tpu.memory_space<vmem>> -> memref<1x1x80xi32, #tpu.memory_space<vmem>>
        %dma_start3A_460 = tpu.memref_squeeze %dma_start3A_459 : memref<1x1x80xi32, #tpu.memory_space<vmem>> -> memref<80xi32, #tpu.memory_space<vmem>>
        %dma_start3A_461 = tpu.memref_slice %arg2[%dma_start3A_450, %add3A_449] : memref<2x320000xi32, #tpu.memory_space<hbm>> -> memref<1x80xi32, #tpu.memory_space<hbm>>
        %dma_start3A_462 = tpu.memref_squeeze %dma_start3A_461 : memref<1x80xi32, #tpu.memory_space<hbm>> -> memref<80xi32, #tpu.memory_space<hbm>>
        tpu.enqueue_dma source(%dma_start3A_462 : memref<80xi32, #tpu.memory_space<hbm>>) target(%dma_start3A_460 : memref<80xi32, #tpu.memory_space<vmem>>) target_semaphore(%dma_start3A_457 : memref<!tpu.dma_semaphore, #tpu.memory_space<semaphore_mem>>)
        %scan3A_463 = arith.constant 0 : i32
        scf.yield %scan3A_463 : i32
      }
      %scan3A_96 = arith.constant 5 : i32
      %dma_start3A_97 = arith.constant 0 : i32
      %dma_start3A_98 = tpu.memref_slice %arg11[%rem3A_74, %dma_start3A_97] : memref<3x400xf32, #tpu.memory_space<vmem>> -> memref<1x400xf32, #tpu.memory_space<vmem>>
      %dma_start3A_99 = tpu.memref_squeeze %dma_start3A_98 : memref<1x400xf32, #tpu.memory_space<vmem>> -> memref<400xf32, #tpu.memory_space<vmem>>
      %dma_start3A_100 = tpu.memref_slice %arg3[%add3A_76] : memref<320000xf32, #tpu.memory_space<hbm>> -> memref<400xf32, #tpu.memory_space<hbm>>
      %dma_start3A_101 = tpu.memref_slice %arg15[%rem3A_74] : memref<3x!tpu.dma_semaphore, #tpu.memory_space<semaphore_mem>> -> memref<1x!tpu.dma_semaphore, #tpu.memory_space<semaphore_mem>>
      %dma_start3A_102 = tpu.memref_squeeze %dma_start3A_101 : memref<1x!tpu.dma_semaphore, #tpu.memory_space<semaphore_mem>> -> memref<!tpu.dma_semaphore, #tpu.memory_space<semaphore_mem>>
      %dma_start3A_103 = arith.constant 0 : i32
      %dma_start3A_104 = tpu.memref_slice %arg11[%rem3A_74, %dma_start3A_103] : memref<3x400xf32, #tpu.memory_space<vmem>> -> memref<1x400xf32, #tpu.memory_space<vmem>>
      %dma_start3A_105 = tpu.memref_squeeze %dma_start3A_104 : memref<1x400xf32, #tpu.memory_space<vmem>> -> memref<400xf32, #tpu.memory_space<vmem>>
      %dma_start3A_106 = tpu.memref_slice %arg3[%add3A_76] : memref<320000xf32, #tpu.memory_space<hbm>> -> memref<400xf32, #tpu.memory_space<hbm>>
      tpu.enqueue_dma source(%dma_start3A_106 : memref<400xf32, #tpu.memory_space<hbm>>) target(%dma_start3A_105 : memref<400xf32, #tpu.memory_space<vmem>>) target_semaphore(%dma_start3A_102 : memref<!tpu.dma_semaphore, #tpu.memory_space<semaphore_mem>>)
      %rem3A_107 = arith.constant 0 : i32
      %rem3A_108 = arith.constant 3 : i32
      %rem3A_109 = arith.remsi %rem3A_107, %rem3A_108 : i32
      %add3A_110 = arith.constant 0 : i32
      %add3A_111 = arith.addi %mul3A_2, %add3A_110 : i32
      %dma_wait3A = arith.constant 1 : i32
      %dma_wait3A_112 = arith.constant 0 : i32
      %dma_wait3A_113 = tpu.memref_slice %arg9[%rem3A_109, %dma_wait3A_112] : memref<3x400xi32, #tpu.memory_space<vmem>> -> memref<1x400xi32, #tpu.memory_space<vmem>>
      %dma_wait3A_114 = tpu.memref_squeeze %dma_wait3A_113 : memref<1x400xi32, #tpu.memory_space<vmem>> -> memref<400xi32, #tpu.memory_space<vmem>>
      %dma_wait3A_115 = tpu.memref_slice %arg2[%dma_wait3A, %add3A_111] : memref<2x320000xi32, #tpu.memory_space<hbm>> -> memref<1x400xi32, #tpu.memory_space<hbm>>
      %dma_wait3A_116 = tpu.memref_squeeze %dma_wait3A_115 : memref<1x400xi32, #tpu.memory_space<hbm>> -> memref<400xi32, #tpu.memory_space<hbm>>
      %dma_wait3A_117 = tpu.memref_slice %arg15[%rem3A_109] : memref<3x!tpu.dma_semaphore, #tpu.memory_space<semaphore_mem>> -> memref<1x!tpu.dma_semaphore, #tpu.memory_space<semaphore_mem>>
      %dma_wait3A_118 = tpu.memref_squeeze %dma_wait3A_117 : memref<1x!tpu.dma_semaphore, #tpu.memory_space<semaphore_mem>> -> memref<!tpu.dma_semaphore, #tpu.memory_space<semaphore_mem>>
      %dma_wait3A_119 = arith.constant 0 : i32
      %dma_wait3A_120 = tpu.memref_slice %arg9[%rem3A_109, %dma_wait3A_119] : memref<3x400xi32, #tpu.memory_space<vmem>> -> memref<1x400xi32, #tpu.memory_space<vmem>>
      %dma_wait3A_121 = tpu.memref_squeeze %dma_wait3A_120 : memref<1x400xi32, #tpu.memory_space<vmem>> -> memref<400xi32, #tpu.memory_space<vmem>>
      %dma_wait3A_122 = tpu.memref_slice %arg2[%dma_wait3A, %add3A_111] : memref<2x320000xi32, #tpu.memory_space<hbm>> -> memref<1x400xi32, #tpu.memory_space<hbm>>
      %dma_wait3A_123 = tpu.memref_squeeze %dma_wait3A_122 : memref<1x400xi32, #tpu.memory_space<hbm>> -> memref<400xi32, #tpu.memory_space<hbm>>
      tpu.wait_dma2 semaphore(%dma_wait3A_118 : memref<!tpu.dma_semaphore, #tpu.memory_space<semaphore_mem>>) src(%dma_wait3A_123 : memref<400xi32, #tpu.memory_space<hbm>>) dst(%dma_wait3A_121 : memref<400xi32, #tpu.memory_space<vmem>>)
      %scan3A_124 = arith.constant 0 : i32
      %scan3A_125 = arith.constant 0 : i32
      %scan3A_126 = arith.constant 5 : i32
      %scan3A_127 = arith.addi %scan3A_125, %scan3A_126 : i32
      %scan3A_128 = arith.constant 1 : i32
      %scan3A_129 = scf.for %scan3A_445 = %scan3A_125 to %scan3A_127 step %scan3A_128 iter_args(%scan3A_446 = %scan3A_124) -> (i32)  : i32 {
        %mul3A_447 = arith.constant 80 : i32
        %mul3A_448 = arith.muli %scan3A_445, %mul3A_447 : i32
        %add3A_449 = arith.addi %add3A_111, %mul3A_448 : i32
        %dma_wait3A_450 = arith.constant 0 : i32
        %dma_wait3A_451 = arith.constant 0 : i32
        %dma_wait3A_452 = tpu.memref_slice %arg10[%rem3A_109, %scan3A_445, %dma_wait3A_451] : memref<3x5x80xi32, #tpu.memory_space<vmem>> -> memref<1x1x80xi32, #tpu.memory_space<vmem>>
        %dma_wait3A_453 = tpu.memref_squeeze %dma_wait3A_452 : memref<1x1x80xi32, #tpu.memory_space<vmem>> -> memref<80xi32, #tpu.memory_space<vmem>>
        %dma_wait3A_454 = tpu.memref_slice %arg2[%dma_wait3A_450, %add3A_449] : memref<2x320000xi32, #tpu.memory_space<hbm>> -> memref<1x80xi32, #tpu.memory_space<hbm>>
        %dma_wait3A_455 = tpu.memref_squeeze %dma_wait3A_454 : memref<1x80xi32, #tpu.memory_space<hbm>> -> memref<80xi32, #tpu.memory_space<hbm>>
        %dma_wait3A_456 = tpu.memref_slice %arg15[%rem3A_109] : memref<3x!tpu.dma_semaphore, #tpu.memory_space<semaphore_mem>> -> memref<1x!tpu.dma_semaphore, #tpu.memory_space<semaphore_mem>>
        %dma_wait3A_457 = tpu.memref_squeeze %dma_wait3A_456 : memref<1x!tpu.dma_semaphore, #tpu.memory_space<semaphore_mem>> -> memref<!tpu.dma_semaphore, #tpu.memory_space<semaphore_mem>>
        %dma_wait3A_458 = arith.constant 0 : i32
        %dma_wait3A_459 = tpu.memref_slice %arg10[%rem3A_109, %scan3A_445, %dma_wait3A_458] : memref<3x5x80xi32, #tpu.memory_space<vmem>> -> memref<1x1x80xi32, #tpu.memory_space<vmem>>
        %dma_wait3A_460 = tpu.memref_squeeze %dma_wait3A_459 : memref<1x1x80xi32, #tpu.memory_space<vmem>> -> memref<80xi32, #tpu.memory_space<vmem>>
        %dma_wait3A_461 = tpu.memref_slice %arg2[%dma_wait3A_450, %add3A_449] : memref<2x320000xi32, #tpu.memory_space<hbm>> -> memref<1x80xi32, #tpu.memory_space<hbm>>
        %dma_wait3A_462 = tpu.memref_squeeze %dma_wait3A_461 : memref<1x80xi32, #tpu.memory_space<hbm>> -> memref<80xi32, #tpu.memory_space<hbm>>
        tpu.wait_dma2 semaphore(%dma_wait3A_457 : memref<!tpu.dma_semaphore, #tpu.memory_space<semaphore_mem>>) src(%dma_wait3A_462 : memref<80xi32, #tpu.memory_space<hbm>>) dst(%dma_wait3A_460 : memref<80xi32, #tpu.memory_space<vmem>>)
        %scan3A_463 = arith.constant 0 : i32
        scf.yield %scan3A_463 : i32
      }
      %scan3A_130 = arith.constant 5 : i32
      %dma_wait3A_131 = arith.constant 0 : i32
      %dma_wait3A_132 = tpu.memref_slice %arg11[%rem3A_109, %dma_wait3A_131] : memref<3x400xf32, #tpu.memory_space<vmem>> -> memref<1x400xf32, #tpu.memory_space<vmem>>
      %dma_wait3A_133 = tpu.memref_squeeze %dma_wait3A_132 : memref<1x400xf32, #tpu.memory_space<vmem>> -> memref<400xf32, #tpu.memory_space<vmem>>
      %dma_wait3A_134 = tpu.memref_slice %arg3[%add3A_111] : memref<320000xf32, #tpu.memory_space<hbm>> -> memref<400xf32, #tpu.memory_space<hbm>>
      %dma_wait3A_135 = tpu.memref_slice %arg15[%rem3A_109] : memref<3x!tpu.dma_semaphore, #tpu.memory_space<semaphore_mem>> -> memref<1x!tpu.dma_semaphore, #tpu.memory_space<semaphore_mem>>
      %dma_wait3A_136 = tpu.memref_squeeze %dma_wait3A_135 : memref<1x!tpu.dma_semaphore, #tpu.memory_space<semaphore_mem>> -> memref<!tpu.dma_semaphore, #tpu.memory_space<semaphore_mem>>
      %dma_wait3A_137 = arith.constant 0 : i32
      %dma_wait3A_138 = tpu.memref_slice %arg11[%rem3A_109, %dma_wait3A_137] : memref<3x400xf32, #tpu.memory_space<vmem>> -> memref<1x400xf32, #tpu.memory_space<vmem>>
      %dma_wait3A_139 = tpu.memref_squeeze %dma_wait3A_138 : memref<1x400xf32, #tpu.memory_space<vmem>> -> memref<400xf32, #tpu.memory_space<vmem>>
      %dma_wait3A_140 = tpu.memref_slice %arg3[%add3A_111] : memref<320000xf32, #tpu.memory_space<hbm>> -> memref<400xf32, #tpu.memory_space<hbm>>
      tpu.wait_dma2 semaphore(%dma_wait3A_136 : memref<!tpu.dma_semaphore, #tpu.memory_space<semaphore_mem>>) src(%dma_wait3A_140 : memref<400xf32, #tpu.memory_space<hbm>>) dst(%dma_wait3A_139 : memref<400xf32, #tpu.memory_space<vmem>>)
      %get3A = arith.index_cast %rem3A_109 : i32 to index
      %get3A_141 = arith.constant 0 : index
      %get3A_142 = tpu.vector_load %arg9[%get3A, %get3A_141] {strides = array<i32>} : memref<3x400xi32, #tpu.memory_space<vmem>>, vector<1x16xi32>,
      %get3A_143 = vector.shape_cast %get3A_142 : vector<1x16xi32> to vector<16xi32>
      %add3A_144 = vector.broadcast %mul3A_6 : i32 to vector<16xi32>
      %add3A_145 = arith.addi %get3A_143, %add3A_144 : vector<16xi32>
      %swap3A = arith.index_cast %rem3A_109 : i32 to index
      %swap3A_146 = arith.constant 0 : index
      %swap3A_147 = tpu.vector_load %arg9[%swap3A, %swap3A_146] {strides = array<i32>} : memref<3x400xi32, #tpu.memory_space<vmem>>, vector<1x16xi32>,
      %swap3A_148 = vector.shape_cast %swap3A_147 : vector<1x16xi32> to vector<16xi32>
      %swap3A_149 = vector.shape_cast %add3A_145 : vector<16xi32> to vector<1x16xi32>
      tpu.vector_store %arg9[%swap3A, %swap3A_146], %swap3A_149 {strides = array<i32>} : memref<3x400xi32, #tpu.memory_space<vmem>>, vector<1x16xi32>,
      %get3A_150 = arith.index_cast %rem3A_109 : i32 to index
      %get3A_151 = arith.constant 16 : index
      %get3A_152 = tpu.vector_load %arg9[%get3A_150, %get3A_151] {strides = array<i32>} : memref<3x400xi32, #tpu.memory_space<vmem>>, vector<1x16xi32>,
      %get3A_153 = vector.shape_cast %get3A_152 : vector<1x16xi32> to vector<16xi32>
      %add3A_154 = vector.broadcast %mul3A_6 : i32 to vector<16xi32>
      %add3A_155 = arith.addi %get3A_153, %add3A_154 : vector<16xi32>
      %swap3A_156 = arith.index_cast %rem3A_109 : i32 to index
      %swap3A_157 = arith.constant 16 : index
      %swap3A_158 = tpu.vector_load %arg9[%swap3A_156, %swap3A_157] {strides = array<i32>} : memref<3x400xi32, #tpu.memory_space<vmem>>, vector<1x16xi32>,
      %swap3A_159 = vector.shape_cast %swap3A_158 : vector<1x16xi32> to vector<16xi32>
      %swap3A_160 = vector.shape_cast %add3A_155 : vector<16xi32> to vector<1x16xi32>
      tpu.vector_store %arg9[%swap3A_156, %swap3A_157], %swap3A_160 {strides = array<i32>} : memref<3x400xi32, #tpu.memory_space<vmem>>, vector<1x16xi32>,
      %get3A_161 = arith.index_cast %rem3A_109 : i32 to index
      %get3A_162 = arith.constant 32 : index
      %get3A_163 = tpu.vector_load %arg9[%get3A_161, %get3A_162] {strides = array<i32>} : memref<3x400xi32, #tpu.memory_space<vmem>>, vector<1x16xi32>,
      %get3A_164 = vector.shape_cast %get3A_163 : vector<1x16xi32> to vector<16xi32>
      %add3A_165 = vector.broadcast %mul3A_6 : i32 to vector<16xi32>
      %add3A_166 = arith.addi %get3A_164, %add3A_165 : vector<16xi32>
      %swap3A_167 = arith.index_cast %rem3A_109 : i32 to index
      %swap3A_168 = arith.constant 32 : index
      %swap3A_169 = tpu.vector_load %arg9[%swap3A_167, %swap3A_168] {strides = array<i32>} : memref<3x400xi32, #tpu.memory_space<vmem>>, vector<1x16xi32>,
      %swap3A_170 = vector.shape_cast %swap3A_169 : vector<1x16xi32> to vector<16xi32>
      %swap3A_171 = vector.shape_cast %add3A_166 : vector<16xi32> to vector<1x16xi32>
      tpu.vector_store %arg9[%swap3A_167, %swap3A_168], %swap3A_171 {strides = array<i32>} : memref<3x400xi32, #tpu.memory_space<vmem>>, vector<1x16xi32>,
      %get3A_172 = arith.index_cast %rem3A_109 : i32 to index
      %get3A_173 = arith.constant 48 : index
      %get3A_174 = tpu.vector_load %arg9[%get3A_172, %get3A_173] {strides = array<i32>} : memref<3x400xi32, #tpu.memory_space<vmem>>, vector<1x16xi32>,
      %get3A_175 = vector.shape_cast %get3A_174 : vector<1x16xi32> to vector<16xi32>
      %add3A_176 = vector.broadcast %mul3A_6 : i32 to vector<16xi32>
      %add3A_177 = arith.addi %get3A_175, %add3A_176 : vector<16xi32>
      %swap3A_178 = arith.index_cast %rem3A_109 : i32 to index
      %swap3A_179 = arith.constant 48 : index
      %swap3A_180 = tpu.vector_load %arg9[%swap3A_178, %swap3A_179] {strides = array<i32>} : memref<3x400xi32, #tpu.memory_space<vmem>>, vector<1x16xi32>,
      %swap3A_181 = vector.shape_cast %swap3A_180 : vector<1x16xi32> to vector<16xi32>
      %swap3A_182 = vector.shape_cast %add3A_177 : vector<16xi32> to vector<1x16xi32>
      tpu.vector_store %arg9[%swap3A_178, %swap3A_179], %swap3A_182 {strides = array<i32>} : memref<3x400xi32, #tpu.memory_space<vmem>>, vector<1x16xi32>,
      %get3A_183 = arith.index_cast %rem3A_109 : i32 to index
      %get3A_184 = arith.constant 64 : index
      %get3A_185 = tpu.vector_load %arg9[%get3A_183, %get3A_184] {strides = array<i32>} : memref<3x400xi32, #tpu.memory_space<vmem>>, vector<1x16xi32>,
      %get3A_186 = vector.shape_cast %get3A_185 : vector<1x16xi32> to vector<16xi32>
      %add3A_187 = vector.broadcast %mul3A_6 : i32 to vector<16xi32>
      %add3A_188 = arith.addi %get3A_186, %add3A_187 : vector<16xi32>
      %swap3A_189 = arith.index_cast %rem3A_109 : i32 to index
      %swap3A_190 = arith.constant 64 : index
      %swap3A_191 = tpu.vector_load %arg9[%swap3A_189, %swap3A_190] {strides = array<i32>} : memref<3x400xi32, #tpu.memory_space<vmem>>, vector<1x16xi32>,
      %swap3A_192 = vector.shape_cast %swap3A_191 : vector<1x16xi32> to vector<16xi32>
      %swap3A_193 = vector.shape_cast %add3A_188 : vector<16xi32> to vector<1x16xi32>
      tpu.vector_store %arg9[%swap3A_189, %swap3A_190], %swap3A_193 {strides = array<i32>} : memref<3x400xi32, #tpu.memory_space<vmem>>, vector<1x16xi32>,
      %get3A_194 = arith.index_cast %rem3A_109 : i32 to index
      %get3A_195 = arith.constant 80 : index
      %get3A_196 = tpu.vector_load %arg9[%get3A_194, %get3A_195] {strides = array<i32>} : memref<3x400xi32, #tpu.memory_space<vmem>>, vector<1x16xi32>,
      %get3A_197 = vector.shape_cast %get3A_196 : vector<1x16xi32> to vector<16xi32>
      %add3A_198 = vector.broadcast %mul3A_6 : i32 to vector<16xi32>
      %add3A_199 = arith.addi %get3A_197, %add3A_198 : vector<16xi32>
      %swap3A_200 = arith.index_cast %rem3A_109 : i32 to index
      %swap3A_201 = arith.constant 80 : index
      %swap3A_202 = tpu.vector_load %arg9[%swap3A_200, %swap3A_201] {strides = array<i32>} : memref<3x400xi32, #tpu.memory_space<vmem>>, vector<1x16xi32>,
      %swap3A_203 = vector.shape_cast %swap3A_202 : vector<1x16xi32> to vector<16xi32>
      %swap3A_204 = vector.shape_cast %add3A_199 : vector<16xi32> to vector<1x16xi32>
      tpu.vector_store %arg9[%swap3A_200, %swap3A_201], %swap3A_204 {strides = array<i32>} : memref<3x400xi32, #tpu.memory_space<vmem>>, vector<1x16xi32>,
      %get3A_205 = arith.index_cast %rem3A_109 : i32 to index
      %get3A_206 = arith.constant 96 : index
      %get3A_207 = tpu.vector_load %arg9[%get3A_205, %get3A_206] {strides = array<i32>} : memref<3x400xi32, #tpu.memory_space<vmem>>, vector<1x16xi32>,
      %get3A_208 = vector.shape_cast %get3A_207 : vector<1x16xi32> to vector<16xi32>
      %add3A_209 = vector.broadcast %mul3A_6 : i32 to vector<16xi32>
      %add3A_210 = arith.addi %get3A_208, %add3A_209 : vector<16xi32>
      %swap3A_211 = arith.index_cast %rem3A_109 : i32 to index
      %swap3A_212 = arith.constant 96 : index
      %swap3A_213 = tpu.vector_load %arg9[%swap3A_211, %swap3A_212] {strides = array<i32>} : memref<3x400xi32, #tpu.memory_space<vmem>>, vector<1x16xi32>,
      %swap3A_214 = vector.shape_cast %swap3A_213 : vector<1x16xi32> to vector<16xi32>
      %swap3A_215 = vector.shape_cast %add3A_210 : vector<16xi32> to vector<1x16xi32>
      tpu.vector_store %arg9[%swap3A_211, %swap3A_212], %swap3A_215 {strides = array<i32>} : memref<3x400xi32, #tpu.memory_space<vmem>>, vector<1x16xi32>,
      %get3A_216 = arith.index_cast %rem3A_109 : i32 to index
      %get3A_217 = arith.constant 112 : index
      %get3A_218 = tpu.vector_load %arg9[%get3A_216, %get3A_217] {strides = array<i32>} : memref<3x400xi32, #tpu.memory_space<vmem>>, vector<1x16xi32>,
      %get3A_219 = vector.shape_cast %get3A_218 : vector<1x16xi32> to vector<16xi32>
      %add3A_220 = vector.broadcast %mul3A_6 : i32 to vector<16xi32>
      %add3A_221 = arith.addi %get3A_219, %add3A_220 : vector<16xi32>
      %swap3A_222 = arith.index_cast %rem3A_109 : i32 to index
      %swap3A_223 = arith.constant 112 : index
      %swap3A_224 = tpu.vector_load %arg9[%swap3A_222, %swap3A_223] {strides = array<i32>} : memref<3x400xi32, #tpu.memory_space<vmem>>, vector<1x16xi32>,
      %swap3A_225 = vector.shape_cast %swap3A_224 : vector<1x16xi32> to vector<16xi32>
      %swap3A_226 = vector.shape_cast %add3A_221 : vector<16xi32> to vector<1x16xi32>
      tpu.vector_store %arg9[%swap3A_222, %swap3A_223], %swap3A_226 {strides = array<i32>} : memref<3x400xi32, #tpu.memory_space<vmem>>, vector<1x16xi32>,
      %get3A_227 = arith.index_cast %rem3A_109 : i32 to index
      %get3A_228 = arith.constant 128 : index
      %get3A_229 = tpu.vector_load %arg9[%get3A_227, %get3A_228] {strides = array<i32>} : memref<3x400xi32, #tpu.memory_space<vmem>>, vector<1x16xi32>,
      %get3A_230 = vector.shape_cast %get3A_229 : vector<1x16xi32> to vector<16xi32>
      %add3A_231 = vector.broadcast %mul3A_6 : i32 to vector<16xi32>
      %add3A_232 = arith.addi %get3A_230, %add3A_231 : vector<16xi32>
      %swap3A_233 = arith.index_cast %rem3A_109 : i32 to index
      %swap3A_234 = arith.constant 128 : index
      %swap3A_235 = tpu.vector_load %arg9[%swap3A_233, %swap3A_234] {strides = array<i32>} : memref<3x400xi32, #tpu.memory_space<vmem>>, vector<1x16xi32>,
      %swap3A_236 = vector.shape_cast %swap3A_235 : vector<1x16xi32> to vector<16xi32>
      %swap3A_237 = vector.shape_cast %add3A_232 : vector<16xi32> to vector<1x16xi32>
      tpu.vector_store %arg9[%swap3A_233, %swap3A_234], %swap3A_237 {strides = array<i32>} : memref<3x400xi32, #tpu.memory_space<vmem>>, vector<1x16xi32>,
      %get3A_238 = arith.index_cast %rem3A_109 : i32 to index
      %get3A_239 = arith.constant 144 : index
      %get3A_240 = tpu.vector_load %arg9[%get3A_238, %get3A_239] {strides = array<i32>} : memref<3x400xi32, #tpu.memory_space<vmem>>, vector<1x16xi32>,
      %get3A_241 = vector.shape_cast %get3A_240 : vector<1x16xi32> to vector<16xi32>
      %add3A_242 = vector.broadcast %mul3A_6 : i32 to vector<16xi32>
      %add3A_243 = arith.addi %get3A_241, %add3A_242 : vector<16xi32>
      %swap3A_244 = arith.index_cast %rem3A_109 : i32 to index
      %swap3A_245 = arith.constant 144 : index
      %swap3A_246 = tpu.vector_load %arg9[%swap3A_244, %swap3A_245] {strides = array<i32>} : memref<3x400xi32, #tpu.memory_space<vmem>>, vector<1x16xi32>,
      %swap3A_247 = vector.shape_cast %swap3A_246 : vector<1x16xi32> to vector<16xi32>
      %swap3A_248 = vector.shape_cast %add3A_243 : vector<16xi32> to vector<1x16xi32>
      tpu.vector_store %arg9[%swap3A_244, %swap3A_245], %swap3A_248 {strides = array<i32>} : memref<3x400xi32, #tpu.memory_space<vmem>>, vector<1x16xi32>,
      %get3A_249 = arith.index_cast %rem3A_109 : i32 to index
      %get3A_250 = arith.constant 160 : index
      %get3A_251 = tpu.vector_load %arg9[%get3A_249, %get3A_250] {strides = array<i32>} : memref<3x400xi32, #tpu.memory_space<vmem>>, vector<1x16xi32>,
      %get3A_252 = vector.shape_cast %get3A_251 : vector<1x16xi32> to vector<16xi32>
      %add3A_253 = vector.broadcast %mul3A_6 : i32 to vector<16xi32>
      %add3A_254 = arith.addi %get3A_252, %add3A_253 : vector<16xi32>
      %swap3A_255 = arith.index_cast %rem3A_109 : i32 to index
      %swap3A_256 = arith.constant 160 : index
      %swap3A_257 = tpu.vector_load %arg9[%swap3A_255, %swap3A_256] {strides = array<i32>} : memref<3x400xi32, #tpu.memory_space<vmem>>, vector<1x16xi32>,
      %swap3A_258 = vector.shape_cast %swap3A_257 : vector<1x16xi32> to vector<16xi32>
      %swap3A_259 = vector.shape_cast %add3A_254 : vector<16xi32> to vector<1x16xi32>
      tpu.vector_store %arg9[%swap3A_255, %swap3A_256], %swap3A_259 {strides = array<i32>} : memref<3x400xi32, #tpu.memory_space<vmem>>, vector<1x16xi32>,
      %get3A_260 = arith.index_cast %rem3A_109 : i32 to index
      %get3A_261 = arith.constant 176 : index
      %get3A_262 = tpu.vector_load %arg9[%get3A_260, %get3A_261] {strides = array<i32>} : memref<3x400xi32, #tpu.memory_space<vmem>>, vector<1x16xi32>,
      %get3A_263 = vector.shape_cast %get3A_262 : vector<1x16xi32> to vector<16xi32>
      %add3A_264 = vector.broadcast %mul3A_6 : i32 to vector<16xi32>
      %add3A_265 = arith.addi %get3A_263, %add3A_264 : vector<16xi32>
      %swap3A_266 = arith.index_cast %rem3A_109 : i32 to index
      %swap3A_267 = arith.constant 176 : index
      %swap3A_268 = tpu.vector_load %arg9[%swap3A_266, %swap3A_267] {strides = array<i32>} : memref<3x400xi32, #tpu.memory_space<vmem>>, vector<1x16xi32>,
      %swap3A_269 = vector.shape_cast %swap3A_268 : vector<1x16xi32> to vector<16xi32>
      %swap3A_270 = vector.shape_cast %add3A_265 : vector<16xi32> to vector<1x16xi32>
      tpu.vector_store %arg9[%swap3A_266, %swap3A_267], %swap3A_270 {strides = array<i32>} : memref<3x400xi32, #tpu.memory_space<vmem>>, vector<1x16xi32>,
      %get3A_271 = arith.index_cast %rem3A_109 : i32 to index
      %get3A_272 = arith.constant 192 : index
      %get3A_273 = tpu.vector_load %arg9[%get3A_271, %get3A_272] {strides = array<i32>} : memref<3x400xi32, #tpu.memory_space<vmem>>, vector<1x16xi32>,
      %get3A_274 = vector.shape_cast %get3A_273 : vector<1x16xi32> to vector<16xi32>
      %add3A_275 = vector.broadcast %mul3A_6 : i32 to vector<16xi32>
      %add3A_276 = arith.addi %get3A_274, %add3A_275 : vector<16xi32>
      %swap3A_277 = arith.index_cast %rem3A_109 : i32 to index
      %swap3A_278 = arith.constant 192 : index
      %swap3A_279 = tpu.vector_load %arg9[%swap3A_277, %swap3A_278] {strides = array<i32>} : memref<3x400xi32, #tpu.memory_space<vmem>>, vector<1x16xi32>,
      %swap3A_280 = vector.shape_cast %swap3A_279 : vector<1x16xi32> to vector<16xi32>
      %swap3A_281 = vector.shape_cast %add3A_276 : vector<16xi32> to vector<1x16xi32>
      tpu.vector_store %arg9[%swap3A_277, %swap3A_278], %swap3A_281 {strides = array<i32>} : memref<3x400xi32, #tpu.memory_space<vmem>>, vector<1x16xi32>,
      %get3A_282 = arith.index_cast %rem3A_109 : i32 to index
      %get3A_283 = arith.constant 208 : index
      %get3A_284 = tpu.vector_load %arg9[%get3A_282, %get3A_283] {strides = array<i32>} : memref<3x400xi32, #tpu.memory_space<vmem>>, vector<1x16xi32>,
      %get3A_285 = vector.shape_cast %get3A_284 : vector<1x16xi32> to vector<16xi32>
      %add3A_286 = vector.broadcast %mul3A_6 : i32 to vector<16xi32>
      %add3A_287 = arith.addi %get3A_285, %add3A_286 : vector<16xi32>
      %swap3A_288 = arith.index_cast %rem3A_109 : i32 to index
      %swap3A_289 = arith.constant 208 : index
      %swap3A_290 = tpu.vector_load %arg9[%swap3A_288, %swap3A_289] {strides = array<i32>} : memref<3x400xi32, #tpu.memory_space<vmem>>, vector<1x16xi32>,
      %swap3A_291 = vector.shape_cast %swap3A_290 : vector<1x16xi32> to vector<16xi32>
      %swap3A_292 = vector.shape_cast %add3A_287 : vector<16xi32> to vector<1x16xi32>
      tpu.vector_store %arg9[%swap3A_288, %swap3A_289], %swap3A_292 {strides = array<i32>} : memref<3x400xi32, #tpu.memory_space<vmem>>, vector<1x16xi32>,
      %get3A_293 = arith.index_cast %rem3A_109 : i32 to index
      %get3A_294 = arith.constant 224 : index
      %get3A_295 = tpu.vector_load %arg9[%get3A_293, %get3A_294] {strides = array<i32>} : memref<3x400xi32, #tpu.memory_space<vmem>>, vector<1x16xi32>,
      %get3A_296 = vector.shape_cast %get3A_295 : vector<1x16xi32> to vector<16xi32>
      %add3A_297 = vector.broadcast %mul3A_6 : i32 to vector<16xi32>
      %add3A_298 = arith.addi %get3A_296, %add3A_297 : vector<16xi32>
      %swap3A_299 = arith.index_cast %rem3A_109 : i32 to index
      %swap3A_300 = arith.constant 224 : index
      %swap3A_301 = tpu.vector_load %arg9[%swap3A_299, %swap3A_300] {strides = array<i32>} : memref<3x400xi32, #tpu.memory_space<vmem>>, vector<1x16xi32>,
      %swap3A_302 = vector.shape_cast %swap3A_301 : vector<1x16xi32> to vector<16xi32>
      %swap3A_303 = vector.shape_cast %add3A_298 : vector<16xi32> to vector<1x16xi32>
      tpu.vector_store %arg9[%swap3A_299, %swap3A_300], %swap3A_303 {strides = array<i32>} : memref<3x400xi32, #tpu.memory_space<vmem>>, vector<1x16xi32>,
      %get3A_304 = arith.index_cast %rem3A_109 : i32 to index
      %get3A_305 = arith.constant 240 : index
      %get3A_306 = tpu.vector_load %arg9[%get3A_304, %get3A_305] {strides = array<i32>} : memref<3x400xi32, #tpu.memory_space<vmem>>, vector<1x16xi32>,
      %get3A_307 = vector.shape_cast %get3A_306 : vector<1x16xi32> to vector<16xi32>
      %add3A_308 = vector.broadcast %mul3A_6 : i32 to vector<16xi32>
      %add3A_309 = arith.addi %get3A_307, %add3A_308 : vector<16xi32>
      %swap3A_310 = arith.index_cast %rem3A_109 : i32 to index
      %swap3A_311 = arith.constant 240 : index
      %swap3A_312 = tpu.vector_load %arg9[%swap3A_310, %swap3A_311] {strides = array<i32>} : memref<3x400xi32, #tpu.memory_space<vmem>>, vector<1x16xi32>,
      %swap3A_313 = vector.shape_cast %swap3A_312 : vector<1x16xi32> to vector<16xi32>
      %swap3A_314 = vector.shape_cast %add3A_309 : vector<16xi32> to vector<1x16xi32>
      tpu.vector_store %arg9[%swap3A_310, %swap3A_311], %swap3A_314 {strides = array<i32>} : memref<3x400xi32, #tpu.memory_space<vmem>>, vector<1x16xi32>,
      %get3A_315 = arith.index_cast %rem3A_109 : i32 to index
      %get3A_316 = arith.constant 256 : index
      %get3A_317 = tpu.vector_load %arg9[%get3A_315, %get3A_316] {strides = array<i32>} : memref<3x400xi32, #tpu.memory_space<vmem>>, vector<1x16xi32>,
      %get3A_318 = vector.shape_cast %get3A_317 : vector<1x16xi32> to vector<16xi32>
      %add3A_319 = vector.broadcast %mul3A_6 : i32 to vector<16xi32>
      %add3A_320 = arith.addi %get3A_318, %add3A_319 : vector<16xi32>
      %swap3A_321 = arith.index_cast %rem3A_109 : i32 to index
      %swap3A_322 = arith.constant 256 : index
      %swap3A_323 = tpu.vector_load %arg9[%swap3A_321, %swap3A_322] {strides = array<i32>} : memref<3x400xi32, #tpu.memory_space<vmem>>, vector<1x16xi32>,
      %swap3A_324 = vector.shape_cast %swap3A_323 : vector<1x16xi32> to vector<16xi32>
      %swap3A_325 = vector.shape_cast %add3A_320 : vector<16xi32> to vector<1x16xi32>
      tpu.vector_store %arg9[%swap3A_321, %swap3A_322], %swap3A_325 {strides = array<i32>} : memref<3x400xi32, #tpu.memory_space<vmem>>, vector<1x16xi32>,
      %get3A_326 = arith.index_cast %rem3A_109 : i32 to index
      %get3A_327 = arith.constant 272 : index
      %get3A_328 = tpu.vector_load %arg9[%get3A_326, %get3A_327] {strides = array<i32>} : memref<3x400xi32, #tpu.memory_space<vmem>>, vector<1x16xi32>,
      %get3A_329 = vector.shape_cast %get3A_328 : vector<1x16xi32> to vector<16xi32>
      %add3A_330 = vector.broadcast %mul3A_6 : i32 to vector<16xi32>
      %add3A_331 = arith.addi %get3A_329, %add3A_330 : vector<16xi32>
      %swap3A_332 = arith.index_cast %rem3A_109 : i32 to index
      %swap3A_333 = arith.constant 272 : index
      %swap3A_334 = tpu.vector_load %arg9[%swap3A_332, %swap3A_333] {strides = array<i32>} : memref<3x400xi32, #tpu.memory_space<vmem>>, vector<1x16xi32>,
      %swap3A_335 = vector.shape_cast %swap3A_334 : vector<1x16xi32> to vector<16xi32>
      %swap3A_336 = vector.shape_cast %add3A_331 : vector<16xi32> to vector<1x16xi32>
      tpu.vector_store %arg9[%swap3A_332, %swap3A_333], %swap3A_336 {strides = array<i32>} : memref<3x400xi32, #tpu.memory_space<vmem>>, vector<1x16xi32>,
      %get3A_337 = arith.index_cast %rem3A_109 : i32 to index
      %get3A_338 = arith.constant 288 : index
      %get3A_339 = tpu.vector_load %arg9[%get3A_337, %get3A_338] {strides = array<i32>} : memref<3x400xi32, #tpu.memory_space<vmem>>, vector<1x16xi32>,
      %get3A_340 = vector.shape_cast %get3A_339 : vector<1x16xi32> to vector<16xi32>
      %add3A_341 = vector.broadcast %mul3A_6 : i32 to vector<16xi32>
      %add3A_342 = arith.addi %get3A_340, %add3A_341 : vector<16xi32>
      %swap3A_343 = arith.index_cast %rem3A_109 : i32 to index
      %swap3A_344 = arith.constant 288 : index
      %swap3A_345 = tpu.vector_load %arg9[%swap3A_343, %swap3A_344] {strides = array<i32>} : memref<3x400xi32, #tpu.memory_space<vmem>>, vector<1x16xi32>,
      %swap3A_346 = vector.shape_cast %swap3A_345 : vector<1x16xi32> to vector<16xi32>
      %swap3A_347 = vector.shape_cast %add3A_342 : vector<16xi32> to vector<1x16xi32>
      tpu.vector_store %arg9[%swap3A_343, %swap3A_344], %swap3A_347 {strides = array<i32>} : memref<3x400xi32, #tpu.memory_space<vmem>>, vector<1x16xi32>,
      %get3A_348 = arith.index_cast %rem3A_109 : i32 to index
      %get3A_349 = arith.constant 304 : index
      %get3A_350 = tpu.vector_load %arg9[%get3A_348, %get3A_349] {strides = array<i32>} : memref<3x400xi32, #tpu.memory_space<vmem>>, vector<1x16xi32>,
      %get3A_351 = vector.shape_cast %get3A_350 : vector<1x16xi32> to vector<16xi32>
      %add3A_352 = vector.broadcast %mul3A_6 : i32 to vector<16xi32>
      %add3A_353 = arith.addi %get3A_351, %add3A_352 : vector<16xi32>
      %swap3A_354 = arith.index_cast %rem3A_109 : i32 to index
      %swap3A_355 = arith.constant 304 : index
      %swap3A_356 = tpu.vector_load %arg9[%swap3A_354, %swap3A_355] {strides = array<i32>} : memref<3x400xi32, #tpu.memory_space<vmem>>, vector<1x16xi32>,
      %swap3A_357 = vector.shape_cast %swap3A_356 : vector<1x16xi32> to vector<16xi32>
      %swap3A_358 = vector.shape_cast %add3A_353 : vector<16xi32> to vector<1x16xi32>
      tpu.vector_store %arg9[%swap3A_354, %swap3A_355], %swap3A_358 {strides = array<i32>} : memref<3x400xi32, #tpu.memory_space<vmem>>, vector<1x16xi32>,
      %get3A_359 = arith.index_cast %rem3A_109 : i32 to index
      %get3A_360 = arith.constant 320 : index
      %get3A_361 = tpu.vector_load %arg9[%get3A_359, %get3A_360] {strides = array<i32>} : memref<3x400xi32, #tpu.memory_space<vmem>>, vector<1x16xi32>,
      %get3A_362 = vector.shape_cast %get3A_361 : vector<1x16xi32> to vector<16xi32>
      %add3A_363 = vector.broadcast %mul3A_6 : i32 to vector<16xi32>
      %add3A_364 = arith.addi %get3A_362, %add3A_363 : vector<16xi32>
      %swap3A_365 = arith.index_cast %rem3A_109 : i32 to index
      %swap3A_366 = arith.constant 320 : index
      %swap3A_367 = tpu.vector_load %arg9[%swap3A_365, %swap3A_366] {strides = array<i32>} : memref<3x400xi32, #tpu.memory_space<vmem>>, vector<1x16xi32>,
      %swap3A_368 = vector.shape_cast %swap3A_367 : vector<1x16xi32> to vector<16xi32>
      %swap3A_369 = vector.shape_cast %add3A_364 : vector<16xi32> to vector<1x16xi32>
      tpu.vector_store %arg9[%swap3A_365, %swap3A_366], %swap3A_369 {strides = array<i32>} : memref<3x400xi32, #tpu.memory_space<vmem>>, vector<1x16xi32>,
      %get3A_370 = arith.index_cast %rem3A_109 : i32 to index
      %get3A_371 = arith.constant 336 : index
      %get3A_372 = tpu.vector_load %arg9[%get3A_370, %get3A_371] {strides = array<i32>} : memref<3x400xi32, #tpu.memory_space<vmem>>, vector<1x16xi32>,
      %get3A_373 = vector.shape_cast %get3A_372 : vector<1x16xi32> to vector<16xi32>
      %add3A_374 = vector.broadcast %mul3A_6 : i32 to vector<16xi32>
      %add3A_375 = arith.addi %get3A_373, %add3A_374 : vector<16xi32>
      %swap3A_376 = arith.index_cast %rem3A_109 : i32 to index
      %swap3A_377 = arith.constant 336 : index
      %swap3A_378 = tpu.vector_load %arg9[%swap3A_376, %swap3A_377] {strides = array<i32>} : memref<3x400xi32, #tpu.memory_space<vmem>>, vector<1x16xi32>,
      %swap3A_379 = vector.shape_cast %swap3A_378 : vector<1x16xi32> to vector<16xi32>
      %swap3A_380 = vector.shape_cast %add3A_375 : vector<16xi32> to vector<1x16xi32>
      tpu.vector_store %arg9[%swap3A_376, %swap3A_377], %swap3A_380 {strides = array<i32>} : memref<3x400xi32, #tpu.memory_space<vmem>>, vector<1x16xi32>,
      %get3A_381 = arith.index_cast %rem3A_109 : i32 to index
      %get3A_382 = arith.constant 352 : index
      %get3A_383 = tpu.vector_load %arg9[%get3A_381, %get3A_382] {strides = array<i32>} : memref<3x400xi32, #tpu.memory_space<vmem>>, vector<1x16xi32>,
      %get3A_384 = vector.shape_cast %get3A_383 : vector<1x16xi32> to vector<16xi32>
      %add3A_385 = vector.broadcast %mul3A_6 : i32 to vector<16xi32>
      %add3A_386 = arith.addi %get3A_384, %add3A_385 : vector<16xi32>
      %swap3A_387 = arith.index_cast %rem3A_109 : i32 to index
      %swap3A_388 = arith.constant 352 : index
      %swap3A_389 = tpu.vector_load %arg9[%swap3A_387, %swap3A_388] {strides = array<i32>} : memref<3x400xi32, #tpu.memory_space<vmem>>, vector<1x16xi32>,
      %swap3A_390 = vector.shape_cast %swap3A_389 : vector<1x16xi32> to vector<16xi32>
      %swap3A_391 = vector.shape_cast %add3A_386 : vector<16xi32> to vector<1x16xi32>
      tpu.vector_store %arg9[%swap3A_387, %swap3A_388], %swap3A_391 {strides = array<i32>} : memref<3x400xi32, #tpu.memory_space<vmem>>, vector<1x16xi32>,
      %get3A_392 = arith.index_cast %rem3A_109 : i32 to index
      %get3A_393 = arith.constant 368 : index
      %get3A_394 = tpu.vector_load %arg9[%get3A_392, %get3A_393] {strides = array<i32>} : memref<3x400xi32, #tpu.memory_space<vmem>>, vector<1x16xi32>,
      %get3A_395 = vector.shape_cast %get3A_394 : vector<1x16xi32> to vector<16xi32>
      %add3A_396 = vector.broadcast %mul3A_6 : i32 to vector<16xi32>
      %add3A_397 = arith.addi %get3A_395, %add3A_396 : vector<16xi32>
      %swap3A_398 = arith.index_cast %rem3A_109 : i32 to index
      %swap3A_399 = arith.constant 368 : index
      %swap3A_400 = tpu.vector_load %arg9[%swap3A_398, %swap3A_399] {strides = array<i32>} : memref<3x400xi32, #tpu.memory_space<vmem>>, vector<1x16xi32>,
      %swap3A_401 = vector.shape_cast %swap3A_400 : vector<1x16xi32> to vector<16xi32>
      %swap3A_402 = vector.shape_cast %add3A_397 : vector<16xi32> to vector<1x16xi32>
      tpu.vector_store %arg9[%swap3A_398, %swap3A_399], %swap3A_402 {strides = array<i32>} : memref<3x400xi32, #tpu.memory_space<vmem>>, vector<1x16xi32>,
      %get3A_403 = arith.index_cast %rem3A_109 : i32 to index
      %get3A_404 = arith.constant 384 : index
      %get3A_405 = tpu.vector_load %arg9[%get3A_403, %get3A_404] {strides = array<i32>} : memref<3x400xi32, #tpu.memory_space<vmem>>, vector<1x16xi32>,
      %get3A_406 = vector.shape_cast %get3A_405 : vector<1x16xi32> to vector<16xi32>
      %add3A_407 = vector.broadcast %mul3A_6 : i32 to vector<16xi32>
      %add3A_408 = arith.addi %get3A_406, %add3A_407 : vector<16xi32>
      %swap3A_409 = arith.index_cast %rem3A_109 : i32 to index
      %swap3A_410 = arith.constant 384 : index
      %swap3A_411 = tpu.vector_load %arg9[%swap3A_409, %swap3A_410] {strides = array<i32>} : memref<3x400xi32, #tpu.memory_space<vmem>>, vector<1x16xi32>,
      %swap3A_412 = vector.shape_cast %swap3A_411 : vector<1x16xi32> to vector<16xi32>
      %swap3A_413 = vector.shape_cast %add3A_408 : vector<16xi32> to vector<1x16xi32>
      tpu.vector_store %arg9[%swap3A_409, %swap3A_410], %swap3A_413 {strides = array<i32>} : memref<3x400xi32, #tpu.memory_space<vmem>>, vector<1x16xi32>,
      %scan3A_414 = arith.constant 0 : i32
      %scan3A_415 = arith.constant 0 : i32
      %scan3A_416 = arith.constant 5 : i32
      %scan3A_417 = arith.addi %scan3A_415, %scan3A_416 : i32
      %scan3A_418 = arith.constant 1 : i32
      %scan3A_419 = scf.for %scan3A_445 = %scan3A_415 to %scan3A_417 step %scan3A_418 iter_args(%scan3A_446 = %scan3A_414) -> (i32)  : i32 {
        %rem3A_447 = arith.constant 0 : i32
        %rem3A_448 = arith.constant 2 : i32
        %rem3A_449 = arith.remsi %rem3A_447, %rem3A_448 : i32
        %rem3A_450 = arith.constant 0 : i32
        %rem3A_451 = arith.constant 3 : i32
        %rem3A_452 = arith.remsi %rem3A_450, %rem3A_451 : i32
        %mul3A_453 = arith.constant 80 : i32
        %mul3A_454 = arith.muli %scan3A_445, %mul3A_453 : i32
        %dma_start3A_455 = arith.constant 0 : i32
        %dma_start3A_456 = arith.constant 0 : i32
        %dma_start3A_457 = tpu.memref_slice %arg12[%rem3A_449, %scan3A_445, %dma_start3A_455, %dma_start3A_456] : memref<2x5x80x64xf32, #tpu.memory_space<vmem>> -> memref<1x1x80x64xf32, #tpu.memory_space<vmem>>
        %dma_start3A_458 = tpu.memref_squeeze %dma_start3A_457 : memref<1x1x80x64xf32, #tpu.memory_space<vmem>> -> memref<80x64xf32, #tpu.memory_space<vmem>>
        %dma_start3A_459 = tpu.memref_slice %arg9[%rem3A_452, %mul3A_454] : memref<3x400xi32, #tpu.memory_space<vmem>> -> memref<1x80xi32, #tpu.memory_space<vmem>>
        %dma_start3A_460 = tpu.memref_squeeze %dma_start3A_459 : memref<1x80xi32, #tpu.memory_space<vmem>> -> memref<80xi32, #tpu.memory_space<vmem>>
        %dma_start3A_461 = arith.constant 0 : i32
        %dma_start3A_462 = arith.constant 0 : i32
        %dma_start3A_463 = tpu.memref_slice %arg6[%dma_start3A_461, %dma_start3A_462] : memref<20000x64xf32, #tpu.memory_space<hbm>> -> memref<20000x64xf32, #tpu.memory_space<hbm>>
        %dma_start3A_464 = tpu.memref_slice %arg16[%rem3A_449, %scan3A_445] : memref<2x5x!tpu.dma_semaphore, #tpu.memory_space<semaphore_mem>> -> memref<1x1x!tpu.dma_semaphore, #tpu.memory_space<semaphore_mem>>
        %dma_start3A_465 = tpu.memref_squeeze %dma_start3A_464 : memref<1x1x!tpu.dma_semaphore, #tpu.memory_space<semaphore_mem>> -> memref<!tpu.dma_semaphore, #tpu.memory_space<semaphore_mem>>
        tpu.enqueue_indirect_dma source(%dma_start3A_463 : memref<20000x64xf32, #tpu.memory_space<hbm>>) target(%dma_start3A_458 : memref<80x64xf32, #tpu.memory_space<vmem>>) offsets(%dma_start3A_460 : memref<80xi32, #tpu.memory_space<vmem>>) semaphore(%dma_start3A_465 : memref<!tpu.dma_semaphore, #tpu.memory_space<semaphore_mem>>)
        %scan3A_466 = arith.constant 0 : i32
        scf.yield %scan3A_466 : i32
      }
      %scan3A_420 = arith.constant 5 : i32
      %scan3A_421 = arith.constant 0 : i32
      %scan3A_422 = arith.constant 0 : i32
      %scan3A_423 = arith.constant 50 : i32
      %scan3A_424 = arith.addi %scan3A_422, %scan3A_423 : i32
      %scan3A_425 = arith.constant 1 : i32
      %scan3A_426 = scf.for %scan3A_445 = %scan3A_422 to %scan3A_424 step %scan3A_425 iter_args(%scan3A_446 = %scan3A_421) -> (i32)  : i32 {
        %lt3A = arith.constant 49 : i32
        %lt3A_447 = arith.cmpi slt, %scan3A_445, %lt3A : i32
        %convert_element_type3A_448 = arith.extui %lt3A_447 : i1 to i32
        %cond3A_449 = arith.constant 0 : i32
        %cond3A_450 = arith.cmpi ne, %convert_element_type3A_448, %cond3A_449 : i32
        scf.if %cond3A_450 {
          %add3A_464 = arith.constant 1 : i32
          %add3A_465 = arith.addi %scan3A_445, %add3A_464 : i32
          %rem3A_466 = arith.constant 3 : i32
          %rem3A_467 = arith.remsi %add3A_465, %rem3A_466 : i32
          %mul3A_468 = arith.constant 400 : i32
          %mul3A_469 = arith.muli %add3A_465, %mul3A_468 : i32
          %add3A_470 = arith.addi %mul3A_2, %mul3A_469 : i32
          %dma_wait3A_471 = arith.constant 1 : i32
          %dma_wait3A_472 = arith.constant 0 : i32
          %dma_wait3A_473 = tpu.memref_slice %arg9[%rem3A_467, %dma_wait3A_472] : memref<3x400xi32, #tpu.memory_space<vmem>> -> memref<1x400xi32, #tpu.memory_space<vmem>>
          %dma_wait3A_474 = tpu.memref_squeeze %dma_wait3A_473 : memref<1x400xi32, #tpu.memory_space<vmem>> -> memref<400xi32, #tpu.memory_space<vmem>>
          %dma_wait3A_475 = tpu.memref_slice %arg2[%dma_wait3A_471, %add3A_470] : memref<2x320000xi32, #tpu.memory_space<hbm>> -> memref<1x400xi32, #tpu.memory_space<hbm>>
          %dma_wait3A_476 = tpu.memref_squeeze %dma_wait3A_475 : memref<1x400xi32, #tpu.memory_space<hbm>> -> memref<400xi32, #tpu.memory_space<hbm>>
          %dma_wait3A_477 = tpu.memref_slice %arg15[%rem3A_467] : memref<3x!tpu.dma_semaphore, #tpu.memory_space<semaphore_mem>> -> memref<1x!tpu.dma_semaphore, #tpu.memory_space<semaphore_mem>>
          %dma_wait3A_478 = tpu.memref_squeeze %dma_wait3A_477 : memref<1x!tpu.dma_semaphore, #tpu.memory_space<semaphore_mem>> -> memref<!tpu.dma_semaphore, #tpu.memory_space<semaphore_mem>>
          %dma_wait3A_479 = arith.constant 0 : i32
          %dma_wait3A_480 = tpu.memref_slice %arg9[%rem3A_467, %dma_wait3A_479] : memref<3x400xi32, #tpu.memory_space<vmem>> -> memref<1x400xi32, #tpu.memory_space<vmem>>
          %dma_wait3A_481 = tpu.memref_squeeze %dma_wait3A_480 : memref<1x400xi32, #tpu.memory_space<vmem>> -> memref<400xi32, #tpu.memory_space<vmem>>
          %dma_wait3A_482 = tpu.memref_slice %arg2[%dma_wait3A_471, %add3A_470] : memref<2x320000xi32, #tpu.memory_space<hbm>> -> memref<1x400xi32, #tpu.memory_space<hbm>>
          %dma_wait3A_483 = tpu.memref_squeeze %dma_wait3A_482 : memref<1x400xi32, #tpu.memory_space<hbm>> -> memref<400xi32, #tpu.memory_space<hbm>>
          tpu.wait_dma2 semaphore(%dma_wait3A_478 : memref<!tpu.dma_semaphore, #tpu.memory_space<semaphore_mem>>) src(%dma_wait3A_483 : memref<400xi32, #tpu.memory_space<hbm>>) dst(%dma_wait3A_481 : memref<400xi32, #tpu.memory_space<vmem>>)
          %scan3A_484 = arith.constant 0 : i32
          %scan3A_485 = arith.constant 0 : i32
          %scan3A_486 = arith.constant 5 : i32
          %scan3A_487 = arith.addi %scan3A_485, %scan3A_486 : i32
          %scan3A_488 = arith.constant 1 : i32
          %scan3A_489 = scf.for %scan3A_776 = %scan3A_485 to %scan3A_487 step %scan3A_488 iter_args(%scan3A_777 = %scan3A_484) -> (i32)  : i32 {
            %mul3A_778 = arith.constant 80 : i32
            %mul3A_779 = arith.muli %scan3A_776, %mul3A_778 : i32
            %add3A_780 = arith.addi %add3A_470, %mul3A_779 : i32
            %dma_wait3A_781 = arith.constant 0 : i32
            %dma_wait3A_782 = arith.constant 0 : i32
            %dma_wait3A_783 = tpu.memref_slice %arg10[%rem3A_467, %scan3A_776, %dma_wait3A_782] : memref<3x5x80xi32, #tpu.memory_space<vmem>> -> memref<1x1x80xi32, #tpu.memory_space<vmem>>
            %dma_wait3A_784 = tpu.memref_squeeze %dma_wait3A_783 : memref<1x1x80xi32, #tpu.memory_space<vmem>> -> memref<80xi32, #tpu.memory_space<vmem>>
            %dma_wait3A_785 = tpu.memref_slice %arg2[%dma_wait3A_781, %add3A_780] : memref<2x320000xi32, #tpu.memory_space<hbm>> -> memref<1x80xi32, #tpu.memory_space<hbm>>
            %dma_wait3A_786 = tpu.memref_squeeze %dma_wait3A_785 : memref<1x80xi32, #tpu.memory_space<hbm>> -> memref<80xi32, #tpu.memory_space<hbm>>
            %dma_wait3A_787 = tpu.memref_slice %arg15[%rem3A_467] : memref<3x!tpu.dma_semaphore, #tpu.memory_space<semaphore_mem>> -> memref<1x!tpu.dma_semaphore, #tpu.memory_space<semaphore_mem>>
            %dma_wait3A_788 = tpu.memref_squeeze %dma_wait3A_787 : memref<1x!tpu.dma_semaphore, #tpu.memory_space<semaphore_mem>> -> memref<!tpu.dma_semaphore, #tpu.memory_space<semaphore_mem>>
            %dma_wait3A_789 = arith.constant 0 : i32
            %dma_wait3A_790 = tpu.memref_slice %arg10[%rem3A_467, %scan3A_776, %dma_wait3A_789] : memref<3x5x80xi32, #tpu.memory_space<vmem>> -> memref<1x1x80xi32, #tpu.memory_space<vmem>>
            %dma_wait3A_791 = tpu.memref_squeeze %dma_wait3A_790 : memref<1x1x80xi32, #tpu.memory_space<vmem>> -> memref<80xi32, #tpu.memory_space<vmem>>
            %dma_wait3A_792 = tpu.memref_slice %arg2[%dma_wait3A_781, %add3A_780] : memref<2x320000xi32, #tpu.memory_space<hbm>> -> memref<1x80xi32, #tpu.memory_space<hbm>>
            %dma_wait3A_793 = tpu.memref_squeeze %dma_wait3A_792 : memref<1x80xi32, #tpu.memory_space<hbm>> -> memref<80xi32, #tpu.memory_space<hbm>>
            tpu.wait_dma2 semaphore(%dma_wait3A_788 : memref<!tpu.dma_semaphore, #tpu.memory_space<semaphore_mem>>) src(%dma_wait3A_793 : memref<80xi32, #tpu.memory_space<hbm>>) dst(%dma_wait3A_791 : memref<80xi32, #tpu.memory_space<vmem>>)
            %scan3A_794 = arith.constant 0 : i32
            scf.yield %scan3A_794 : i32
          }
          %scan3A_490 = arith.constant 5 : i32
          %dma_wait3A_491 = arith.constant 0 : i32
          %dma_wait3A_492 = tpu.memref_slice %arg11[%rem3A_467, %dma_wait3A_491] : memref<3x400xf32, #tpu.memory_space<vmem>> -> memref<1x400xf32, #tpu.memory_space<vmem>>
          %dma_wait3A_493 = tpu.memref_squeeze %dma_wait3A_492 : memref<1x400xf32, #tpu.memory_space<vmem>> -> memref<400xf32, #tpu.memory_space<vmem>>
          %dma_wait3A_494 = tpu.memref_slice %arg3[%add3A_470] : memref<320000xf32, #tpu.memory_space<hbm>> -> memref<400xf32, #tpu.memory_space<hbm>>
          %dma_wait3A_495 = tpu.memref_slice %arg15[%rem3A_467] : memref<3x!tpu.dma_semaphore, #tpu.memory_space<semaphore_mem>> -> memref<1x!tpu.dma_semaphore, #tpu.memory_space<semaphore_mem>>
          %dma_wait3A_496 = tpu.memref_squeeze %dma_wait3A_495 : memref<1x!tpu.dma_semaphore, #tpu.memory_space<semaphore_mem>> -> memref<!tpu.dma_semaphore, #tpu.memory_space<semaphore_mem>>
          %dma_wait3A_497 = arith.constant 0 : i32
          %dma_wait3A_498 = tpu.memref_slice %arg11[%rem3A_467, %dma_wait3A_497] : memref<3x400xf32, #tpu.memory_space<vmem>> -> memref<1x400xf32, #tpu.memory_space<vmem>>
          %dma_wait3A_499 = tpu.memref_squeeze %dma_wait3A_498 : memref<1x400xf32, #tpu.memory_space<vmem>> -> memref<400xf32, #tpu.memory_space<vmem>>
          %dma_wait3A_500 = tpu.memref_slice %arg3[%add3A_470] : memref<320000xf32, #tpu.memory_space<hbm>> -> memref<400xf32, #tpu.memory_space<hbm>>
          tpu.wait_dma2 semaphore(%dma_wait3A_496 : memref<!tpu.dma_semaphore, #tpu.memory_space<semaphore_mem>>) src(%dma_wait3A_500 : memref<400xf32, #tpu.memory_space<hbm>>) dst(%dma_wait3A_499 : memref<400xf32, #tpu.memory_space<vmem>>)
          %get3A_501 = arith.index_cast %rem3A_467 : i32 to index
          %get3A_502 = arith.constant 0 : index
          %get3A_503 = tpu.vector_load %arg9[%get3A_501, %get3A_502] {strides = array<i32>} : memref<3x400xi32, #tpu.memory_space<vmem>>, vector<1x16xi32>,
          %get3A_504 = vector.shape_cast %get3A_503 : vector<1x16xi32> to vector<16xi32>
          %add3A_505 = vector.broadcast %mul3A_6 : i32 to vector<16xi32>
          %add3A_506 = arith.addi %get3A_504, %add3A_505 : vector<16xi32>
          %swap3A_507 = arith.index_cast %rem3A_467 : i32 to index
          %swap3A_508 = arith.constant 0 : index
          %swap3A_509 = tpu.vector_load %arg9[%swap3A_507, %swap3A_508] {strides = array<i32>} : memref<3x400xi32, #tpu.memory_space<vmem>>, vector<1x16xi32>,
          %swap3A_510 = vector.shape_cast %swap3A_509 : vector<1x16xi32> to vector<16xi32>
          %swap3A_511 = vector.shape_cast %add3A_506 : vector<16xi32> to vector<1x16xi32>
          tpu.vector_store %arg9[%swap3A_507, %swap3A_508], %swap3A_511 {strides = array<i32>} : memref<3x400xi32, #tpu.memory_space<vmem>>, vector<1x16xi32>,
          %get3A_512 = arith.index_cast %rem3A_467 : i32 to index
          %get3A_513 = arith.constant 16 : index
          %get3A_514 = tpu.vector_load %arg9[%get3A_512, %get3A_513] {strides = array<i32>} : memref<3x400xi32, #tpu.memory_space<vmem>>, vector<1x16xi32>,
          %get3A_515 = vector.shape_cast %get3A_514 : vector<1x16xi32> to vector<16xi32>
          %add3A_516 = vector.broadcast %mul3A_6 : i32 to vector<16xi32>
          %add3A_517 = arith.addi %get3A_515, %add3A_516 : vector<16xi32>
          %swap3A_518 = arith.index_cast %rem3A_467 : i32 to index
          %swap3A_519 = arith.constant 16 : index
          %swap3A_520 = tpu.vector_load %arg9[%swap3A_518, %swap3A_519] {strides = array<i32>} : memref<3x400xi32, #tpu.memory_space<vmem>>, vector<1x16xi32>,
          %swap3A_521 = vector.shape_cast %swap3A_520 : vector<1x16xi32> to vector<16xi32>
          %swap3A_522 = vector.shape_cast %add3A_517 : vector<16xi32> to vector<1x16xi32>
          tpu.vector_store %arg9[%swap3A_518, %swap3A_519], %swap3A_522 {strides = array<i32>} : memref<3x400xi32, #tpu.memory_space<vmem>>, vector<1x16xi32>,
          %get3A_523 = arith.index_cast %rem3A_467 : i32 to index
          %get3A_524 = arith.constant 32 : index
          %get3A_525 = tpu.vector_load %arg9[%get3A_523, %get3A_524] {strides = array<i32>} : memref<3x400xi32, #tpu.memory_space<vmem>>, vector<1x16xi32>,
          %get3A_526 = vector.shape_cast %get3A_525 : vector<1x16xi32> to vector<16xi32>
          %add3A_527 = vector.broadcast %mul3A_6 : i32 to vector<16xi32>
          %add3A_528 = arith.addi %get3A_526, %add3A_527 : vector<16xi32>
          %swap3A_529 = arith.index_cast %rem3A_467 : i32 to index
          %swap3A_530 = arith.constant 32 : index
          %swap3A_531 = tpu.vector_load %arg9[%swap3A_529, %swap3A_530] {strides = array<i32>} : memref<3x400xi32, #tpu.memory_space<vmem>>, vector<1x16xi32>,
          %swap3A_532 = vector.shape_cast %swap3A_531 : vector<1x16xi32> to vector<16xi32>
          %swap3A_533 = vector.shape_cast %add3A_528 : vector<16xi32> to vector<1x16xi32>
          tpu.vector_store %arg9[%swap3A_529, %swap3A_530], %swap3A_533 {strides = array<i32>} : memref<3x400xi32, #tpu.memory_space<vmem>>, vector<1x16xi32>,
          %get3A_534 = arith.index_cast %rem3A_467 : i32 to index
          %get3A_535 = arith.constant 48 : index
          %get3A_536 = tpu.vector_load %arg9[%get3A_534, %get3A_535] {strides = array<i32>} : memref<3x400xi32, #tpu.memory_space<vmem>>, vector<1x16xi32>,
          %get3A_537 = vector.shape_cast %get3A_536 : vector<1x16xi32> to vector<16xi32>
          %add3A_538 = vector.broadcast %mul3A_6 : i32 to vector<16xi32>
          %add3A_539 = arith.addi %get3A_537, %add3A_538 : vector<16xi32>
          %swap3A_540 = arith.index_cast %rem3A_467 : i32 to index
          %swap3A_541 = arith.constant 48 : index
          %swap3A_542 = tpu.vector_load %arg9[%swap3A_540, %swap3A_541] {strides = array<i32>} : memref<3x400xi32, #tpu.memory_space<vmem>>, vector<1x16xi32>,
          %swap3A_543 = vector.shape_cast %swap3A_542 : vector<1x16xi32> to vector<16xi32>
          %swap3A_544 = vector.shape_cast %add3A_539 : vector<16xi32> to vector<1x16xi32>
          tpu.vector_store %arg9[%swap3A_540, %swap3A_541], %swap3A_544 {strides = array<i32>} : memref<3x400xi32, #tpu.memory_space<vmem>>, vector<1x16xi32>,
          %get3A_545 = arith.index_cast %rem3A_467 : i32 to index
          %get3A_546 = arith.constant 64 : index
          %get3A_547 = tpu.vector_load %arg9[%get3A_545, %get3A_546] {strides = array<i32>} : memref<3x400xi32, #tpu.memory_space<vmem>>, vector<1x16xi32>,
          %get3A_548 = vector.shape_cast %get3A_547 : vector<1x16xi32> to vector<16xi32>
          %add3A_549 = vector.broadcast %mul3A_6 : i32 to vector<16xi32>
          %add3A_550 = arith.addi %get3A_548, %add3A_549 : vector<16xi32>
          %swap3A_551 = arith.index_cast %rem3A_467 : i32 to index
          %swap3A_552 = arith.constant 64 : index
          %swap3A_553 = tpu.vector_load %arg9[%swap3A_551, %swap3A_552] {strides = array<i32>} : memref<3x400xi32, #tpu.memory_space<vmem>>, vector<1x16xi32>,
          %swap3A_554 = vector.shape_cast %swap3A_553 : vector<1x16xi32> to vector<16xi32>
          %swap3A_555 = vector.shape_cast %add3A_550 : vector<16xi32> to vector<1x16xi32>
          tpu.vector_store %arg9[%swap3A_551, %swap3A_552], %swap3A_555 {strides = array<i32>} : memref<3x400xi32, #tpu.memory_space<vmem>>, vector<1x16xi32>,
          %get3A_556 = arith.index_cast %rem3A_467 : i32 to index
          %get3A_557 = arith.constant 80 : index
          %get3A_558 = tpu.vector_load %arg9[%get3A_556, %get3A_557] {strides = array<i32>} : memref<3x400xi32, #tpu.memory_space<vmem>>, vector<1x16xi32>,
          %get3A_559 = vector.shape_cast %get3A_558 : vector<1x16xi32> to vector<16xi32>
          %add3A_560 = vector.broadcast %mul3A_6 : i32 to vector<16xi32>
          %add3A_561 = arith.addi %get3A_559, %add3A_560 : vector<16xi32>
          %swap3A_562 = arith.index_cast %rem3A_467 : i32 to index
          %swap3A_563 = arith.constant 80 : index
          %swap3A_564 = tpu.vector_load %arg9[%swap3A_562, %swap3A_563] {strides = array<i32>} : memref<3x400xi32, #tpu.memory_space<vmem>>, vector<1x16xi32>,
          %swap3A_565 = vector.shape_cast %swap3A_564 : vector<1x16xi32> to vector<16xi32>
          %swap3A_566 = vector.shape_cast %add3A_561 : vector<16xi32> to vector<1x16xi32>
          tpu.vector_store %arg9[%swap3A_562, %swap3A_563], %swap3A_566 {strides = array<i32>} : memref<3x400xi32, #tpu.memory_space<vmem>>, vector<1x16xi32>,
          %get3A_567 = arith.index_cast %rem3A_467 : i32 to index
          %get3A_568 = arith.constant 96 : index
          %get3A_569 = tpu.vector_load %arg9[%get3A_567, %get3A_568] {strides = array<i32>} : memref<3x400xi32, #tpu.memory_space<vmem>>, vector<1x16xi32>,
          %get3A_570 = vector.shape_cast %get3A_569 : vector<1x16xi32> to vector<16xi32>
          %add3A_571 = vector.broadcast %mul3A_6 : i32 to vector<16xi32>
          %add3A_572 = arith.addi %get3A_570, %add3A_571 : vector<16xi32>
          %swap3A_573 = arith.index_cast %rem3A_467 : i32 to index
          %swap3A_574 = arith.constant 96 : index
          %swap3A_575 = tpu.vector_load %arg9[%swap3A_573, %swap3A_574] {strides = array<i32>} : memref<3x400xi32, #tpu.memory_space<vmem>>, vector<1x16xi32>,
          %swap3A_576 = vector.shape_cast %swap3A_575 : vector<1x16xi32> to vector<16xi32>
          %swap3A_577 = vector.shape_cast %add3A_572 : vector<16xi32> to vector<1x16xi32>
          tpu.vector_store %arg9[%swap3A_573, %swap3A_574], %swap3A_577 {strides = array<i32>} : memref<3x400xi32, #tpu.memory_space<vmem>>, vector<1x16xi32>,
          %get3A_578 = arith.index_cast %rem3A_467 : i32 to index
          %get3A_579 = arith.constant 112 : index
          %get3A_580 = tpu.vector_load %arg9[%get3A_578, %get3A_579] {strides = array<i32>} : memref<3x400xi32, #tpu.memory_space<vmem>>, vector<1x16xi32>,
          %get3A_581 = vector.shape_cast %get3A_580 : vector<1x16xi32> to vector<16xi32>
          %add3A_582 = vector.broadcast %mul3A_6 : i32 to vector<16xi32>
          %add3A_583 = arith.addi %get3A_581, %add3A_582 : vector<16xi32>
          %swap3A_584 = arith.index_cast %rem3A_467 : i32 to index
          %swap3A_585 = arith.constant 112 : index
          %swap3A_586 = tpu.vector_load %arg9[%swap3A_584, %swap3A_585] {strides = array<i32>} : memref<3x400xi32, #tpu.memory_space<vmem>>, vector<1x16xi32>,
          %swap3A_587 = vector.shape_cast %swap3A_586 : vector<1x16xi32> to vector<16xi32>
          %swap3A_588 = vector.shape_cast %add3A_583 : vector<16xi32> to vector<1x16xi32>
          tpu.vector_store %arg9[%swap3A_584, %swap3A_585], %swap3A_588 {strides = array<i32>} : memref<3x400xi32, #tpu.memory_space<vmem>>, vector<1x16xi32>,
          %get3A_589 = arith.index_cast %rem3A_467 : i32 to index
          %get3A_590 = arith.constant 128 : index
          %get3A_591 = tpu.vector_load %arg9[%get3A_589, %get3A_590] {strides = array<i32>} : memref<3x400xi32, #tpu.memory_space<vmem>>, vector<1x16xi32>,
          %get3A_592 = vector.shape_cast %get3A_591 : vector<1x16xi32> to vector<16xi32>
          %add3A_593 = vector.broadcast %mul3A_6 : i32 to vector<16xi32>
          %add3A_594 = arith.addi %get3A_592, %add3A_593 : vector<16xi32>
          %swap3A_595 = arith.index_cast %rem3A_467 : i32 to index
          %swap3A_596 = arith.constant 128 : index
          %swap3A_597 = tpu.vector_load %arg9[%swap3A_595, %swap3A_596] {strides = array<i32>} : memref<3x400xi32, #tpu.memory_space<vmem>>, vector<1x16xi32>,
          %swap3A_598 = vector.shape_cast %swap3A_597 : vector<1x16xi32> to vector<16xi32>
          %swap3A_599 = vector.shape_cast %add3A_594 : vector<16xi32> to vector<1x16xi32>
          tpu.vector_store %arg9[%swap3A_595, %swap3A_596], %swap3A_599 {strides = array<i32>} : memref<3x400xi32, #tpu.memory_space<vmem>>, vector<1x16xi32>,
          %get3A_600 = arith.index_cast %rem3A_467 : i32 to index
          %get3A_601 = arith.constant 144 : index
          %get3A_602 = tpu.vector_load %arg9[%get3A_600, %get3A_601] {strides = array<i32>} : memref<3x400xi32, #tpu.memory_space<vmem>>, vector<1x16xi32>,
          %get3A_603 = vector.shape_cast %get3A_602 : vector<1x16xi32> to vector<16xi32>
          %add3A_604 = vector.broadcast %mul3A_6 : i32 to vector<16xi32>
          %add3A_605 = arith.addi %get3A_603, %add3A_604 : vector<16xi32>
          %swap3A_606 = arith.index_cast %rem3A_467 : i32 to index
          %swap3A_607 = arith.constant 144 : index
          %swap3A_608 = tpu.vector_load %arg9[%swap3A_606, %swap3A_607] {strides = array<i32>} : memref<3x400xi32, #tpu.memory_space<vmem>>, vector<1x16xi32>,
          %swap3A_609 = vector.shape_cast %swap3A_608 : vector<1x16xi32> to vector<16xi32>
          %swap3A_610 = vector.shape_cast %add3A_605 : vector<16xi32> to vector<1x16xi32>
          tpu.vector_store %arg9[%swap3A_606, %swap3A_607], %swap3A_610 {strides = array<i32>} : memref<3x400xi32, #tpu.memory_space<vmem>>, vector<1x16xi32>,
          %get3A_611 = arith.index_cast %rem3A_467 : i32 to index
          %get3A_612 = arith.constant 160 : index
          %get3A_613 = tpu.vector_load %arg9[%get3A_611, %get3A_612] {strides = array<i32>} : memref<3x400xi32, #tpu.memory_space<vmem>>, vector<1x16xi32>,
          %get3A_614 = vector.shape_cast %get3A_613 : vector<1x16xi32> to vector<16xi32>
          %add3A_615 = vector.broadcast %mul3A_6 : i32 to vector<16xi32>
          %add3A_616 = arith.addi %get3A_614, %add3A_615 : vector<16xi32>
          %swap3A_617 = arith.index_cast %rem3A_467 : i32 to index
          %swap3A_618 = arith.constant 160 : index
          %swap3A_619 = tpu.vector_load %arg9[%swap3A_617, %swap3A_618] {strides = array<i32>} : memref<3x400xi32, #tpu.memory_space<vmem>>, vector<1x16xi32>,
          %swap3A_620 = vector.shape_cast %swap3A_619 : vector<1x16xi32> to vector<16xi32>
          %swap3A_621 = vector.shape_cast %add3A_616 : vector<16xi32> to vector<1x16xi32>
          tpu.vector_store %arg9[%swap3A_617, %swap3A_618], %swap3A_621 {strides = array<i32>} : memref<3x400xi32, #tpu.memory_space<vmem>>, vector<1x16xi32>,
          %get3A_622 = arith.index_cast %rem3A_467 : i32 to index
          %get3A_623 = arith.constant 176 : index
          %get3A_624 = tpu.vector_load %arg9[%get3A_622, %get3A_623] {strides = array<i32>} : memref<3x400xi32, #tpu.memory_space<vmem>>, vector<1x16xi32>,
          %get3A_625 = vector.shape_cast %get3A_624 : vector<1x16xi32> to vector<16xi32>
          %add3A_626 = vector.broadcast %mul3A_6 : i32 to vector<16xi32>
          %add3A_627 = arith.addi %get3A_625, %add3A_626 : vector<16xi32>
          %swap3A_628 = arith.index_cast %rem3A_467 : i32 to index
          %swap3A_629 = arith.constant 176 : index
          %swap3A_630 = tpu.vector_load %arg9[%swap3A_628, %swap3A_629] {strides = array<i32>} : memref<3x400xi32, #tpu.memory_space<vmem>>, vector<1x16xi32>,
          %swap3A_631 = vector.shape_cast %swap3A_630 : vector<1x16xi32> to vector<16xi32>
          %swap3A_632 = vector.shape_cast %add3A_627 : vector<16xi32> to vector<1x16xi32>
          tpu.vector_store %arg9[%swap3A_628, %swap3A_629], %swap3A_632 {strides = array<i32>} : memref<3x400xi32, #tpu.memory_space<vmem>>, vector<1x16xi32>,
          %get3A_633 = arith.index_cast %rem3A_467 : i32 to index
          %get3A_634 = arith.constant 192 : index
          %get3A_635 = tpu.vector_load %arg9[%get3A_633, %get3A_634] {strides = array<i32>} : memref<3x400xi32, #tpu.memory_space<vmem>>, vector<1x16xi32>,
          %get3A_636 = vector.shape_cast %get3A_635 : vector<1x16xi32> to vector<16xi32>
          %add3A_637 = vector.broadcast %mul3A_6 : i32 to vector<16xi32>
          %add3A_638 = arith.addi %get3A_636, %add3A_637 : vector<16xi32>
          %swap3A_639 = arith.index_cast %rem3A_467 : i32 to index
          %swap3A_640 = arith.constant 192 : index
          %swap3A_641 = tpu.vector_load %arg9[%swap3A_639, %swap3A_640] {strides = array<i32>} : memref<3x400xi32, #tpu.memory_space<vmem>>, vector<1x16xi32>,
          %swap3A_642 = vector.shape_cast %swap3A_641 : vector<1x16xi32> to vector<16xi32>
          %swap3A_643 = vector.shape_cast %add3A_638 : vector<16xi32> to vector<1x16xi32>
          tpu.vector_store %arg9[%swap3A_639, %swap3A_640], %swap3A_643 {strides = array<i32>} : memref<3x400xi32, #tpu.memory_space<vmem>>, vector<1x16xi32>,
          %get3A_644 = arith.index_cast %rem3A_467 : i32 to index
          %get3A_645 = arith.constant 208 : index
          %get3A_646 = tpu.vector_load %arg9[%get3A_644, %get3A_645] {strides = array<i32>} : memref<3x400xi32, #tpu.memory_space<vmem>>, vector<1x16xi32>,
          %get3A_647 = vector.shape_cast %get3A_646 : vector<1x16xi32> to vector<16xi32>
          %add3A_648 = vector.broadcast %mul3A_6 : i32 to vector<16xi32>
          %add3A_649 = arith.addi %get3A_647, %add3A_648 : vector<16xi32>
          %swap3A_650 = arith.index_cast %rem3A_467 : i32 to index
          %swap3A_651 = arith.constant 208 : index
          %swap3A_652 = tpu.vector_load %arg9[%swap3A_650, %swap3A_651] {strides = array<i32>} : memref<3x400xi32, #tpu.memory_space<vmem>>, vector<1x16xi32>,
          %swap3A_653 = vector.shape_cast %swap3A_652 : vector<1x16xi32> to vector<16xi32>
          %swap3A_654 = vector.shape_cast %add3A_649 : vector<16xi32> to vector<1x16xi32>
          tpu.vector_store %arg9[%swap3A_650, %swap3A_651], %swap3A_654 {strides = array<i32>} : memref<3x400xi32, #tpu.memory_space<vmem>>, vector<1x16xi32>,
          %get3A_655 = arith.index_cast %rem3A_467 : i32 to index
          %get3A_656 = arith.constant 224 : index
          %get3A_657 = tpu.vector_load %arg9[%get3A_655, %get3A_656] {strides = array<i32>} : memref<3x400xi32, #tpu.memory_space<vmem>>, vector<1x16xi32>,
          %get3A_658 = vector.shape_cast %get3A_657 : vector<1x16xi32> to vector<16xi32>
          %add3A_659 = vector.broadcast %mul3A_6 : i32 to vector<16xi32>
          %add3A_660 = arith.addi %get3A_658, %add3A_659 : vector<16xi32>
          %swap3A_661 = arith.index_cast %rem3A_467 : i32 to index
          %swap3A_662 = arith.constant 224 : index
          %swap3A_663 = tpu.vector_load %arg9[%swap3A_661, %swap3A_662] {strides = array<i32>} : memref<3x400xi32, #tpu.memory_space<vmem>>, vector<1x16xi32>,
          %swap3A_664 = vector.shape_cast %swap3A_663 : vector<1x16xi32> to vector<16xi32>
          %swap3A_665 = vector.shape_cast %add3A_660 : vector<16xi32> to vector<1x16xi32>
          tpu.vector_store %arg9[%swap3A_661, %swap3A_662], %swap3A_665 {strides = array<i32>} : memref<3x400xi32, #tpu.memory_space<vmem>>, vector<1x16xi32>,
          %get3A_666 = arith.index_cast %rem3A_467 : i32 to index
          %get3A_667 = arith.constant 240 : index
          %get3A_668 = tpu.vector_load %arg9[%get3A_666, %get3A_667] {strides = array<i32>} : memref<3x400xi32, #tpu.memory_space<vmem>>, vector<1x16xi32>,
          %get3A_669 = vector.shape_cast %get3A_668 : vector<1x16xi32> to vector<16xi32>
          %add3A_670 = vector.broadcast %mul3A_6 : i32 to vector<16xi32>
          %add3A_671 = arith.addi %get3A_669, %add3A_670 : vector<16xi32>
          %swap3A_672 = arith.index_cast %rem3A_467 : i32 to index
          %swap3A_673 = arith.constant 240 : index
          %swap3A_674 = tpu.vector_load %arg9[%swap3A_672, %swap3A_673] {strides = array<i32>} : memref<3x400xi32, #tpu.memory_space<vmem>>, vector<1x16xi32>,
          %swap3A_675 = vector.shape_cast %swap3A_674 : vector<1x16xi32> to vector<16xi32>
          %swap3A_676 = vector.shape_cast %add3A_671 : vector<16xi32> to vector<1x16xi32>
          tpu.vector_store %arg9[%swap3A_672, %swap3A_673], %swap3A_676 {strides = array<i32>} : memref<3x400xi32, #tpu.memory_space<vmem>>, vector<1x16xi32>,
          %get3A_677 = arith.index_cast %rem3A_467 : i32 to index
          %get3A_678 = arith.constant 256 : index
          %get3A_679 = tpu.vector_load %arg9[%get3A_677, %get3A_678] {strides = array<i32>} : memref<3x400xi32, #tpu.memory_space<vmem>>, vector<1x16xi32>,
          %get3A_680 = vector.shape_cast %get3A_679 : vector<1x16xi32> to vector<16xi32>
          %add3A_681 = vector.broadcast %mul3A_6 : i32 to vector<16xi32>
          %add3A_682 = arith.addi %get3A_680, %add3A_681 : vector<16xi32>
          %swap3A_683 = arith.index_cast %rem3A_467 : i32 to index
          %swap3A_684 = arith.constant 256 : index
          %swap3A_685 = tpu.vector_load %arg9[%swap3A_683, %swap3A_684] {strides = array<i32>} : memref<3x400xi32, #tpu.memory_space<vmem>>, vector<1x16xi32>,
          %swap3A_686 = vector.shape_cast %swap3A_685 : vector<1x16xi32> to vector<16xi32>
          %swap3A_687 = vector.shape_cast %add3A_682 : vector<16xi32> to vector<1x16xi32>
          tpu.vector_store %arg9[%swap3A_683, %swap3A_684], %swap3A_687 {strides = array<i32>} : memref<3x400xi32, #tpu.memory_space<vmem>>, vector<1x16xi32>,
          %get3A_688 = arith.index_cast %rem3A_467 : i32 to index
          %get3A_689 = arith.constant 272 : index
          %get3A_690 = tpu.vector_load %arg9[%get3A_688, %get3A_689] {strides = array<i32>} : memref<3x400xi32, #tpu.memory_space<vmem>>, vector<1x16xi32>,
          %get3A_691 = vector.shape_cast %get3A_690 : vector<1x16xi32> to vector<16xi32>
          %add3A_692 = vector.broadcast %mul3A_6 : i32 to vector<16xi32>
          %add3A_693 = arith.addi %get3A_691, %add3A_692 : vector<16xi32>
          %swap3A_694 = arith.index_cast %rem3A_467 : i32 to index
          %swap3A_695 = arith.constant 272 : index
          %swap3A_696 = tpu.vector_load %arg9[%swap3A_694, %swap3A_695] {strides = array<i32>} : memref<3x400xi32, #tpu.memory_space<vmem>>, vector<1x16xi32>,
          %swap3A_697 = vector.shape_cast %swap3A_696 : vector<1x16xi32> to vector<16xi32>
          %swap3A_698 = vector.shape_cast %add3A_693 : vector<16xi32> to vector<1x16xi32>
          tpu.vector_store %arg9[%swap3A_694, %swap3A_695], %swap3A_698 {strides = array<i32>} : memref<3x400xi32, #tpu.memory_space<vmem>>, vector<1x16xi32>,
          %get3A_699 = arith.index_cast %rem3A_467 : i32 to index
          %get3A_700 = arith.constant 288 : index
          %get3A_701 = tpu.vector_load %arg9[%get3A_699, %get3A_700] {strides = array<i32>} : memref<3x400xi32, #tpu.memory_space<vmem>>, vector<1x16xi32>,
          %get3A_702 = vector.shape_cast %get3A_701 : vector<1x16xi32> to vector<16xi32>
          %add3A_703 = vector.broadcast %mul3A_6 : i32 to vector<16xi32>
          %add3A_704 = arith.addi %get3A_702, %add3A_703 : vector<16xi32>
          %swap3A_705 = arith.index_cast %rem3A_467 : i32 to index
          %swap3A_706 = arith.constant 288 : index
          %swap3A_707 = tpu.vector_load %arg9[%swap3A_705, %swap3A_706] {strides = array<i32>} : memref<3x400xi32, #tpu.memory_space<vmem>>, vector<1x16xi32>,
          %swap3A_708 = vector.shape_cast %swap3A_707 : vector<1x16xi32> to vector<16xi32>
          %swap3A_709 = vector.shape_cast %add3A_704 : vector<16xi32> to vector<1x16xi32>
          tpu.vector_store %arg9[%swap3A_705, %swap3A_706], %swap3A_709 {strides = array<i32>} : memref<3x400xi32, #tpu.memory_space<vmem>>, vector<1x16xi32>,
          %get3A_710 = arith.index_cast %rem3A_467 : i32 to index
          %get3A_711 = arith.constant 304 : index
          %get3A_712 = tpu.vector_load %arg9[%get3A_710, %get3A_711] {strides = array<i32>} : memref<3x400xi32, #tpu.memory_space<vmem>>, vector<1x16xi32>,
          %get3A_713 = vector.shape_cast %get3A_712 : vector<1x16xi32> to vector<16xi32>
          %add3A_714 = vector.broadcast %mul3A_6 : i32 to vector<16xi32>
          %add3A_715 = arith.addi %get3A_713, %add3A_714 : vector<16xi32>
          %swap3A_716 = arith.index_cast %rem3A_467 : i32 to index
          %swap3A_717 = arith.constant 304 : index
          %swap3A_718 = tpu.vector_load %arg9[%swap3A_716, %swap3A_717] {strides = array<i32>} : memref<3x400xi32, #tpu.memory_space<vmem>>, vector<1x16xi32>,
          %swap3A_719 = vector.shape_cast %swap3A_718 : vector<1x16xi32> to vector<16xi32>
          %swap3A_720 = vector.shape_cast %add3A_715 : vector<16xi32> to vector<1x16xi32>
          tpu.vector_store %arg9[%swap3A_716, %swap3A_717], %swap3A_720 {strides = array<i32>} : memref<3x400xi32, #tpu.memory_space<vmem>>, vector<1x16xi32>,
          %get3A_721 = arith.index_cast %rem3A_467 : i32 to index
          %get3A_722 = arith.constant 320 : index
          %get3A_723 = tpu.vector_load %arg9[%get3A_721, %get3A_722] {strides = array<i32>} : memref<3x400xi32, #tpu.memory_space<vmem>>, vector<1x16xi32>,
          %get3A_724 = vector.shape_cast %get3A_723 : vector<1x16xi32> to vector<16xi32>
          %add3A_725 = vector.broadcast %mul3A_6 : i32 to vector<16xi32>
          %add3A_726 = arith.addi %get3A_724, %add3A_725 : vector<16xi32>
          %swap3A_727 = arith.index_cast %rem3A_467 : i32 to index
          %swap3A_728 = arith.constant 320 : index
          %swap3A_729 = tpu.vector_load %arg9[%swap3A_727, %swap3A_728] {strides = array<i32>} : memref<3x400xi32, #tpu.memory_space<vmem>>, vector<1x16xi32>,
          %swap3A_730 = vector.shape_cast %swap3A_729 : vector<1x16xi32> to vector<16xi32>
          %swap3A_731 = vector.shape_cast %add3A_726 : vector<16xi32> to vector<1x16xi32>
          tpu.vector_store %arg9[%swap3A_727, %swap3A_728], %swap3A_731 {strides = array<i32>} : memref<3x400xi32, #tpu.memory_space<vmem>>, vector<1x16xi32>,
          %get3A_732 = arith.index_cast %rem3A_467 : i32 to index
          %get3A_733 = arith.constant 336 : index
          %get3A_734 = tpu.vector_load %arg9[%get3A_732, %get3A_733] {strides = array<i32>} : memref<3x400xi32, #tpu.memory_space<vmem>>, vector<1x16xi32>,
          %get3A_735 = vector.shape_cast %get3A_734 : vector<1x16xi32> to vector<16xi32>
          %add3A_736 = vector.broadcast %mul3A_6 : i32 to vector<16xi32>
          %add3A_737 = arith.addi %get3A_735, %add3A_736 : vector<16xi32>
          %swap3A_738 = arith.index_cast %rem3A_467 : i32 to index
          %swap3A_739 = arith.constant 336 : index
          %swap3A_740 = tpu.vector_load %arg9[%swap3A_738, %swap3A_739] {strides = array<i32>} : memref<3x400xi32, #tpu.memory_space<vmem>>, vector<1x16xi32>,
          %swap3A_741 = vector.shape_cast %swap3A_740 : vector<1x16xi32> to vector<16xi32>
          %swap3A_742 = vector.shape_cast %add3A_737 : vector<16xi32> to vector<1x16xi32>
          tpu.vector_store %arg9[%swap3A_738, %swap3A_739], %swap3A_742 {strides = array<i32>} : memref<3x400xi32, #tpu.memory_space<vmem>>, vector<1x16xi32>,
          %get3A_743 = arith.index_cast %rem3A_467 : i32 to index
          %get3A_744 = arith.constant 352 : index
          %get3A_745 = tpu.vector_load %arg9[%get3A_743, %get3A_744] {strides = array<i32>} : memref<3x400xi32, #tpu.memory_space<vmem>>, vector<1x16xi32>,
          %get3A_746 = vector.shape_cast %get3A_745 : vector<1x16xi32> to vector<16xi32>
          %add3A_747 = vector.broadcast %mul3A_6 : i32 to vector<16xi32>
          %add3A_748 = arith.addi %get3A_746, %add3A_747 : vector<16xi32>
          %swap3A_749 = arith.index_cast %rem3A_467 : i32 to index
          %swap3A_750 = arith.constant 352 : index
          %swap3A_751 = tpu.vector_load %arg9[%swap3A_749, %swap3A_750] {strides = array<i32>} : memref<3x400xi32, #tpu.memory_space<vmem>>, vector<1x16xi32>,
          %swap3A_752 = vector.shape_cast %swap3A_751 : vector<1x16xi32> to vector<16xi32>
          %swap3A_753 = vector.shape_cast %add3A_748 : vector<16xi32> to vector<1x16xi32>
          tpu.vector_store %arg9[%swap3A_749, %swap3A_750], %swap3A_753 {strides = array<i32>} : memref<3x400xi32, #tpu.memory_space<vmem>>, vector<1x16xi32>,
          %get3A_754 = arith.index_cast %rem3A_467 : i32 to index
          %get3A_755 = arith.constant 368 : index
          %get3A_756 = tpu.vector_load %arg9[%get3A_754, %get3A_755] {strides = array<i32>} : memref<3x400xi32, #tpu.memory_space<vmem>>, vector<1x16xi32>,
          %get3A_757 = vector.shape_cast %get3A_756 : vector<1x16xi32> to vector<16xi32>
          %add3A_758 = vector.broadcast %mul3A_6 : i32 to vector<16xi32>
          %add3A_759 = arith.addi %get3A_757, %add3A_758 : vector<16xi32>
          %swap3A_760 = arith.index_cast %rem3A_467 : i32 to index
          %swap3A_761 = arith.constant 368 : index
          %swap3A_762 = tpu.vector_load %arg9[%swap3A_760, %swap3A_761] {strides = array<i32>} : memref<3x400xi32, #tpu.memory_space<vmem>>, vector<1x16xi32>,
          %swap3A_763 = vector.shape_cast %swap3A_762 : vector<1x16xi32> to vector<16xi32>
          %swap3A_764 = vector.shape_cast %add3A_759 : vector<16xi32> to vector<1x16xi32>
          tpu.vector_store %arg9[%swap3A_760, %swap3A_761], %swap3A_764 {strides = array<i32>} : memref<3x400xi32, #tpu.memory_space<vmem>>, vector<1x16xi32>,
          %get3A_765 = arith.index_cast %rem3A_467 : i32 to index
          %get3A_766 = arith.constant 384 : index
          %get3A_767 = tpu.vector_load %arg9[%get3A_765, %get3A_766] {strides = array<i32>} : memref<3x400xi32, #tpu.memory_space<vmem>>, vector<1x16xi32>,
          %get3A_768 = vector.shape_cast %get3A_767 : vector<1x16xi32> to vector<16xi32>
          %add3A_769 = vector.broadcast %mul3A_6 : i32 to vector<16xi32>
          %add3A_770 = arith.addi %get3A_768, %add3A_769 : vector<16xi32>
          %swap3A_771 = arith.index_cast %rem3A_467 : i32 to index
          %swap3A_772 = arith.constant 384 : index
          %swap3A_773 = tpu.vector_load %arg9[%swap3A_771, %swap3A_772] {strides = array<i32>} : memref<3x400xi32, #tpu.memory_space<vmem>>, vector<1x16xi32>,
          %swap3A_774 = vector.shape_cast %swap3A_773 : vector<1x16xi32> to vector<16xi32>
          %swap3A_775 = vector.shape_cast %add3A_770 : vector<16xi32> to vector<1x16xi32>
          tpu.vector_store %arg9[%swap3A_771, %swap3A_772], %swap3A_775 {strides = array<i32>} : memref<3x400xi32, #tpu.memory_space<vmem>>, vector<1x16xi32>,
        } else {
        }
        %scan3A_451 = arith.constant 0 : i32
        %scan3A_452 = arith.constant 0 : i32
        %scan3A_453 = arith.constant 5 : i32
        %scan3A_454 = arith.addi %scan3A_452, %scan3A_453 : i32
        %scan3A_455 = arith.constant 1 : i32
        %scan3A_456 = scf.for %scan3A_464 = %scan3A_452 to %scan3A_454 step %scan3A_455 iter_args(%scan3A_465 = %scan3A_451) -> (i32)  : i32 {
          %gt3A = arith.constant 0 : i32
          %gt3A_466 = arith.cmpi sgt, %scan3A_445, %gt3A : i32
          %convert_element_type3A_467 = arith.extui %gt3A_466 : i1 to i32
          %cond3A_468 = arith.constant 0 : i32
          %cond3A_469 = arith.cmpi ne, %convert_element_type3A_467, %cond3A_468 : i32
          scf.if %cond3A_469 {
            %sub3A = arith.constant 1 : i32
            %sub3A_520 = arith.subi %scan3A_445, %sub3A : i32
            %rem3A_521 = arith.constant 2 : i32
            %rem3A_522 = arith.remsi %sub3A_520, %rem3A_521 : i32
            %rem3A_523 = arith.constant 3 : i32
            %rem3A_524 = arith.remsi %sub3A_520, %rem3A_523 : i32
            %dma_wait3A_525 = arith.constant 0 : i32
            %dma_wait3A_526 = arith.constant 0 : i32
            %dma_wait3A_527 = tpu.memref_slice %arg12[%rem3A_522, %scan3A_464, %dma_wait3A_525, %dma_wait3A_526] : memref<2x5x80x64xf32, #tpu.memory_space<vmem>> -> memref<1x1x80x64xf32, #tpu.memory_space<vmem>>
            %dma_wait3A_528 = tpu.memref_squeeze %dma_wait3A_527 : memref<1x1x80x64xf32, #tpu.memory_space<vmem>> -> memref<80x64xf32, #tpu.memory_space<vmem>>
            %dma_wait3A_529 = arith.constant 0 : i32
            %dma_wait3A_530 = tpu.memref_slice %arg10[%rem3A_524, %scan3A_464, %dma_wait3A_529] : memref<3x5x80xi32, #tpu.memory_space<vmem>> -> memref<1x1x80xi32, #tpu.memory_space<vmem>>
            %dma_wait3A_531 = tpu.memref_squeeze %dma_wait3A_530 : memref<1x1x80xi32, #tpu.memory_space<vmem>> -> memref<80xi32, #tpu.memory_space<vmem>>
            %dma_wait3A_532 = arith.constant 0 : i32
            %dma_wait3A_533 = arith.constant 0 : i32
            %dma_wait3A_534 = tpu.memref_slice %arg8[%dma_wait3A_532, %dma_wait3A_533] : memref<10000x64xf32, #tpu.memory_space<vmem_shared>> -> memref<10000x64xf32, #tpu.memory_space<vmem_shared>>
            %dma_wait3A_535 = tpu.memref_slice %arg17[%rem3A_522, %scan3A_464] : memref<2x5x!tpu.dma_semaphore, #tpu.memory_space<semaphore_mem>> -> memref<1x1x!tpu.dma_semaphore, #tpu.memory_space<semaphore_mem>>
            %dma_wait3A_536 = tpu.memref_squeeze %dma_wait3A_535 : memref<1x1x!tpu.dma_semaphore, #tpu.memory_space<semaphore_mem>> -> memref<!tpu.dma_semaphore, #tpu.memory_space<semaphore_mem>>
            tpu.wait_indirect_dma semaphore(%dma_wait3A_536 : memref<!tpu.dma_semaphore, #tpu.memory_space<semaphore_mem>>) src(%dma_wait3A_528 : memref<80x64xf32, #tpu.memory_space<vmem>>) dst(%dma_wait3A_534 : memref<10000x64xf32, #tpu.memory_space<vmem_shared>>)
          } else {
          }
          %lt3A_470 = arith.constant 49 : i32
          %lt3A_471 = arith.cmpi slt, %scan3A_445, %lt3A_470 : i32
          %convert_element_type3A_472 = arith.extui %lt3A_471 : i1 to i32
          %cond3A_473 = arith.constant 0 : i32
          %cond3A_474 = arith.cmpi ne, %convert_element_type3A_472, %cond3A_473 : i32
          scf.if %cond3A_474 {
            %add3A_520 = arith.constant 1 : i32
            %add3A_521 = arith.addi %scan3A_445, %add3A_520 : i32
            %rem3A_522 = arith.constant 2 : i32
            %rem3A_523 = arith.remsi %add3A_521, %rem3A_522 : i32
            %rem3A_524 = arith.constant 3 : i32
            %rem3A_525 = arith.remsi %add3A_521, %rem3A_524 : i32
            %mul3A_526 = arith.constant 80 : i32
            %mul3A_527 = arith.muli %scan3A_464, %mul3A_526 : i32
            %dma_start3A_528 = arith.constant 0 : i32
            %dma_start3A_529 = arith.constant 0 : i32
            %dma_start3A_530 = tpu.memref_slice %arg12[%rem3A_523, %scan3A_464, %dma_start3A_528, %dma_start3A_529] : memref<2x5x80x64xf32, #tpu.memory_space<vmem>> -> memref<1x1x80x64xf32, #tpu.memory_space<vmem>>
            %dma_start3A_531 = tpu.memref_squeeze %dma_start3A_530 : memref<1x1x80x64xf32, #tpu.memory_space<vmem>> -> memref<80x64xf32, #tpu.memory_space<vmem>>
            %dma_start3A_532 = tpu.memref_slice %arg9[%rem3A_525, %mul3A_527] : memref<3x400xi32, #tpu.memory_space<vmem>> -> memref<1x80xi32, #tpu.memory_space<vmem>>
            %dma_start3A_533 = tpu.memref_squeeze %dma_start3A_532 : memref<1x80xi32, #tpu.memory_space<vmem>> -> memref<80xi32, #tpu.memory_space<vmem>>
            %dma_start3A_534 = arith.constant 0 : i32
            %dma_start3A_535 = arith.constant 0 : i32
            %dma_start3A_536 = tpu.memref_slice %arg6[%dma_start3A_534, %dma_start3A_535] : memref<20000x64xf32, #tpu.memory_space<hbm>> -> memref<20000x64xf32, #tpu.memory_space<hbm>>
            %dma_start3A_537 = tpu.memref_slice %arg16[%rem3A_523, %scan3A_464] : memref<2x5x!tpu.dma_semaphore, #tpu.memory_space<semaphore_mem>> -> memref<1x1x!tpu.dma_semaphore, #tpu.memory_space<semaphore_mem>>
            %dma_start3A_538 = tpu.memref_squeeze %dma_start3A_537 : memref<1x1x!tpu.dma_semaphore, #tpu.memory_space<semaphore_mem>> -> memref<!tpu.dma_semaphore, #tpu.memory_space<semaphore_mem>>
            tpu.enqueue_indirect_dma source(%dma_start3A_536 : memref<20000x64xf32, #tpu.memory_space<hbm>>) target(%dma_start3A_531 : memref<80x64xf32, #tpu.memory_space<vmem>>) offsets(%dma_start3A_533 : memref<80xi32, #tpu.memory_space<vmem>>) semaphore(%dma_start3A_538 : memref<!tpu.dma_semaphore, #tpu.memory_space<semaphore_mem>>)
          } else {
          }
          %rem3A_475 = arith.constant 2 : i32
          %rem3A_476 = arith.remsi %scan3A_445, %rem3A_475 : i32
          %rem3A_477 = arith.constant 3 : i32
          %rem3A_478 = arith.remsi %scan3A_445, %rem3A_477 : i32
          %mul3A_479 = arith.constant 80 : i32
          %mul3A_480 = arith.muli %scan3A_464, %mul3A_479 : i32
          %dma_wait3A_481 = arith.constant 0 : i32
          %dma_wait3A_482 = arith.constant 0 : i32
          %dma_wait3A_483 = tpu.memref_slice %arg12[%rem3A_476, %scan3A_464, %dma_wait3A_481, %dma_wait3A_482] : memref<2x5x80x64xf32, #tpu.memory_space<vmem>> -> memref<1x1x80x64xf32, #tpu.memory_space<vmem>>
          %dma_wait3A_484 = tpu.memref_squeeze %dma_wait3A_483 : memref<1x1x80x64xf32, #tpu.memory_space<vmem>> -> memref<80x64xf32, #tpu.memory_space<vmem>>
          %dma_wait3A_485 = tpu.memref_slice %arg9[%rem3A_478, %mul3A_480] : memref<3x400xi32, #tpu.memory_space<vmem>> -> memref<1x80xi32, #tpu.memory_space<vmem>>
          %dma_wait3A_486 = tpu.memref_squeeze %dma_wait3A_485 : memref<1x80xi32, #tpu.memory_space<vmem>> -> memref<80xi32, #tpu.memory_space<vmem>>
          %dma_wait3A_487 = arith.constant 0 : i32
          %dma_wait3A_488 = arith.constant 0 : i32
          %dma_wait3A_489 = tpu.memref_slice %arg6[%dma_wait3A_487, %dma_wait3A_488] : memref<20000x64xf32, #tpu.memory_space<hbm>> -> memref<20000x64xf32, #tpu.memory_space<hbm>>
          %dma_wait3A_490 = tpu.memref_slice %arg16[%rem3A_476, %scan3A_464] : memref<2x5x!tpu.dma_semaphore, #tpu.memory_space<semaphore_mem>> -> memref<1x1x!tpu.dma_semaphore, #tpu.memory_space<semaphore_mem>>
          %dma_wait3A_491 = tpu.memref_squeeze %dma_wait3A_490 : memref<1x1x!tpu.dma_semaphore, #tpu.memory_space<semaphore_mem>> -> memref<!tpu.dma_semaphore, #tpu.memory_space<semaphore_mem>>
          tpu.wait_indirect_dma semaphore(%dma_wait3A_491 : memref<!tpu.dma_semaphore, #tpu.memory_space<semaphore_mem>>) src(%dma_wait3A_489 : memref<20000x64xf32, #tpu.memory_space<hbm>>) dst(%dma_wait3A_484 : memref<80x64xf32, #tpu.memory_space<vmem>>)
          %rem3A_492 = arith.constant 2 : i32
          %rem3A_493 = arith.remsi %scan3A_445, %rem3A_492 : i32
          %rem3A_494 = arith.constant 3 : i32
          %rem3A_495 = arith.remsi %scan3A_445, %rem3A_494 : i32
          %scan3A_496 = arith.constant 0 : i32
          %scan3A_497 = arith.constant 0 : i32
          %scan3A_498 = arith.constant 5 : i32
          %scan3A_499 = arith.addi %scan3A_497, %scan3A_498 : i32
          %scan3A_500 = arith.constant 1 : i32
          %scan3A_501 = scf.for %scan3A_520 = %scan3A_497 to %scan3A_499 step %scan3A_500 iter_args(%scan3A_521 = %scan3A_496) -> (i32)  : i32 {
            %mul3A_522 = arith.constant 80 : i32
            %mul3A_523 = arith.muli %scan3A_464, %mul3A_522 : i32
            %mul3A_524 = arith.constant 16 : i32
            %mul3A_525 = arith.muli %scan3A_520, %mul3A_524 : i32
            %add3A_526 = arith.addi %mul3A_523, %mul3A_525 : i32
            %get3A_527 = arith.index_cast %rem3A_495 : i32 to index
            %get3A_528 = arith.index_cast %add3A_526 : i32 to index
            %get3A_529 = tpu.vector_load %arg11[%get3A_527, %get3A_528] {strides = array<i32>} : memref<3x400xf32, #tpu.memory_space<vmem>>, vector<1x16xf32>,
            %get3A_530 = vector.shape_cast %get3A_529 : vector<1x16xf32> to vector<16xf32>
            %slice3A = vector.extract_strided_slice %get3A_530 {offsets = [0], sizes = [1], strides = [1]} : vector<16xf32> to vector<1xf32>
            %squeeze3A = vector.extract %slice3A[0] : f32 from vector<1xf32>
            %mul3A_531 = arith.constant 16 : i32
            %mul3A_532 = arith.muli %scan3A_520, %mul3A_531 : i32
            %add3A_533 = arith.constant 0 : i32
            %add3A_534 = arith.addi %mul3A_532, %add3A_533 : i32
            %get3A_535 = arith.index_cast %rem3A_493 : i32 to index
            %get3A_536 = arith.index_cast %scan3A_464 : i32 to index
            %get3A_537 = arith.index_cast %add3A_534 : i32 to index
            %get3A_538 = arith.constant 0 : index
            %get3A_539 = tpu.vector_load %arg12[%get3A_535, %get3A_536, %get3A_537, %get3A_538] {strides = array<i32>} : memref<2x5x80x64xf32, #tpu.memory_space<vmem>>, vector<1x1x1x16xf32>,
            %get3A_540 = vector.shape_cast %get3A_539 : vector<1x1x1x16xf32> to vector<16xf32>
            %mul3A_541 = vector.broadcast %squeeze3A : f32 to vector<16xf32>
            %mul3A_542 = arith.mulf %get3A_540, %mul3A_541 : vector<16xf32>
            %swap3A_543 = arith.index_cast %rem3A_493 : i32 to index
            %swap3A_544 = arith.index_cast %scan3A_464 : i32 to index
            %swap3A_545 = arith.index_cast %add3A_534 : i32 to index
            %swap3A_546 = arith.constant 0 : index
            %swap3A_547 = tpu.vector_load %arg12[%swap3A_543, %swap3A_544, %swap3A_545, %swap3A_546] {strides = array<i32>} : memref<2x5x80x64xf32, #tpu.memory_space<vmem>>, vector<1x1x1x16xf32>,
            %swap3A_548 = vector.shape_cast %swap3A_547 : vector<1x1x1x16xf32> to vector<16xf32>
            %swap3A_549 = vector.shape_cast %mul3A_542 : vector<16xf32> to vector<1x1x1x16xf32>
            tpu.vector_store %arg12[%swap3A_543, %swap3A_544, %swap3A_545, %swap3A_546], %swap3A_549 {strides = array<i32>} : memref<2x5x80x64xf32, #tpu.memory_space<vmem>>, vector<1x1x1x16xf32>,
            %get3A_550 = arith.index_cast %rem3A_493 : i32 to index
            %get3A_551 = arith.index_cast %scan3A_464 : i32 to index
            %get3A_552 = arith.index_cast %add3A_534 : i32 to index
            %get3A_553 = arith.constant 16 : index
            %get3A_554 = tpu.vector_load %arg12[%get3A_550, %get3A_551, %get3A_552, %get3A_553] {strides = array<i32>} : memref<2x5x80x64xf32, #tpu.memory_space<vmem>>, vector<1x1x1x16xf32>,
            %get3A_555 = vector.shape_cast %get3A_554 : vector<1x1x1x16xf32> to vector<16xf32>
            %mul3A_556 = vector.broadcast %squeeze3A : f32 to vector<16xf32>
            %mul3A_557 = arith.mulf %get3A_555, %mul3A_556 : vector<16xf32>
            %swap3A_558 = arith.index_cast %rem3A_493 : i32 to index
            %swap3A_559 = arith.index_cast %scan3A_464 : i32 to index
            %swap3A_560 = arith.index_cast %add3A_534 : i32 to index
            %swap3A_561 = arith.constant 16 : index
            %swap3A_562 = tpu.vector_load %arg12[%swap3A_558, %swap3A_559, %swap3A_560, %swap3A_561] {strides = array<i32>} : memref<2x5x80x64xf32, #tpu.memory_space<vmem>>, vector<1x1x1x16xf32>,
            %swap3A_563 = vector.shape_cast %swap3A_562 : vector<1x1x1x16xf32> to vector<16xf32>
            %swap3A_564 = vector.shape_cast %mul3A_557 : vector<16xf32> to vector<1x1x1x16xf32>
            tpu.vector_store %arg12[%swap3A_558, %swap3A_559, %swap3A_560, %swap3A_561], %swap3A_564 {strides = array<i32>} : memref<2x5x80x64xf32, #tpu.memory_space<vmem>>, vector<1x1x1x16xf32>,
            %get3A_565 = arith.index_cast %rem3A_493 : i32 to index
            %get3A_566 = arith.index_cast %scan3A_464 : i32 to index
            %get3A_567 = arith.index_cast %add3A_534 : i32 to index
            %get3A_568 = arith.constant 32 : index
            %get3A_569 = tpu.vector_load %arg12[%get3A_565, %get3A_566, %get3A_567, %get3A_568] {strides = array<i32>} : memref<2x5x80x64xf32, #tpu.memory_space<vmem>>, vector<1x1x1x16xf32>,
            %get3A_570 = vector.shape_cast %get3A_569 : vector<1x1x1x16xf32> to vector<16xf32>
            %mul3A_571 = vector.broadcast %squeeze3A : f32 to vector<16xf32>
            %mul3A_572 = arith.mulf %get3A_570, %mul3A_571 : vector<16xf32>
            %swap3A_573 = arith.index_cast %rem3A_493 : i32 to index
            %swap3A_574 = arith.index_cast %scan3A_464 : i32 to index
            %swap3A_575 = arith.index_cast %add3A_534 : i32 to index
            %swap3A_576 = arith.constant 32 : index
            %swap3A_577 = tpu.vector_load %arg12[%swap3A_573, %swap3A_574, %swap3A_575, %swap3A_576] {strides = array<i32>} : memref<2x5x80x64xf32, #tpu.memory_space<vmem>>, vector<1x1x1x16xf32>,
            %swap3A_578 = vector.shape_cast %swap3A_577 : vector<1x1x1x16xf32> to vector<16xf32>
            %swap3A_579 = vector.shape_cast %mul3A_572 : vector<16xf32> to vector<1x1x1x16xf32>
            tpu.vector_store %arg12[%swap3A_573, %swap3A_574, %swap3A_575, %swap3A_576], %swap3A_579 {strides = array<i32>} : memref<2x5x80x64xf32, #tpu.memory_space<vmem>>, vector<1x1x1x16xf32>,
            %get3A_580 = arith.index_cast %rem3A_493 : i32 to index
            %get3A_581 = arith.index_cast %scan3A_464 : i32 to index
            %get3A_582 = arith.index_cast %add3A_534 : i32 to index
            %get3A_583 = arith.constant 48 : index
            %get3A_584 = tpu.vector_load %arg12[%get3A_580, %get3A_581, %get3A_582, %get3A_583] {strides = array<i32>} : memref<2x5x80x64xf32, #tpu.memory_space<vmem>>, vector<1x1x1x16xf32>,
            %get3A_585 = vector.shape_cast %get3A_584 : vector<1x1x1x16xf32> to vector<16xf32>
            %mul3A_586 = vector.broadcast %squeeze3A : f32 to vector<16xf32>
            %mul3A_587 = arith.mulf %get3A_585, %mul3A_586 : vector<16xf32>
            %swap3A_588 = arith.index_cast %rem3A_493 : i32 to index
            %swap3A_589 = arith.index_cast %scan3A_464 : i32 to index
            %swap3A_590 = arith.index_cast %add3A_534 : i32 to index
            %swap3A_591 = arith.constant 48 : index
            %swap3A_592 = tpu.vector_load %arg12[%swap3A_588, %swap3A_589, %swap3A_590, %swap3A_591] {strides = array<i32>} : memref<2x5x80x64xf32, #tpu.memory_space<vmem>>, vector<1x1x1x16xf32>,
            %swap3A_593 = vector.shape_cast %swap3A_592 : vector<1x1x1x16xf32> to vector<16xf32>
            %swap3A_594 = vector.shape_cast %mul3A_587 : vector<16xf32> to vector<1x1x1x16xf32>
            tpu.vector_store %arg12[%swap3A_588, %swap3A_589, %swap3A_590, %swap3A_591], %swap3A_594 {strides = array<i32>} : memref<2x5x80x64xf32, #tpu.memory_space<vmem>>, vector<1x1x1x16xf32>,
            %slice3A_595 = vector.extract_strided_slice %get3A_530 {offsets = [1], sizes = [1], strides = [1]} : vector<16xf32> to vector<1xf32>
            %squeeze3A_596 = vector.extract %slice3A_595[0] : f32 from vector<1xf32>
            %mul3A_597 = arith.constant 16 : i32
            %mul3A_598 = arith.muli %scan3A_520, %mul3A_597 : i32
            %add3A_599 = arith.constant 1 : i32
            %add3A_600 = arith.addi %mul3A_598, %add3A_599 : i32
            %get3A_601 = arith.index_cast %rem3A_493 : i32 to index
            %get3A_602 = arith.index_cast %scan3A_464 : i32 to index
            %get3A_603 = arith.index_cast %add3A_600 : i32 to index
            %get3A_604 = arith.constant 0 : index
            %get3A_605 = tpu.vector_load %arg12[%get3A_601, %get3A_602, %get3A_603, %get3A_604] {strides = array<i32>} : memref<2x5x80x64xf32, #tpu.memory_space<vmem>>, vector<1x1x1x16xf32>,
            %get3A_606 = vector.shape_cast %get3A_605 : vector<1x1x1x16xf32> to vector<16xf32>
            %mul3A_607 = vector.broadcast %squeeze3A_596 : f32 to vector<16xf32>
            %mul3A_608 = arith.mulf %get3A_606, %mul3A_607 : vector<16xf32>
            %swap3A_609 = arith.index_cast %rem3A_493 : i32 to index
            %swap3A_610 = arith.index_cast %scan3A_464 : i32 to index
            %swap3A_611 = arith.index_cast %add3A_600 : i32 to index
            %swap3A_612 = arith.constant 0 : index
            %swap3A_613 = tpu.vector_load %arg12[%swap3A_609, %swap3A_610, %swap3A_611, %swap3A_612] {strides = array<i32>} : memref<2x5x80x64xf32, #tpu.memory_space<vmem>>, vector<1x1x1x16xf32>,
            %swap3A_614 = vector.shape_cast %swap3A_613 : vector<1x1x1x16xf32> to vector<16xf32>
            %swap3A_615 = vector.shape_cast %mul3A_608 : vector<16xf32> to vector<1x1x1x16xf32>
            tpu.vector_store %arg12[%swap3A_609, %swap3A_610, %swap3A_611, %swap3A_612], %swap3A_615 {strides = array<i32>} : memref<2x5x80x64xf32, #tpu.memory_space<vmem>>, vector<1x1x1x16xf32>,
            %get3A_616 = arith.index_cast %rem3A_493 : i32 to index
            %get3A_617 = arith.index_cast %scan3A_464 : i32 to index
            %get3A_618 = arith.index_cast %add3A_600 : i32 to index
            %get3A_619 = arith.constant 16 : index
            %get3A_620 = tpu.vector_load %arg12[%get3A_616, %get3A_617, %get3A_618, %get3A_619] {strides = array<i32>} : memref<2x5x80x64xf32, #tpu.memory_space<vmem>>, vector<1x1x1x16xf32>,
            %get3A_621 = vector.shape_cast %get3A_620 : vector<1x1x1x16xf32> to vector<16xf32>
            %mul3A_622 = vector.broadcast %squeeze3A_596 : f32 to vector<16xf32>
            %mul3A_623 = arith.mulf %get3A_621, %mul3A_622 : vector<16xf32>
            %swap3A_624 = arith.index_cast %rem3A_493 : i32 to index
            %swap3A_625 = arith.index_cast %scan3A_464 : i32 to index
            %swap3A_626 = arith.index_cast %add3A_600 : i32 to index
            %swap3A_627 = arith.constant 16 : index
            %swap3A_628 = tpu.vector_load %arg12[%swap3A_624, %swap3A_625, %swap3A_626, %swap3A_627] {strides = array<i32>} : memref<2x5x80x64xf32, #tpu.memory_space<vmem>>, vector<1x1x1x16xf32>,
            %swap3A_629 = vector.shape_cast %swap3A_628 : vector<1x1x1x16xf32> to vector<16xf32>
            %swap3A_630 = vector.shape_cast %mul3A_623 : vector<16xf32> to vector<1x1x1x16xf32>
            tpu.vector_store %arg12[%swap3A_624, %swap3A_625, %swap3A_626, %swap3A_627], %swap3A_630 {strides = array<i32>} : memref<2x5x80x64xf32, #tpu.memory_space<vmem>>, vector<1x1x1x16xf32>,
            %get3A_631 = arith.index_cast %rem3A_493 : i32 to index
            %get3A_632 = arith.index_cast %scan3A_464 : i32 to index
            %get3A_633 = arith.index_cast %add3A_600 : i32 to index
            %get3A_634 = arith.constant 32 : index
            %get3A_635 = tpu.vector_load %arg12[%get3A_631, %get3A_632, %get3A_633, %get3A_634] {strides = array<i32>} : memref<2x5x80x64xf32, #tpu.memory_space<vmem>>, vector<1x1x1x16xf32>,
            %get3A_636 = vector.shape_cast %get3A_635 : vector<1x1x1x16xf32> to vector<16xf32>
            %mul3A_637 = vector.broadcast %squeeze3A_596 : f32 to vector<16xf32>
            %mul3A_638 = arith.mulf %get3A_636, %mul3A_637 : vector<16xf32>
            %swap3A_639 = arith.index_cast %rem3A_493 : i32 to index
            %swap3A_640 = arith.index_cast %scan3A_464 : i32 to index
            %swap3A_641 = arith.index_cast %add3A_600 : i32 to index
            %swap3A_642 = arith.constant 32 : index
            %swap3A_643 = tpu.vector_load %arg12[%swap3A_639, %swap3A_640, %swap3A_641, %swap3A_642] {strides = array<i32>} : memref<2x5x80x64xf32, #tpu.memory_space<vmem>>, vector<1x1x1x16xf32>,
            %swap3A_644 = vector.shape_cast %swap3A_643 : vector<1x1x1x16xf32> to vector<16xf32>
            %swap3A_645 = vector.shape_cast %mul3A_638 : vector<16xf32> to vector<1x1x1x16xf32>
            tpu.vector_store %arg12[%swap3A_639, %swap3A_640, %swap3A_641, %swap3A_642], %swap3A_645 {strides = array<i32>} : memref<2x5x80x64xf32, #tpu.memory_space<vmem>>, vector<1x1x1x16xf32>,
            %get3A_646 = arith.index_cast %rem3A_493 : i32 to index
            %get3A_647 = arith.index_cast %scan3A_464 : i32 to index
            %get3A_648 = arith.index_cast %add3A_600 : i32 to index
            %get3A_649 = arith.constant 48 : index
            %get3A_650 = tpu.vector_load %arg12[%get3A_646, %get3A_647, %get3A_648, %get3A_649] {strides = array<i32>} : memref<2x5x80x64xf32, #tpu.memory_space<vmem>>, vector<1x1x1x16xf32>,
            %get3A_651 = vector.shape_cast %get3A_650 : vector<1x1x1x16xf32> to vector<16xf32>
            %mul3A_652 = vector.broadcast %squeeze3A_596 : f32 to vector<16xf32>
            %mul3A_653 = arith.mulf %get3A_651, %mul3A_652 : vector<16xf32>
            %swap3A_654 = arith.index_cast %rem3A_493 : i32 to index
            %swap3A_655 = arith.index_cast %scan3A_464 : i32 to index
            %swap3A_656 = arith.index_cast %add3A_600 : i32 to index
            %swap3A_657 = arith.constant 48 : index
            %swap3A_658 = tpu.vector_load %arg12[%swap3A_654, %swap3A_655, %swap3A_656, %swap3A_657] {strides = array<i32>} : memref<2x5x80x64xf32, #tpu.memory_space<vmem>>, vector<1x1x1x16xf32>,
            %swap3A_659 = vector.shape_cast %swap3A_658 : vector<1x1x1x16xf32> to vector<16xf32>
            %swap3A_660 = vector.shape_cast %mul3A_653 : vector<16xf32> to vector<1x1x1x16xf32>
            tpu.vector_store %arg12[%swap3A_654, %swap3A_655, %swap3A_656, %swap3A_657], %swap3A_660 {strides = array<i32>} : memref<2x5x80x64xf32, #tpu.memory_space<vmem>>, vector<1x1x1x16xf32>,
            %slice3A_661 = vector.extract_strided_slice %get3A_530 {offsets = [2], sizes = [1], strides = [1]} : vector<16xf32> to vector<1xf32>
            %squeeze3A_662 = vector.extract %slice3A_661[0] : f32 from vector<1xf32>
            %mul3A_663 = arith.constant 16 : i32
            %mul3A_664 = arith.muli %scan3A_520, %mul3A_663 : i32
            %add3A_665 = arith.constant 2 : i32
            %add3A_666 = arith.addi %mul3A_664, %add3A_665 : i32
            %get3A_667 = arith.index_cast %rem3A_493 : i32 to index
            %get3A_668 = arith.index_cast %scan3A_464 : i32 to index
            %get3A_669 = arith.index_cast %add3A_666 : i32 to index
            %get3A_670 = arith.constant 0 : index
            %get3A_671 = tpu.vector_load %arg12[%get3A_667, %get3A_668, %get3A_669, %get3A_670] {strides = array<i32>} : memref<2x5x80x64xf32, #tpu.memory_space<vmem>>, vector<1x1x1x16xf32>,
            %get3A_672 = vector.shape_cast %get3A_671 : vector<1x1x1x16xf32> to vector<16xf32>
            %mul3A_673 = vector.broadcast %squeeze3A_662 : f32 to vector<16xf32>
            %mul3A_674 = arith.mulf %get3A_672, %mul3A_673 : vector<16xf32>
            %swap3A_675 = arith.index_cast %rem3A_493 : i32 to index
            %swap3A_676 = arith.index_cast %scan3A_464 : i32 to index
            %swap3A_677 = arith.index_cast %add3A_666 : i32 to index
            %swap3A_678 = arith.constant 0 : index
            %swap3A_679 = tpu.vector_load %arg12[%swap3A_675, %swap3A_676, %swap3A_677, %swap3A_678] {strides = array<i32>} : memref<2x5x80x64xf32, #tpu.memory_space<vmem>>, vector<1x1x1x16xf32>,
            %swap3A_680 = vector.shape_cast %swap3A_679 : vector<1x1x1x16xf32> to vector<16xf32>
            %swap3A_681 = vector.shape_cast %mul3A_674 : vector<16xf32> to vector<1x1x1x16xf32>
            tpu.vector_store %arg12[%swap3A_675, %swap3A_676, %swap3A_677, %swap3A_678], %swap3A_681 {strides = array<i32>} : memref<2x5x80x64xf32, #tpu.memory_space<vmem>>, vector<1x1x1x16xf32>,
            %get3A_682 = arith.index_cast %rem3A_493 : i32 to index
            %get3A_683 = arith.index_cast %scan3A_464 : i32 to index
            %get3A_684 = arith.index_cast %add3A_666 : i32 to index
            %get3A_685 = arith.constant 16 : index
            %get3A_686 = tpu.vector_load %arg12[%get3A_682, %get3A_683, %get3A_684, %get3A_685] {strides = array<i32>} : memref<2x5x80x64xf32, #tpu.memory_space<vmem>>, vector<1x1x1x16xf32>,
            %get3A_687 = vector.shape_cast %get3A_686 : vector<1x1x1x16xf32> to vector<16xf32>
            %mul3A_688 = vector.broadcast %squeeze3A_662 : f32 to vector<16xf32>
            %mul3A_689 = arith.mulf %get3A_687, %mul3A_688 : vector<16xf32>
            %swap3A_690 = arith.index_cast %rem3A_493 : i32 to index
            %swap3A_691 = arith.index_cast %scan3A_464 : i32 to index
            %swap3A_692 = arith.index_cast %add3A_666 : i32 to index
            %swap3A_693 = arith.constant 16 : index
            %swap3A_694 = tpu.vector_load %arg12[%swap3A_690, %swap3A_691, %swap3A_692, %swap3A_693] {strides = array<i32>} : memref<2x5x80x64xf32, #tpu.memory_space<vmem>>, vector<1x1x1x16xf32>,
            %swap3A_695 = vector.shape_cast %swap3A_694 : vector<1x1x1x16xf32> to vector<16xf32>
            %swap3A_696 = vector.shape_cast %mul3A_689 : vector<16xf32> to vector<1x1x1x16xf32>
            tpu.vector_store %arg12[%swap3A_690, %swap3A_691, %swap3A_692, %swap3A_693], %swap3A_696 {strides = array<i32>} : memref<2x5x80x64xf32, #tpu.memory_space<vmem>>, vector<1x1x1x16xf32>,
            %get3A_697 = arith.index_cast %rem3A_493 : i32 to index
            %get3A_698 = arith.index_cast %scan3A_464 : i32 to index
            %get3A_699 = arith.index_cast %add3A_666 : i32 to index
            %get3A_700 = arith.constant 32 : index
            %get3A_701 = tpu.vector_load %arg12[%get3A_697, %get3A_698, %get3A_699, %get3A_700] {strides = array<i32>} : memref<2x5x80x64xf32, #tpu.memory_space<vmem>>, vector<1x1x1x16xf32>,
            %get3A_702 = vector.shape_cast %get3A_701 : vector<1x1x1x16xf32> to vector<16xf32>
            %mul3A_703 = vector.broadcast %squeeze3A_662 : f32 to vector<16xf32>
            %mul3A_704 = arith.mulf %get3A_702, %mul3A_703 : vector<16xf32>
            %swap3A_705 = arith.index_cast %rem3A_493 : i32 to index
            %swap3A_706 = arith.index_cast %scan3A_464 : i32 to index
            %swap3A_707 = arith.index_cast %add3A_666 : i32 to index
            %swap3A_708 = arith.constant 32 : index
            %swap3A_709 = tpu.vector_load %arg12[%swap3A_705, %swap3A_706, %swap3A_707, %swap3A_708] {strides = array<i32>} : memref<2x5x80x64xf32, #tpu.memory_space<vmem>>, vector<1x1x1x16xf32>,
            %swap3A_710 = vector.shape_cast %swap3A_709 : vector<1x1x1x16xf32> to vector<16xf32>
            %swap3A_711 = vector.shape_cast %mul3A_704 : vector<16xf32> to vector<1x1x1x16xf32>
            tpu.vector_store %arg12[%swap3A_705, %swap3A_706, %swap3A_707, %swap3A_708], %swap3A_711 {strides = array<i32>} : memref<2x5x80x64xf32, #tpu.memory_space<vmem>>, vector<1x1x1x16xf32>,
            %get3A_712 = arith.index_cast %rem3A_493 : i32 to index
            %get3A_713 = arith.index_cast %scan3A_464 : i32 to index
            %get3A_714 = arith.index_cast %add3A_666 : i32 to index
            %get3A_715 = arith.constant 48 : index
            %get3A_716 = tpu.vector_load %arg12[%get3A_712, %get3A_713, %get3A_714, %get3A_715] {strides = array<i32>} : memref<2x5x80x64xf32, #tpu.memory_space<vmem>>, vector<1x1x1x16xf32>,
            %get3A_717 = vector.shape_cast %get3A_716 : vector<1x1x1x16xf32> to vector<16xf32>
            %mul3A_718 = vector.broadcast %squeeze3A_662 : f32 to vector<16xf32>
            %mul3A_719 = arith.mulf %get3A_717, %mul3A_718 : vector<16xf32>
            %swap3A_720 = arith.index_cast %rem3A_493 : i32 to index
            %swap3A_721 = arith.index_cast %scan3A_464 : i32 to index
            %swap3A_722 = arith.index_cast %add3A_666 : i32 to index
            %swap3A_723 = arith.constant 48 : index
            %swap3A_724 = tpu.vector_load %arg12[%swap3A_720, %swap3A_721, %swap3A_722, %swap3A_723] {strides = array<i32>} : memref<2x5x80x64xf32, #tpu.memory_space<vmem>>, vector<1x1x1x16xf32>,
            %swap3A_725 = vector.shape_cast %swap3A_724 : vector<1x1x1x16xf32> to vector<16xf32>
            %swap3A_726 = vector.shape_cast %mul3A_719 : vector<16xf32> to vector<1x1x1x16xf32>
            tpu.vector_store %arg12[%swap3A_720, %swap3A_721, %swap3A_722, %swap3A_723], %swap3A_726 {strides = array<i32>} : memref<2x5x80x64xf32, #tpu.memory_space<vmem>>, vector<1x1x1x16xf32>,
            %slice3A_727 = vector.extract_strided_slice %get3A_530 {offsets = [3], sizes = [1], strides = [1]} : vector<16xf32> to vector<1xf32>
            %squeeze3A_728 = vector.extract %slice3A_727[0] : f32 from vector<1xf32>
            %mul3A_729 = arith.constant 16 : i32
            %mul3A_730 = arith.muli %scan3A_520, %mul3A_729 : i32
            %add3A_731 = arith.constant 3 : i32
            %add3A_732 = arith.addi %mul3A_730, %add3A_731 : i32
            %get3A_733 = arith.index_cast %rem3A_493 : i32 to index
            %get3A_734 = arith.index_cast %scan3A_464 : i32 to index
            %get3A_735 = arith.index_cast %add3A_732 : i32 to index
            %get3A_736 = arith.constant 0 : index
            %get3A_737 = tpu.vector_load %arg12[%get3A_733, %get3A_734, %get3A_735, %get3A_736] {strides = array<i32>} : memref<2x5x80x64xf32, #tpu.memory_space<vmem>>, vector<1x1x1x16xf32>,
            %get3A_738 = vector.shape_cast %get3A_737 : vector<1x1x1x16xf32> to vector<16xf32>
            %mul3A_739 = vector.broadcast %squeeze3A_728 : f32 to vector<16xf32>
            %mul3A_740 = arith.mulf %get3A_738, %mul3A_739 : vector<16xf32>
            %swap3A_741 = arith.index_cast %rem3A_493 : i32 to index
            %swap3A_742 = arith.index_cast %scan3A_464 : i32 to index
            %swap3A_743 = arith.index_cast %add3A_732 : i32 to index
            %swap3A_744 = arith.constant 0 : index
            %swap3A_745 = tpu.vector_load %arg12[%swap3A_741, %swap3A_742, %swap3A_743, %swap3A_744] {strides = array<i32>} : memref<2x5x80x64xf32, #tpu.memory_space<vmem>>, vector<1x1x1x16xf32>,
            %swap3A_746 = vector.shape_cast %swap3A_745 : vector<1x1x1x16xf32> to vector<16xf32>
            %swap3A_747 = vector.shape_cast %mul3A_740 : vector<16xf32> to vector<1x1x1x16xf32>
            tpu.vector_store %arg12[%swap3A_741, %swap3A_742, %swap3A_743, %swap3A_744], %swap3A_747 {strides = array<i32>} : memref<2x5x80x64xf32, #tpu.memory_space<vmem>>, vector<1x1x1x16xf32>,
            %get3A_748 = arith.index_cast %rem3A_493 : i32 to index
            %get3A_749 = arith.index_cast %scan3A_464 : i32 to index
            %get3A_750 = arith.index_cast %add3A_732 : i32 to index
            %get3A_751 = arith.constant 16 : index
            %get3A_752 = tpu.vector_load %arg12[%get3A_748, %get3A_749, %get3A_750, %get3A_751] {strides = array<i32>} : memref<2x5x80x64xf32, #tpu.memory_space<vmem>>, vector<1x1x1x16xf32>,
            %get3A_753 = vector.shape_cast %get3A_752 : vector<1x1x1x16xf32> to vector<16xf32>
            %mul3A_754 = vector.broadcast %squeeze3A_728 : f32 to vector<16xf32>
            %mul3A_755 = arith.mulf %get3A_753, %mul3A_754 : vector<16xf32>
            %swap3A_756 = arith.index_cast %rem3A_493 : i32 to index
            %swap3A_757 = arith.index_cast %scan3A_464 : i32 to index
            %swap3A_758 = arith.index_cast %add3A_732 : i32 to index
            %swap3A_759 = arith.constant 16 : index
            %swap3A_760 = tpu.vector_load %arg12[%swap3A_756, %swap3A_757, %swap3A_758, %swap3A_759] {strides = array<i32>} : memref<2x5x80x64xf32, #tpu.memory_space<vmem>>, vector<1x1x1x16xf32>,
            %swap3A_761 = vector.shape_cast %swap3A_760 : vector<1x1x1x16xf32> to vector<16xf32>
            %swap3A_762 = vector.shape_cast %mul3A_755 : vector<16xf32> to vector<1x1x1x16xf32>
            tpu.vector_store %arg12[%swap3A_756, %swap3A_757, %swap3A_758, %swap3A_759], %swap3A_762 {strides = array<i32>} : memref<2x5x80x64xf32, #tpu.memory_space<vmem>>, vector<1x1x1x16xf32>,
            %get3A_763 = arith.index_cast %rem3A_493 : i32 to index
            %get3A_764 = arith.index_cast %scan3A_464 : i32 to index
            %get3A_765 = arith.index_cast %add3A_732 : i32 to index
            %get3A_766 = arith.constant 32 : index
            %get3A_767 = tpu.vector_load %arg12[%get3A_763, %get3A_764, %get3A_765, %get3A_766] {strides = array<i32>} : memref<2x5x80x64xf32, #tpu.memory_space<vmem>>, vector<1x1x1x16xf32>,
            %get3A_768 = vector.shape_cast %get3A_767 : vector<1x1x1x16xf32> to vector<16xf32>
            %mul3A_769 = vector.broadcast %squeeze3A_728 : f32 to vector<16xf32>
            %mul3A_770 = arith.mulf %get3A_768, %mul3A_769 : vector<16xf32>
            %swap3A_771 = arith.index_cast %rem3A_493 : i32 to index
            %swap3A_772 = arith.index_cast %scan3A_464 : i32 to index
            %swap3A_773 = arith.index_cast %add3A_732 : i32 to index
            %swap3A_774 = arith.constant 32 : index
            %swap3A_775 = tpu.vector_load %arg12[%swap3A_771, %swap3A_772, %swap3A_773, %swap3A_774] {strides = array<i32>} : memref<2x5x80x64xf32, #tpu.memory_space<vmem>>, vector<1x1x1x16xf32>,
            %swap3A_776 = vector.shape_cast %swap3A_775 : vector<1x1x1x16xf32> to vector<16xf32>
            %swap3A_777 = vector.shape_cast %mul3A_770 : vector<16xf32> to vector<1x1x1x16xf32>
            tpu.vector_store %arg12[%swap3A_771, %swap3A_772, %swap3A_773, %swap3A_774], %swap3A_777 {strides = array<i32>} : memref<2x5x80x64xf32, #tpu.memory_space<vmem>>, vector<1x1x1x16xf32>,
            %get3A_778 = arith.index_cast %rem3A_493 : i32 to index
            %get3A_779 = arith.index_cast %scan3A_464 : i32 to index
            %get3A_780 = arith.index_cast %add3A_732 : i32 to index
            %get3A_781 = arith.constant 48 : index
            %get3A_782 = tpu.vector_load %arg12[%get3A_778, %get3A_779, %get3A_780, %get3A_781] {strides = array<i32>} : memref<2x5x80x64xf32, #tpu.memory_space<vmem>>, vector<1x1x1x16xf32>,
            %get3A_783 = vector.shape_cast %get3A_782 : vector<1x1x1x16xf32> to vector<16xf32>
            %mul3A_784 = vector.broadcast %squeeze3A_728 : f32 to vector<16xf32>
            %mul3A_785 = arith.mulf %get3A_783, %mul3A_784 : vector<16xf32>
            %swap3A_786 = arith.index_cast %rem3A_493 : i32 to index
            %swap3A_787 = arith.index_cast %scan3A_464 : i32 to index
            %swap3A_788 = arith.index_cast %add3A_732 : i32 to index
            %swap3A_789 = arith.constant 48 : index
            %swap3A_790 = tpu.vector_load %arg12[%swap3A_786, %swap3A_787, %swap3A_788, %swap3A_789] {strides = array<i32>} : memref<2x5x80x64xf32, #tpu.memory_space<vmem>>, vector<1x1x1x16xf32>,
            %swap3A_791 = vector.shape_cast %swap3A_790 : vector<1x1x1x16xf32> to vector<16xf32>
            %swap3A_792 = vector.shape_cast %mul3A_785 : vector<16xf32> to vector<1x1x1x16xf32>
            tpu.vector_store %arg12[%swap3A_786, %swap3A_787, %swap3A_788, %swap3A_789], %swap3A_792 {strides = array<i32>} : memref<2x5x80x64xf32, #tpu.memory_space<vmem>>, vector<1x1x1x16xf32>,
            %slice3A_793 = vector.extract_strided_slice %get3A_530 {offsets = [4], sizes = [1], strides = [1]} : vector<16xf32> to vector<1xf32>
            %squeeze3A_794 = vector.extract %slice3A_793[0] : f32 from vector<1xf32>
            %mul3A_795 = arith.constant 16 : i32
            %mul3A_796 = arith.muli %scan3A_520, %mul3A_795 : i32
            %add3A_797 = arith.constant 4 : i32
            %add3A_798 = arith.addi %mul3A_796, %add3A_797 : i32
            %get3A_799 = arith.index_cast %rem3A_493 : i32 to index
            %get3A_800 = arith.index_cast %scan3A_464 : i32 to index
            %get3A_801 = arith.index_cast %add3A_798 : i32 to index
            %get3A_802 = arith.constant 0 : index
            %get3A_803 = tpu.vector_load %arg12[%get3A_799, %get3A_800, %get3A_801, %get3A_802] {strides = array<i32>} : memref<2x5x80x64xf32, #tpu.memory_space<vmem>>, vector<1x1x1x16xf32>,
            %get3A_804 = vector.shape_cast %get3A_803 : vector<1x1x1x16xf32> to vector<16xf32>
            %mul3A_805 = vector.broadcast %squeeze3A_794 : f32 to vector<16xf32>
            %mul3A_806 = arith.mulf %get3A_804, %mul3A_805 : vector<16xf32>
            %swap3A_807 = arith.index_cast %rem3A_493 : i32 to index
            %swap3A_808 = arith.index_cast %scan3A_464 : i32 to index
            %swap3A_809 = arith.index_cast %add3A_798 : i32 to index
            %swap3A_810 = arith.constant 0 : index
            %swap3A_811 = tpu.vector_load %arg12[%swap3A_807, %swap3A_808, %swap3A_809, %swap3A_810] {strides = array<i32>} : memref<2x5x80x64xf32, #tpu.memory_space<vmem>>, vector<1x1x1x16xf32>,
            %swap3A_812 = vector.shape_cast %swap3A_811 : vector<1x1x1x16xf32> to vector<16xf32>
            %swap3A_813 = vector.shape_cast %mul3A_806 : vector<16xf32> to vector<1x1x1x16xf32>
            tpu.vector_store %arg12[%swap3A_807, %swap3A_808, %swap3A_809, %swap3A_810], %swap3A_813 {strides = array<i32>} : memref<2x5x80x64xf32, #tpu.memory_space<vmem>>, vector<1x1x1x16xf32>,
            %get3A_814 = arith.index_cast %rem3A_493 : i32 to index
            %get3A_815 = arith.index_cast %scan3A_464 : i32 to index
            %get3A_816 = arith.index_cast %add3A_798 : i32 to index
            %get3A_817 = arith.constant 16 : index
            %get3A_818 = tpu.vector_load %arg12[%get3A_814, %get3A_815, %get3A_816, %get3A_817] {strides = array<i32>} : memref<2x5x80x64xf32, #tpu.memory_space<vmem>>, vector<1x1x1x16xf32>,
            %get3A_819 = vector.shape_cast %get3A_818 : vector<1x1x1x16xf32> to vector<16xf32>
            %mul3A_820 = vector.broadcast %squeeze3A_794 : f32 to vector<16xf32>
            %mul3A_821 = arith.mulf %get3A_819, %mul3A_820 : vector<16xf32>
            %swap3A_822 = arith.index_cast %rem3A_493 : i32 to index
            %swap3A_823 = arith.index_cast %scan3A_464 : i32 to index
            %swap3A_824 = arith.index_cast %add3A_798 : i32 to index
            %swap3A_825 = arith.constant 16 : index
            %swap3A_826 = tpu.vector_load %arg12[%swap3A_822, %swap3A_823, %swap3A_824, %swap3A_825] {strides = array<i32>} : memref<2x5x80x64xf32, #tpu.memory_space<vmem>>, vector<1x1x1x16xf32>,
            %swap3A_827 = vector.shape_cast %swap3A_826 : vector<1x1x1x16xf32> to vector<16xf32>
            %swap3A_828 = vector.shape_cast %mul3A_821 : vector<16xf32> to vector<1x1x1x16xf32>
            tpu.vector_store %arg12[%swap3A_822, %swap3A_823, %swap3A_824, %swap3A_825], %swap3A_828 {strides = array<i32>} : memref<2x5x80x64xf32, #tpu.memory_space<vmem>>, vector<1x1x1x16xf32>,
            %get3A_829 = arith.index_cast %rem3A_493 : i32 to index
            %get3A_830 = arith.index_cast %scan3A_464 : i32 to index
            %get3A_831 = arith.index_cast %add3A_798 : i32 to index
            %get3A_832 = arith.constant 32 : index
            %get3A_833 = tpu.vector_load %arg12[%get3A_829, %get3A_830, %get3A_831, %get3A_832] {strides = array<i32>} : memref<2x5x80x64xf32, #tpu.memory_space<vmem>>, vector<1x1x1x16xf32>,
            %get3A_834 = vector.shape_cast %get3A_833 : vector<1x1x1x16xf32> to vector<16xf32>
            %mul3A_835 = vector.broadcast %squeeze3A_794 : f32 to vector<16xf32>
            %mul3A_836 = arith.mulf %get3A_834, %mul3A_835 : vector<16xf32>
            %swap3A_837 = arith.index_cast %rem3A_493 : i32 to index
            %swap3A_838 = arith.index_cast %scan3A_464 : i32 to index
            %swap3A_839 = arith.index_cast %add3A_798 : i32 to index
            %swap3A_840 = arith.constant 32 : index
            %swap3A_841 = tpu.vector_load %arg12[%swap3A_837, %swap3A_838, %swap3A_839, %swap3A_840] {strides = array<i32>} : memref<2x5x80x64xf32, #tpu.memory_space<vmem>>, vector<1x1x1x16xf32>,
            %swap3A_842 = vector.shape_cast %swap3A_841 : vector<1x1x1x16xf32> to vector<16xf32>
            %swap3A_843 = vector.shape_cast %mul3A_836 : vector<16xf32> to vector<1x1x1x16xf32>
            tpu.vector_store %arg12[%swap3A_837, %swap3A_838, %swap3A_839, %swap3A_840], %swap3A_843 {strides = array<i32>} : memref<2x5x80x64xf32, #tpu.memory_space<vmem>>, vector<1x1x1x16xf32>,
            %get3A_844 = arith.index_cast %rem3A_493 : i32 to index
            %get3A_845 = arith.index_cast %scan3A_464 : i32 to index
            %get3A_846 = arith.index_cast %add3A_798 : i32 to index
            %get3A_847 = arith.constant 48 : index
            %get3A_848 = tpu.vector_load %arg12[%get3A_844, %get3A_845, %get3A_846, %get3A_847] {strides = array<i32>} : memref<2x5x80x64xf32, #tpu.memory_space<vmem>>, vector<1x1x1x16xf32>,
            %get3A_849 = vector.shape_cast %get3A_848 : vector<1x1x1x16xf32> to vector<16xf32>
            %mul3A_850 = vector.broadcast %squeeze3A_794 : f32 to vector<16xf32>
            %mul3A_851 = arith.mulf %get3A_849, %mul3A_850 : vector<16xf32>
            %swap3A_852 = arith.index_cast %rem3A_493 : i32 to index
            %swap3A_853 = arith.index_cast %scan3A_464 : i32 to index
            %swap3A_854 = arith.index_cast %add3A_798 : i32 to index
            %swap3A_855 = arith.constant 48 : index
            %swap3A_856 = tpu.vector_load %arg12[%swap3A_852, %swap3A_853, %swap3A_854, %swap3A_855] {strides = array<i32>} : memref<2x5x80x64xf32, #tpu.memory_space<vmem>>, vector<1x1x1x16xf32>,
            %swap3A_857 = vector.shape_cast %swap3A_856 : vector<1x1x1x16xf32> to vector<16xf32>
            %swap3A_858 = vector.shape_cast %mul3A_851 : vector<16xf32> to vector<1x1x1x16xf32>
            tpu.vector_store %arg12[%swap3A_852, %swap3A_853, %swap3A_854, %swap3A_855], %swap3A_858 {strides = array<i32>} : memref<2x5x80x64xf32, #tpu.memory_space<vmem>>, vector<1x1x1x16xf32>,
            %slice3A_859 = vector.extract_strided_slice %get3A_530 {offsets = [5], sizes = [1], strides = [1]} : vector<16xf32> to vector<1xf32>
            %squeeze3A_860 = vector.extract %slice3A_859[0] : f32 from vector<1xf32>
            %mul3A_861 = arith.constant 16 : i32
            %mul3A_862 = arith.muli %scan3A_520, %mul3A_861 : i32
            %add3A_863 = arith.constant 5 : i32
            %add3A_864 = arith.addi %mul3A_862, %add3A_863 : i32
            %get3A_865 = arith.index_cast %rem3A_493 : i32 to index
            %get3A_866 = arith.index_cast %scan3A_464 : i32 to index
            %get3A_867 = arith.index_cast %add3A_864 : i32 to index
            %get3A_868 = arith.constant 0 : index
            %get3A_869 = tpu.vector_load %arg12[%get3A_865, %get3A_866, %get3A_867, %get3A_868] {strides = array<i32>} : memref<2x5x80x64xf32, #tpu.memory_space<vmem>>, vector<1x1x1x16xf32>,
            %get3A_870 = vector.shape_cast %get3A_869 : vector<1x1x1x16xf32> to vector<16xf32>
            %mul3A_871 = vector.broadcast %squeeze3A_860 : f32 to vector<16xf32>
            %mul3A_872 = arith.mulf %get3A_870, %mul3A_871 : vector<16xf32>
            %swap3A_873 = arith.index_cast %rem3A_493 : i32 to index
            %swap3A_874 = arith.index_cast %scan3A_464 : i32 to index
            %swap3A_875 = arith.index_cast %add3A_864 : i32 to index
            %swap3A_876 = arith.constant 0 : index
            %swap3A_877 = tpu.vector_load %arg12[%swap3A_873, %swap3A_874, %swap3A_875, %swap3A_876] {strides = array<i32>} : memref<2x5x80x64xf32, #tpu.memory_space<vmem>>, vector<1x1x1x16xf32>,
            %swap3A_878 = vector.shape_cast %swap3A_877 : vector<1x1x1x16xf32> to vector<16xf32>
            %swap3A_879 = vector.shape_cast %mul3A_872 : vector<16xf32> to vector<1x1x1x16xf32>
            tpu.vector_store %arg12[%swap3A_873, %swap3A_874, %swap3A_875, %swap3A_876], %swap3A_879 {strides = array<i32>} : memref<2x5x80x64xf32, #tpu.memory_space<vmem>>, vector<1x1x1x16xf32>,
            %get3A_880 = arith.index_cast %rem3A_493 : i32 to index
            %get3A_881 = arith.index_cast %scan3A_464 : i32 to index
            %get3A_882 = arith.index_cast %add3A_864 : i32 to index
            %get3A_883 = arith.constant 16 : index
            %get3A_884 = tpu.vector_load %arg12[%get3A_880, %get3A_881, %get3A_882, %get3A_883] {strides = array<i32>} : memref<2x5x80x64xf32, #tpu.memory_space<vmem>>, vector<1x1x1x16xf32>,
            %get3A_885 = vector.shape_cast %get3A_884 : vector<1x1x1x16xf32> to vector<16xf32>
            %mul3A_886 = vector.broadcast %squeeze3A_860 : f32 to vector<16xf32>
            %mul3A_887 = arith.mulf %get3A_885, %mul3A_886 : vector<16xf32>
            %swap3A_888 = arith.index_cast %rem3A_493 : i32 to index
            %swap3A_889 = arith.index_cast %scan3A_464 : i32 to index
            %swap3A_890 = arith.index_cast %add3A_864 : i32 to index
            %swap3A_891 = arith.constant 16 : index
            %swap3A_892 = tpu.vector_load %arg12[%swap3A_888, %swap3A_889, %swap3A_890, %swap3A_891] {strides = array<i32>} : memref<2x5x80x64xf32, #tpu.memory_space<vmem>>, vector<1x1x1x16xf32>,
            %swap3A_893 = vector.shape_cast %swap3A_892 : vector<1x1x1x16xf32> to vector<16xf32>
            %swap3A_894 = vector.shape_cast %mul3A_887 : vector<16xf32> to vector<1x1x1x16xf32>
            tpu.vector_store %arg12[%swap3A_888, %swap3A_889, %swap3A_890, %swap3A_891], %swap3A_894 {strides = array<i32>} : memref<2x5x80x64xf32, #tpu.memory_space<vmem>>, vector<1x1x1x16xf32>,
            %get3A_895 = arith.index_cast %rem3A_493 : i32 to index
            %get3A_896 = arith.index_cast %scan3A_464 : i32 to index
            %get3A_897 = arith.index_cast %add3A_864 : i32 to index
            %get3A_898 = arith.constant 32 : index
            %get3A_899 = tpu.vector_load %arg12[%get3A_895, %get3A_896, %get3A_897, %get3A_898] {strides = array<i32>} : memref<2x5x80x64xf32, #tpu.memory_space<vmem>>, vector<1x1x1x16xf32>,
            %get3A_900 = vector.shape_cast %get3A_899 : vector<1x1x1x16xf32> to vector<16xf32>
            %mul3A_901 = vector.broadcast %squeeze3A_860 : f32 to vector<16xf32>
            %mul3A_902 = arith.mulf %get3A_900, %mul3A_901 : vector<16xf32>
            %swap3A_903 = arith.index_cast %rem3A_493 : i32 to index
            %swap3A_904 = arith.index_cast %scan3A_464 : i32 to index
            %swap3A_905 = arith.index_cast %add3A_864 : i32 to index
            %swap3A_906 = arith.constant 32 : index
            %swap3A_907 = tpu.vector_load %arg12[%swap3A_903, %swap3A_904, %swap3A_905, %swap3A_906] {strides = array<i32>} : memref<2x5x80x64xf32, #tpu.memory_space<vmem>>, vector<1x1x1x16xf32>,
            %swap3A_908 = vector.shape_cast %swap3A_907 : vector<1x1x1x16xf32> to vector<16xf32>
            %swap3A_909 = vector.shape_cast %mul3A_902 : vector<16xf32> to vector<1x1x1x16xf32>
            tpu.vector_store %arg12[%swap3A_903, %swap3A_904, %swap3A_905, %swap3A_906], %swap3A_909 {strides = array<i32>} : memref<2x5x80x64xf32, #tpu.memory_space<vmem>>, vector<1x1x1x16xf32>,
            %get3A_910 = arith.index_cast %rem3A_493 : i32 to index
            %get3A_911 = arith.index_cast %scan3A_464 : i32 to index
            %get3A_912 = arith.index_cast %add3A_864 : i32 to index
            %get3A_913 = arith.constant 48 : index
            %get3A_914 = tpu.vector_load %arg12[%get3A_910, %get3A_911, %get3A_912, %get3A_913] {strides = array<i32>} : memref<2x5x80x64xf32, #tpu.memory_space<vmem>>, vector<1x1x1x16xf32>,
            %get3A_915 = vector.shape_cast %get3A_914 : vector<1x1x1x16xf32> to vector<16xf32>
            %mul3A_916 = vector.broadcast %squeeze3A_860 : f32 to vector<16xf32>
            %mul3A_917 = arith.mulf %get3A_915, %mul3A_916 : vector<16xf32>
            %swap3A_918 = arith.index_cast %rem3A_493 : i32 to index
            %swap3A_919 = arith.index_cast %scan3A_464 : i32 to index
            %swap3A_920 = arith.index_cast %add3A_864 : i32 to index
            %swap3A_921 = arith.constant 48 : index
            %swap3A_922 = tpu.vector_load %arg12[%swap3A_918, %swap3A_919, %swap3A_920, %swap3A_921] {strides = array<i32>} : memref<2x5x80x64xf32, #tpu.memory_space<vmem>>, vector<1x1x1x16xf32>,
            %swap3A_923 = vector.shape_cast %swap3A_922 : vector<1x1x1x16xf32> to vector<16xf32>
            %swap3A_924 = vector.shape_cast %mul3A_917 : vector<16xf32> to vector<1x1x1x16xf32>
            tpu.vector_store %arg12[%swap3A_918, %swap3A_919, %swap3A_920, %swap3A_921], %swap3A_924 {strides = array<i32>} : memref<2x5x80x64xf32, #tpu.memory_space<vmem>>, vector<1x1x1x16xf32>,
            %slice3A_925 = vector.extract_strided_slice %get3A_530 {offsets = [6], sizes = [1], strides = [1]} : vector<16xf32> to vector<1xf32>
            %squeeze3A_926 = vector.extract %slice3A_925[0] : f32 from vector<1xf32>
            %mul3A_927 = arith.constant 16 : i32
            %mul3A_928 = arith.muli %scan3A_520, %mul3A_927 : i32
            %add3A_929 = arith.constant 6 : i32
            %add3A_930 = arith.addi %mul3A_928, %add3A_929 : i32
            %get3A_931 = arith.index_cast %rem3A_493 : i32 to index
            %get3A_932 = arith.index_cast %scan3A_464 : i32 to index
            %get3A_933 = arith.index_cast %add3A_930 : i32 to index
            %get3A_934 = arith.constant 0 : index
            %get3A_935 = tpu.vector_load %arg12[%get3A_931, %get3A_932, %get3A_933, %get3A_934] {strides = array<i32>} : memref<2x5x80x64xf32, #tpu.memory_space<vmem>>, vector<1x1x1x16xf32>,
            %get3A_936 = vector.shape_cast %get3A_935 : vector<1x1x1x16xf32> to vector<16xf32>
            %mul3A_937 = vector.broadcast %squeeze3A_926 : f32 to vector<16xf32>
            %mul3A_938 = arith.mulf %get3A_936, %mul3A_937 : vector<16xf32>
            %swap3A_939 = arith.index_cast %rem3A_493 : i32 to index
            %swap3A_940 = arith.index_cast %scan3A_464 : i32 to index
            %swap3A_941 = arith.index_cast %add3A_930 : i32 to index
            %swap3A_942 = arith.constant 0 : index
            %swap3A_943 = tpu.vector_load %arg12[%swap3A_939, %swap3A_940, %swap3A_941, %swap3A_942] {strides = array<i32>} : memref<2x5x80x64xf32, #tpu.memory_space<vmem>>, vector<1x1x1x16xf32>,
            %swap3A_944 = vector.shape_cast %swap3A_943 : vector<1x1x1x16xf32> to vector<16xf32>
            %swap3A_945 = vector.shape_cast %mul3A_938 : vector<16xf32> to vector<1x1x1x16xf32>
            tpu.vector_store %arg12[%swap3A_939, %swap3A_940, %swap3A_941, %swap3A_942], %swap3A_945 {strides = array<i32>} : memref<2x5x80x64xf32, #tpu.memory_space<vmem>>, vector<1x1x1x16xf32>,
            %get3A_946 = arith.index_cast %rem3A_493 : i32 to index
            %get3A_947 = arith.index_cast %scan3A_464 : i32 to index
            %get3A_948 = arith.index_cast %add3A_930 : i32 to index
            %get3A_949 = arith.constant 16 : index
            %get3A_950 = tpu.vector_load %arg12[%get3A_946, %get3A_947, %get3A_948, %get3A_949] {strides = array<i32>} : memref<2x5x80x64xf32, #tpu.memory_space<vmem>>, vector<1x1x1x16xf32>,
            %get3A_951 = vector.shape_cast %get3A_950 : vector<1x1x1x16xf32> to vector<16xf32>
            %mul3A_952 = vector.broadcast %squeeze3A_926 : f32 to vector<16xf32>
            %mul3A_953 = arith.mulf %get3A_951, %mul3A_952 : vector<16xf32>
            %swap3A_954 = arith.index_cast %rem3A_493 : i32 to index
            %swap3A_955 = arith.index_cast %scan3A_464 : i32 to index
            %swap3A_956 = arith.index_cast %add3A_930 : i32 to index
            %swap3A_957 = arith.constant 16 : index
            %swap3A_958 = tpu.vector_load %arg12[%swap3A_954, %swap3A_955, %swap3A_956, %swap3A_957] {strides = array<i32>} : memref<2x5x80x64xf32, #tpu.memory_space<vmem>>, vector<1x1x1x16xf32>,
            %swap3A_959 = vector.shape_cast %swap3A_958 : vector<1x1x1x16xf32> to vector<16xf32>
            %swap3A_960 = vector.shape_cast %mul3A_953 : vector<16xf32> to vector<1x1x1x16xf32>
            tpu.vector_store %arg12[%swap3A_954, %swap3A_955, %swap3A_956, %swap3A_957], %swap3A_960 {strides = array<i32>} : memref<2x5x80x64xf32, #tpu.memory_space<vmem>>, vector<1x1x1x16xf32>,
            %get3A_961 = arith.index_cast %rem3A_493 : i32 to index
            %get3A_962 = arith.index_cast %scan3A_464 : i32 to index
            %get3A_963 = arith.index_cast %add3A_930 : i32 to index
            %get3A_964 = arith.constant 32 : index
            %get3A_965 = tpu.vector_load %arg12[%get3A_961, %get3A_962, %get3A_963, %get3A_964] {strides = array<i32>} : memref<2x5x80x64xf32, #tpu.memory_space<vmem>>, vector<1x1x1x16xf32>,
            %get3A_966 = vector.shape_cast %get3A_965 : vector<1x1x1x16xf32> to vector<16xf32>
            %mul3A_967 = vector.broadcast %squeeze3A_926 : f32 to vector<16xf32>
            %mul3A_968 = arith.mulf %get3A_966, %mul3A_967 : vector<16xf32>
            %swap3A_969 = arith.index_cast %rem3A_493 : i32 to index
            %swap3A_970 = arith.index_cast %scan3A_464 : i32 to index
            %swap3A_971 = arith.index_cast %add3A_930 : i32 to index
            %swap3A_972 = arith.constant 32 : index
            %swap3A_973 = tpu.vector_load %arg12[%swap3A_969, %swap3A_970, %swap3A_971, %swap3A_972] {strides = array<i32>} : memref<2x5x80x64xf32, #tpu.memory_space<vmem>>, vector<1x1x1x16xf32>,
            %swap3A_974 = vector.shape_cast %swap3A_973 : vector<1x1x1x16xf32> to vector<16xf32>
            %swap3A_975 = vector.shape_cast %mul3A_968 : vector<16xf32> to vector<1x1x1x16xf32>
            tpu.vector_store %arg12[%swap3A_969, %swap3A_970, %swap3A_971, %swap3A_972], %swap3A_975 {strides = array<i32>} : memref<2x5x80x64xf32, #tpu.memory_space<vmem>>, vector<1x1x1x16xf32>,
            %get3A_976 = arith.index_cast %rem3A_493 : i32 to index
            %get3A_977 = arith.index_cast %scan3A_464 : i32 to index
            %get3A_978 = arith.index_cast %add3A_930 : i32 to index
            %get3A_979 = arith.constant 48 : index
            %get3A_980 = tpu.vector_load %arg12[%get3A_976, %get3A_977, %get3A_978, %get3A_979] {strides = array<i32>} : memref<2x5x80x64xf32, #tpu.memory_space<vmem>>, vector<1x1x1x16xf32>,
            %get3A_981 = vector.shape_cast %get3A_980 : vector<1x1x1x16xf32> to vector<16xf32>
            %mul3A_982 = vector.broadcast %squeeze3A_926 : f32 to vector<16xf32>
            %mul3A_983 = arith.mulf %get3A_981, %mul3A_982 : vector<16xf32>
            %swap3A_984 = arith.index_cast %rem3A_493 : i32 to index
            %swap3A_985 = arith.index_cast %scan3A_464 : i32 to index
            %swap3A_986 = arith.index_cast %add3A_930 : i32 to index
            %swap3A_987 = arith.constant 48 : index
            %swap3A_988 = tpu.vector_load %arg12[%swap3A_984, %swap3A_985, %swap3A_986, %swap3A_987] {strides = array<i32>} : memref<2x5x80x64xf32, #tpu.memory_space<vmem>>, vector<1x1x1x16xf32>,
            %swap3A_989 = vector.shape_cast %swap3A_988 : vector<1x1x1x16xf32> to vector<16xf32>
            %swap3A_990 = vector.shape_cast %mul3A_983 : vector<16xf32> to vector<1x1x1x16xf32>
            tpu.vector_store %arg12[%swap3A_984, %swap3A_985, %swap3A_986, %swap3A_987], %swap3A_990 {strides = array<i32>} : memref<2x5x80x64xf32, #tpu.memory_space<vmem>>, vector<1x1x1x16xf32>,
            %slice3A_991 = vector.extract_strided_slice %get3A_530 {offsets = [7], sizes = [1], strides = [1]} : vector<16xf32> to vector<1xf32>
            %squeeze3A_992 = vector.extract %slice3A_991[0] : f32 from vector<1xf32>
            %mul3A_993 = arith.constant 16 : i32
            %mul3A_994 = arith.muli %scan3A_520, %mul3A_993 : i32
            %add3A_995 = arith.constant 7 : i32
            %add3A_996 = arith.addi %mul3A_994, %add3A_995 : i32
            %get3A_997 = arith.index_cast %rem3A_493 : i32 to index
            %get3A_998 = arith.index_cast %scan3A_464 : i32 to index
            %get3A_999 = arith.index_cast %add3A_996 : i32 to index
            %get3A_1000 = arith.constant 0 : index
            %get3A_1001 = tpu.vector_load %arg12[%get3A_997, %get3A_998, %get3A_999, %get3A_1000] {strides = array<i32>} : memref<2x5x80x64xf32, #tpu.memory_space<vmem>>, vector<1x1x1x16xf32>,
            %get3A_1002 = vector.shape_cast %get3A_1001 : vector<1x1x1x16xf32> to vector<16xf32>
            %mul3A_1003 = vector.broadcast %squeeze3A_992 : f32 to vector<16xf32>
            %mul3A_1004 = arith.mulf %get3A_1002, %mul3A_1003 : vector<16xf32>
            %swap3A_1005 = arith.index_cast %rem3A_493 : i32 to index
            %swap3A_1006 = arith.index_cast %scan3A_464 : i32 to index
            %swap3A_1007 = arith.index_cast %add3A_996 : i32 to index
            %swap3A_1008 = arith.constant 0 : index
            %swap3A_1009 = tpu.vector_load %arg12[%swap3A_1005, %swap3A_1006, %swap3A_1007, %swap3A_1008] {strides = array<i32>} : memref<2x5x80x64xf32, #tpu.memory_space<vmem>>, vector<1x1x1x16xf32>,
            %swap3A_1010 = vector.shape_cast %swap3A_1009 : vector<1x1x1x16xf32> to vector<16xf32>
            %swap3A_1011 = vector.shape_cast %mul3A_1004 : vector<16xf32> to vector<1x1x1x16xf32>
            tpu.vector_store %arg12[%swap3A_1005, %swap3A_1006, %swap3A_1007, %swap3A_1008], %swap3A_1011 {strides = array<i32>} : memref<2x5x80x64xf32, #tpu.memory_space<vmem>>, vector<1x1x1x16xf32>,
            %get3A_1012 = arith.index_cast %rem3A_493 : i32 to index
            %get3A_1013 = arith.index_cast %scan3A_464 : i32 to index
            %get3A_1014 = arith.index_cast %add3A_996 : i32 to index
            %get3A_1015 = arith.constant 16 : index
            %get3A_1016 = tpu.vector_load %arg12[%get3A_1012, %get3A_1013, %get3A_1014, %get3A_1015] {strides = array<i32>} : memref<2x5x80x64xf32, #tpu.memory_space<vmem>>, vector<1x1x1x16xf32>,
            %get3A_1017 = vector.shape_cast %get3A_1016 : vector<1x1x1x16xf32> to vector<16xf32>
            %mul3A_1018 = vector.broadcast %squeeze3A_992 : f32 to vector<16xf32>
            %mul3A_1019 = arith.mulf %get3A_1017, %mul3A_1018 : vector<16xf32>
            %swap3A_1020 = arith.index_cast %rem3A_493 : i32 to index
            %swap3A_1021 = arith.index_cast %scan3A_464 : i32 to index
            %swap3A_1022 = arith.index_cast %add3A_996 : i32 to index
            %swap3A_1023 = arith.constant 16 : index
            %swap3A_1024 = tpu.vector_load %arg12[%swap3A_1020, %swap3A_1021, %swap3A_1022, %swap3A_1023] {strides = array<i32>} : memref<2x5x80x64xf32, #tpu.memory_space<vmem>>, vector<1x1x1x16xf32>,
            %swap3A_1025 = vector.shape_cast %swap3A_1024 : vector<1x1x1x16xf32> to vector<16xf32>
            %swap3A_1026 = vector.shape_cast %mul3A_1019 : vector<16xf32> to vector<1x1x1x16xf32>
            tpu.vector_store %arg12[%swap3A_1020, %swap3A_1021, %swap3A_1022, %swap3A_1023], %swap3A_1026 {strides = array<i32>} : memref<2x5x80x64xf32, #tpu.memory_space<vmem>>, vector<1x1x1x16xf32>,
            %get3A_1027 = arith.index_cast %rem3A_493 : i32 to index
            %get3A_1028 = arith.index_cast %scan3A_464 : i32 to index
            %get3A_1029 = arith.index_cast %add3A_996 : i32 to index
            %get3A_1030 = arith.constant 32 : index
            %get3A_1031 = tpu.vector_load %arg12[%get3A_1027, %get3A_1028, %get3A_1029, %get3A_1030] {strides = array<i32>} : memref<2x5x80x64xf32, #tpu.memory_space<vmem>>, vector<1x1x1x16xf32>,
            %get3A_1032 = vector.shape_cast %get3A_1031 : vector<1x1x1x16xf32> to vector<16xf32>
            %mul3A_1033 = vector.broadcast %squeeze3A_992 : f32 to vector<16xf32>
            %mul3A_1034 = arith.mulf %get3A_1032, %mul3A_1033 : vector<16xf32>
            %swap3A_1035 = arith.index_cast %rem3A_493 : i32 to index
            %swap3A_1036 = arith.index_cast %scan3A_464 : i32 to index
            %swap3A_1037 = arith.index_cast %add3A_996 : i32 to index
            %swap3A_1038 = arith.constant 32 : index
            %swap3A_1039 = tpu.vector_load %arg12[%swap3A_1035, %swap3A_1036, %swap3A_1037, %swap3A_1038] {strides = array<i32>} : memref<2x5x80x64xf32, #tpu.memory_space<vmem>>, vector<1x1x1x16xf32>,
            %swap3A_1040 = vector.shape_cast %swap3A_1039 : vector<1x1x1x16xf32> to vector<16xf32>
            %swap3A_1041 = vector.shape_cast %mul3A_1034 : vector<16xf32> to vector<1x1x1x16xf32>
            tpu.vector_store %arg12[%swap3A_1035, %swap3A_1036, %swap3A_1037, %swap3A_1038], %swap3A_1041 {strides = array<i32>} : memref<2x5x80x64xf32, #tpu.memory_space<vmem>>, vector<1x1x1x16xf32>,
            %get3A_1042 = arith.index_cast %rem3A_493 : i32 to index
            %get3A_1043 = arith.index_cast %scan3A_464 : i32 to index
            %get3A_1044 = arith.index_cast %add3A_996 : i32 to index
            %get3A_1045 = arith.constant 48 : index
            %get3A_1046 = tpu.vector_load %arg12[%get3A_1042, %get3A_1043, %get3A_1044, %get3A_1045] {strides = array<i32>} : memref<2x5x80x64xf32, #tpu.memory_space<vmem>>, vector<1x1x1x16xf32>,
            %get3A_1047 = vector.shape_cast %get3A_1046 : vector<1x1x1x16xf32> to vector<16xf32>
            %mul3A_1048 = vector.broadcast %squeeze3A_992 : f32 to vector<16xf32>
            %mul3A_1049 = arith.mulf %get3A_1047, %mul3A_1048 : vector<16xf32>
            %swap3A_1050 = arith.index_cast %rem3A_493 : i32 to index
            %swap3A_1051 = arith.index_cast %scan3A_464 : i32 to index
            %swap3A_1052 = arith.index_cast %add3A_996 : i32 to index
            %swap3A_1053 = arith.constant 48 : index
            %swap3A_1054 = tpu.vector_load %arg12[%swap3A_1050, %swap3A_1051, %swap3A_1052, %swap3A_1053] {strides = array<i32>} : memref<2x5x80x64xf32, #tpu.memory_space<vmem>>, vector<1x1x1x16xf32>,
            %swap3A_1055 = vector.shape_cast %swap3A_1054 : vector<1x1x1x16xf32> to vector<16xf32>
            %swap3A_1056 = vector.shape_cast %mul3A_1049 : vector<16xf32> to vector<1x1x1x16xf32>
            tpu.vector_store %arg12[%swap3A_1050, %swap3A_1051, %swap3A_1052, %swap3A_1053], %swap3A_1056 {strides = array<i32>} : memref<2x5x80x64xf32, #tpu.memory_space<vmem>>, vector<1x1x1x16xf32>,
            %slice3A_1057 = vector.extract_strided_slice %get3A_530 {offsets = [8], sizes = [1], strides = [1]} : vector<16xf32> to vector<1xf32>
            %squeeze3A_1058 = vector.extract %slice3A_1057[0] : f32 from vector<1xf32>
            %mul3A_1059 = arith.constant 16 : i32
            %mul3A_1060 = arith.muli %scan3A_520, %mul3A_1059 : i32
            %add3A_1061 = arith.constant 8 : i32
            %add3A_1062 = arith.addi %mul3A_1060, %add3A_1061 : i32
            %get3A_1063 = arith.index_cast %rem3A_493 : i32 to index
            %get3A_1064 = arith.index_cast %scan3A_464 : i32 to index
            %get3A_1065 = arith.index_cast %add3A_1062 : i32 to index
            %get3A_1066 = arith.constant 0 : index
            %get3A_1067 = tpu.vector_load %arg12[%get3A_1063, %get3A_1064, %get3A_1065, %get3A_1066] {strides = array<i32>} : memref<2x5x80x64xf32, #tpu.memory_space<vmem>>, vector<1x1x1x16xf32>,
            %get3A_1068 = vector.shape_cast %get3A_1067 : vector<1x1x1x16xf32> to vector<16xf32>
            %mul3A_1069 = vector.broadcast %squeeze3A_1058 : f32 to vector<16xf32>
            %mul3A_1070 = arith.mulf %get3A_1068, %mul3A_1069 : vector<16xf32>
            %swap3A_1071 = arith.index_cast %rem3A_493 : i32 to index
            %swap3A_1072 = arith.index_cast %scan3A_464 : i32 to index
            %swap3A_1073 = arith.index_cast %add3A_1062 : i32 to index
            %swap3A_1074 = arith.constant 0 : index
            %swap3A_1075 = tpu.vector_load %arg12[%swap3A_1071, %swap3A_1072, %swap3A_1073, %swap3A_1074] {strides = array<i32>} : memref<2x5x80x64xf32, #tpu.memory_space<vmem>>, vector<1x1x1x16xf32>,
            %swap3A_1076 = vector.shape_cast %swap3A_1075 : vector<1x1x1x16xf32> to vector<16xf32>
            %swap3A_1077 = vector.shape_cast %mul3A_1070 : vector<16xf32> to vector<1x1x1x16xf32>
            tpu.vector_store %arg12[%swap3A_1071, %swap3A_1072, %swap3A_1073, %swap3A_1074], %swap3A_1077 {strides = array<i32>} : memref<2x5x80x64xf32, #tpu.memory_space<vmem>>, vector<1x1x1x16xf32>,
            %get3A_1078 = arith.index_cast %rem3A_493 : i32 to index
            %get3A_1079 = arith.index_cast %scan3A_464 : i32 to index
            %get3A_1080 = arith.index_cast %add3A_1062 : i32 to index
            %get3A_1081 = arith.constant 16 : index
            %get3A_1082 = tpu.vector_load %arg12[%get3A_1078, %get3A_1079, %get3A_1080, %get3A_1081] {strides = array<i32>} : memref<2x5x80x64xf32, #tpu.memory_space<vmem>>, vector<1x1x1x16xf32>,
            %get3A_1083 = vector.shape_cast %get3A_1082 : vector<1x1x1x16xf32> to vector<16xf32>
            %mul3A_1084 = vector.broadcast %squeeze3A_1058 : f32 to vector<16xf32>
            %mul3A_1085 = arith.mulf %get3A_1083, %mul3A_1084 : vector<16xf32>
            %swap3A_1086 = arith.index_cast %rem3A_493 : i32 to index
            %swap3A_1087 = arith.index_cast %scan3A_464 : i32 to index
            %swap3A_1088 = arith.index_cast %add3A_1062 : i32 to index
            %swap3A_1089 = arith.constant 16 : index
            %swap3A_1090 = tpu.vector_load %arg12[%swap3A_1086, %swap3A_1087, %swap3A_1088, %swap3A_1089] {strides = array<i32>} : memref<2x5x80x64xf32, #tpu.memory_space<vmem>>, vector<1x1x1x16xf32>,
            %swap3A_1091 = vector.shape_cast %swap3A_1090 : vector<1x1x1x16xf32> to vector<16xf32>
            %swap3A_1092 = vector.shape_cast %mul3A_1085 : vector<16xf32> to vector<1x1x1x16xf32>
            tpu.vector_store %arg12[%swap3A_1086, %swap3A_1087, %swap3A_1088, %swap3A_1089], %swap3A_1092 {strides = array<i32>} : memref<2x5x80x64xf32, #tpu.memory_space<vmem>>, vector<1x1x1x16xf32>,
            %get3A_1093 = arith.index_cast %rem3A_493 : i32 to index
            %get3A_1094 = arith.index_cast %scan3A_464 : i32 to index
            %get3A_1095 = arith.index_cast %add3A_1062 : i32 to index
            %get3A_1096 = arith.constant 32 : index
            %get3A_1097 = tpu.vector_load %arg12[%get3A_1093, %get3A_1094, %get3A_1095, %get3A_1096] {strides = array<i32>} : memref<2x5x80x64xf32, #tpu.memory_space<vmem>>, vector<1x1x1x16xf32>,
            %get3A_1098 = vector.shape_cast %get3A_1097 : vector<1x1x1x16xf32> to vector<16xf32>
            %mul3A_1099 = vector.broadcast %squeeze3A_1058 : f32 to vector<16xf32>
            %mul3A_1100 = arith.mulf %get3A_1098, %mul3A_1099 : vector<16xf32>
            %swap3A_1101 = arith.index_cast %rem3A_493 : i32 to index
            %swap3A_1102 = arith.index_cast %scan3A_464 : i32 to index
            %swap3A_1103 = arith.index_cast %add3A_1062 : i32 to index
            %swap3A_1104 = arith.constant 32 : index
            %swap3A_1105 = tpu.vector_load %arg12[%swap3A_1101, %swap3A_1102, %swap3A_1103, %swap3A_1104] {strides = array<i32>} : memref<2x5x80x64xf32, #tpu.memory_space<vmem>>, vector<1x1x1x16xf32>,
            %swap3A_1106 = vector.shape_cast %swap3A_1105 : vector<1x1x1x16xf32> to vector<16xf32>
            %swap3A_1107 = vector.shape_cast %mul3A_1100 : vector<16xf32> to vector<1x1x1x16xf32>
            tpu.vector_store %arg12[%swap3A_1101, %swap3A_1102, %swap3A_1103, %swap3A_1104], %swap3A_1107 {strides = array<i32>} : memref<2x5x80x64xf32, #tpu.memory_space<vmem>>, vector<1x1x1x16xf32>,
            %get3A_1108 = arith.index_cast %rem3A_493 : i32 to index
            %get3A_1109 = arith.index_cast %scan3A_464 : i32 to index
            %get3A_1110 = arith.index_cast %add3A_1062 : i32 to index
            %get3A_1111 = arith.constant 48 : index
            %get3A_1112 = tpu.vector_load %arg12[%get3A_1108, %get3A_1109, %get3A_1110, %get3A_1111] {strides = array<i32>} : memref<2x5x80x64xf32, #tpu.memory_space<vmem>>, vector<1x1x1x16xf32>,
            %get3A_1113 = vector.shape_cast %get3A_1112 : vector<1x1x1x16xf32> to vector<16xf32>
            %mul3A_1114 = vector.broadcast %squeeze3A_1058 : f32 to vector<16xf32>
            %mul3A_1115 = arith.mulf %get3A_1113, %mul3A_1114 : vector<16xf32>
            %swap3A_1116 = arith.index_cast %rem3A_493 : i32 to index
            %swap3A_1117 = arith.index_cast %scan3A_464 : i32 to index
            %swap3A_1118 = arith.index_cast %add3A_1062 : i32 to index
            %swap3A_1119 = arith.constant 48 : index
            %swap3A_1120 = tpu.vector_load %arg12[%swap3A_1116, %swap3A_1117, %swap3A_1118, %swap3A_1119] {strides = array<i32>} : memref<2x5x80x64xf32, #tpu.memory_space<vmem>>, vector<1x1x1x16xf32>,
            %swap3A_1121 = vector.shape_cast %swap3A_1120 : vector<1x1x1x16xf32> to vector<16xf32>
            %swap3A_1122 = vector.shape_cast %mul3A_1115 : vector<16xf32> to vector<1x1x1x16xf32>
            tpu.vector_store %arg12[%swap3A_1116, %swap3A_1117, %swap3A_1118, %swap3A_1119], %swap3A_1122 {strides = array<i32>} : memref<2x5x80x64xf32, #tpu.memory_space<vmem>>, vector<1x1x1x16xf32>,
            %slice3A_1123 = vector.extract_strided_slice %get3A_530 {offsets = [9], sizes = [1], strides = [1]} : vector<16xf32> to vector<1xf32>
            %squeeze3A_1124 = vector.extract %slice3A_1123[0] : f32 from vector<1xf32>
            %mul3A_1125 = arith.constant 16 : i32
            %mul3A_1126 = arith.muli %scan3A_520, %mul3A_1125 : i32
            %add3A_1127 = arith.constant 9 : i32
            %add3A_1128 = arith.addi %mul3A_1126, %add3A_1127 : i32
            %get3A_1129 = arith.index_cast %rem3A_493 : i32 to index
            %get3A_1130 = arith.index_cast %scan3A_464 : i32 to index
            %get3A_1131 = arith.index_cast %add3A_1128 : i32 to index
            %get3A_1132 = arith.constant 0 : index
            %get3A_1133 = tpu.vector_load %arg12[%get3A_1129, %get3A_1130, %get3A_1131, %get3A_1132] {strides = array<i32>} : memref<2x5x80x64xf32, #tpu.memory_space<vmem>>, vector<1x1x1x16xf32>,
            %get3A_1134 = vector.shape_cast %get3A_1133 : vector<1x1x1x16xf32> to vector<16xf32>
            %mul3A_1135 = vector.broadcast %squeeze3A_1124 : f32 to vector<16xf32>
            %mul3A_1136 = arith.mulf %get3A_1134, %mul3A_1135 : vector<16xf32>
            %swap3A_1137 = arith.index_cast %rem3A_493 : i32 to index
            %swap3A_1138 = arith.index_cast %scan3A_464 : i32 to index
            %swap3A_1139 = arith.index_cast %add3A_1128 : i32 to index
            %swap3A_1140 = arith.constant 0 : index
            %swap3A_1141 = tpu.vector_load %arg12[%swap3A_1137, %swap3A_1138, %swap3A_1139, %swap3A_1140] {strides = array<i32>} : memref<2x5x80x64xf32, #tpu.memory_space<vmem>>, vector<1x1x1x16xf32>,
            %swap3A_1142 = vector.shape_cast %swap3A_1141 : vector<1x1x1x16xf32> to vector<16xf32>
            %swap3A_1143 = vector.shape_cast %mul3A_1136 : vector<16xf32> to vector<1x1x1x16xf32>
            tpu.vector_store %arg12[%swap3A_1137, %swap3A_1138, %swap3A_1139, %swap3A_1140], %swap3A_1143 {strides = array<i32>} : memref<2x5x80x64xf32, #tpu.memory_space<vmem>>, vector<1x1x1x16xf32>,
            %get3A_1144 = arith.index_cast %rem3A_493 : i32 to index
            %get3A_1145 = arith.index_cast %scan3A_464 : i32 to index
            %get3A_1146 = arith.index_cast %add3A_1128 : i32 to index
            %get3A_1147 = arith.constant 16 : index
            %get3A_1148 = tpu.vector_load %arg12[%get3A_1144, %get3A_1145, %get3A_1146, %get3A_1147] {strides = array<i32>} : memref<2x5x80x64xf32, #tpu.memory_space<vmem>>, vector<1x1x1x16xf32>,
            %get3A_1149 = vector.shape_cast %get3A_1148 : vector<1x1x1x16xf32> to vector<16xf32>
            %mul3A_1150 = vector.broadcast %squeeze3A_1124 : f32 to vector<16xf32>
            %mul3A_1151 = arith.mulf %get3A_1149, %mul3A_1150 : vector<16xf32>
            %swap3A_1152 = arith.index_cast %rem3A_493 : i32 to index
            %swap3A_1153 = arith.index_cast %scan3A_464 : i32 to index
            %swap3A_1154 = arith.index_cast %add3A_1128 : i32 to index
            %swap3A_1155 = arith.constant 16 : index
            %swap3A_1156 = tpu.vector_load %arg12[%swap3A_1152, %swap3A_1153, %swap3A_1154, %swap3A_1155] {strides = array<i32>} : memref<2x5x80x64xf32, #tpu.memory_space<vmem>>, vector<1x1x1x16xf32>,
            %swap3A_1157 = vector.shape_cast %swap3A_1156 : vector<1x1x1x16xf32> to vector<16xf32>
            %swap3A_1158 = vector.shape_cast %mul3A_1151 : vector<16xf32> to vector<1x1x1x16xf32>
            tpu.vector_store %arg12[%swap3A_1152, %swap3A_1153, %swap3A_1154, %swap3A_1155], %swap3A_1158 {strides = array<i32>} : memref<2x5x80x64xf32, #tpu.memory_space<vmem>>, vector<1x1x1x16xf32>,
            %get3A_1159 = arith.index_cast %rem3A_493 : i32 to index
            %get3A_1160 = arith.index_cast %scan3A_464 : i32 to index
            %get3A_1161 = arith.index_cast %add3A_1128 : i32 to index
            %get3A_1162 = arith.constant 32 : index
            %get3A_1163 = tpu.vector_load %arg12[%get3A_1159, %get3A_1160, %get3A_1161, %get3A_1162] {strides = array<i32>} : memref<2x5x80x64xf32, #tpu.memory_space<vmem>>, vector<1x1x1x16xf32>,
            %get3A_1164 = vector.shape_cast %get3A_1163 : vector<1x1x1x16xf32> to vector<16xf32>
            %mul3A_1165 = vector.broadcast %squeeze3A_1124 : f32 to vector<16xf32>
            %mul3A_1166 = arith.mulf %get3A_1164, %mul3A_1165 : vector<16xf32>
            %swap3A_1167 = arith.index_cast %rem3A_493 : i32 to index
            %swap3A_1168 = arith.index_cast %scan3A_464 : i32 to index
            %swap3A_1169 = arith.index_cast %add3A_1128 : i32 to index
            %swap3A_1170 = arith.constant 32 : index
            %swap3A_1171 = tpu.vector_load %arg12[%swap3A_1167, %swap3A_1168, %swap3A_1169, %swap3A_1170] {strides = array<i32>} : memref<2x5x80x64xf32, #tpu.memory_space<vmem>>, vector<1x1x1x16xf32>,
            %swap3A_1172 = vector.shape_cast %swap3A_1171 : vector<1x1x1x16xf32> to vector<16xf32>
            %swap3A_1173 = vector.shape_cast %mul3A_1166 : vector<16xf32> to vector<1x1x1x16xf32>
            tpu.vector_store %arg12[%swap3A_1167, %swap3A_1168, %swap3A_1169, %swap3A_1170], %swap3A_1173 {strides = array<i32>} : memref<2x5x80x64xf32, #tpu.memory_space<vmem>>, vector<1x1x1x16xf32>,
            %get3A_1174 = arith.index_cast %rem3A_493 : i32 to index
            %get3A_1175 = arith.index_cast %scan3A_464 : i32 to index
            %get3A_1176 = arith.index_cast %add3A_1128 : i32 to index
            %get3A_1177 = arith.constant 48 : index
            %get3A_1178 = tpu.vector_load %arg12[%get3A_1174, %get3A_1175, %get3A_1176, %get3A_1177] {strides = array<i32>} : memref<2x5x80x64xf32, #tpu.memory_space<vmem>>, vector<1x1x1x16xf32>,
            %get3A_1179 = vector.shape_cast %get3A_1178 : vector<1x1x1x16xf32> to vector<16xf32>
            %mul3A_1180 = vector.broadcast %squeeze3A_1124 : f32 to vector<16xf32>
            %mul3A_1181 = arith.mulf %get3A_1179, %mul3A_1180 : vector<16xf32>
            %swap3A_1182 = arith.index_cast %rem3A_493 : i32 to index
            %swap3A_1183 = arith.index_cast %scan3A_464 : i32 to index
            %swap3A_1184 = arith.index_cast %add3A_1128 : i32 to index
            %swap3A_1185 = arith.constant 48 : index
            %swap3A_1186 = tpu.vector_load %arg12[%swap3A_1182, %swap3A_1183, %swap3A_1184, %swap3A_1185] {strides = array<i32>} : memref<2x5x80x64xf32, #tpu.memory_space<vmem>>, vector<1x1x1x16xf32>,
            %swap3A_1187 = vector.shape_cast %swap3A_1186 : vector<1x1x1x16xf32> to vector<16xf32>
            %swap3A_1188 = vector.shape_cast %mul3A_1181 : vector<16xf32> to vector<1x1x1x16xf32>
            tpu.vector_store %arg12[%swap3A_1182, %swap3A_1183, %swap3A_1184, %swap3A_1185], %swap3A_1188 {strides = array<i32>} : memref<2x5x80x64xf32, #tpu.memory_space<vmem>>, vector<1x1x1x16xf32>,
            %slice3A_1189 = vector.extract_strided_slice %get3A_530 {offsets = [10], sizes = [1], strides = [1]} : vector<16xf32> to vector<1xf32>
            %squeeze3A_1190 = vector.extract %slice3A_1189[0] : f32 from vector<1xf32>
            %mul3A_1191 = arith.constant 16 : i32
            %mul3A_1192 = arith.muli %scan3A_520, %mul3A_1191 : i32
            %add3A_1193 = arith.constant 10 : i32
            %add3A_1194 = arith.addi %mul3A_1192, %add3A_1193 : i32
            %get3A_1195 = arith.index_cast %rem3A_493 : i32 to index
            %get3A_1196 = arith.index_cast %scan3A_464 : i32 to index
            %get3A_1197 = arith.index_cast %add3A_1194 : i32 to index
            %get3A_1198 = arith.constant 0 : index
            %get3A_1199 = tpu.vector_load %arg12[%get3A_1195, %get3A_1196, %get3A_1197, %get3A_1198] {strides = array<i32>} : memref<2x5x80x64xf32, #tpu.memory_space<vmem>>, vector<1x1x1x16xf32>,
            %get3A_1200 = vector.shape_cast %get3A_1199 : vector<1x1x1x16xf32> to vector<16xf32>
            %mul3A_1201 = vector.broadcast %squeeze3A_1190 : f32 to vector<16xf32>
            %mul3A_1202 = arith.mulf %get3A_1200, %mul3A_1201 : vector<16xf32>
            %swap3A_1203 = arith.index_cast %rem3A_493 : i32 to index
            %swap3A_1204 = arith.index_cast %scan3A_464 : i32 to index
            %swap3A_1205 = arith.index_cast %add3A_1194 : i32 to index
            %swap3A_1206 = arith.constant 0 : index
            %swap3A_1207 = tpu.vector_load %arg12[%swap3A_1203, %swap3A_1204, %swap3A_1205, %swap3A_1206] {strides = array<i32>} : memref<2x5x80x64xf32, #tpu.memory_space<vmem>>, vector<1x1x1x16xf32>,
            %swap3A_1208 = vector.shape_cast %swap3A_1207 : vector<1x1x1x16xf32> to vector<16xf32>
            %swap3A_1209 = vector.shape_cast %mul3A_1202 : vector<16xf32> to vector<1x1x1x16xf32>
            tpu.vector_store %arg12[%swap3A_1203, %swap3A_1204, %swap3A_1205, %swap3A_1206], %swap3A_1209 {strides = array<i32>} : memref<2x5x80x64xf32, #tpu.memory_space<vmem>>, vector<1x1x1x16xf32>,
            %get3A_1210 = arith.index_cast %rem3A_493 : i32 to index
            %get3A_1211 = arith.index_cast %scan3A_464 : i32 to index
            %get3A_1212 = arith.index_cast %add3A_1194 : i32 to index
            %get3A_1213 = arith.constant 16 : index
            %get3A_1214 = tpu.vector_load %arg12[%get3A_1210, %get3A_1211, %get3A_1212, %get3A_1213] {strides = array<i32>} : memref<2x5x80x64xf32, #tpu.memory_space<vmem>>, vector<1x1x1x16xf32>,
            %get3A_1215 = vector.shape_cast %get3A_1214 : vector<1x1x1x16xf32> to vector<16xf32>
            %mul3A_1216 = vector.broadcast %squeeze3A_1190 : f32 to vector<16xf32>
            %mul3A_1217 = arith.mulf %get3A_1215, %mul3A_1216 : vector<16xf32>
            %swap3A_1218 = arith.index_cast %rem3A_493 : i32 to index
            %swap3A_1219 = arith.index_cast %scan3A_464 : i32 to index
            %swap3A_1220 = arith.index_cast %add3A_1194 : i32 to index
            %swap3A_1221 = arith.constant 16 : index
            %swap3A_1222 = tpu.vector_load %arg12[%swap3A_1218, %swap3A_1219, %swap3A_1220, %swap3A_1221] {strides = array<i32>} : memref<2x5x80x64xf32, #tpu.memory_space<vmem>>, vector<1x1x1x16xf32>,
            %swap3A_1223 = vector.shape_cast %swap3A_1222 : vector<1x1x1x16xf32> to vector<16xf32>
            %swap3A_1224 = vector.shape_cast %mul3A_1217 : vector<16xf32> to vector<1x1x1x16xf32>
            tpu.vector_store %arg12[%swap3A_1218, %swap3A_1219, %swap3A_1220, %swap3A_1221], %swap3A_1224 {strides = array<i32>} : memref<2x5x80x64xf32, #tpu.memory_space<vmem>>, vector<1x1x1x16xf32>,
            %get3A_1225 = arith.index_cast %rem3A_493 : i32 to index
            %get3A_1226 = arith.index_cast %scan3A_464 : i32 to index
            %get3A_1227 = arith.index_cast %add3A_1194 : i32 to index
            %get3A_1228 = arith.constant 32 : index
            %get3A_1229 = tpu.vector_load %arg12[%get3A_1225, %get3A_1226, %get3A_1227, %get3A_1228] {strides = array<i32>} : memref<2x5x80x64xf32, #tpu.memory_space<vmem>>, vector<1x1x1x16xf32>,
            %get3A_1230 = vector.shape_cast %get3A_1229 : vector<1x1x1x16xf32> to vector<16xf32>
            %mul3A_1231 = vector.broadcast %squeeze3A_1190 : f32 to vector<16xf32>
            %mul3A_1232 = arith.mulf %get3A_1230, %mul3A_1231 : vector<16xf32>
            %swap3A_1233 = arith.index_cast %rem3A_493 : i32 to index
            %swap3A_1234 = arith.index_cast %scan3A_464 : i32 to index
            %swap3A_1235 = arith.index_cast %add3A_1194 : i32 to index
            %swap3A_1236 = arith.constant 32 : index
            %swap3A_1237 = tpu.vector_load %arg12[%swap3A_1233, %swap3A_1234, %swap3A_1235, %swap3A_1236] {strides = array<i32>} : memref<2x5x80x64xf32, #tpu.memory_space<vmem>>, vector<1x1x1x16xf32>,
            %swap3A_1238 = vector.shape_cast %swap3A_1237 : vector<1x1x1x16xf32> to vector<16xf32>
            %swap3A_1239 = vector.shape_cast %mul3A_1232 : vector<16xf32> to vector<1x1x1x16xf32>
            tpu.vector_store %arg12[%swap3A_1233, %swap3A_1234, %swap3A_1235, %swap3A_1236], %swap3A_1239 {strides = array<i32>} : memref<2x5x80x64xf32, #tpu.memory_space<vmem>>, vector<1x1x1x16xf32>,
            %get3A_1240 = arith.index_cast %rem3A_493 : i32 to index
            %get3A_1241 = arith.index_cast %scan3A_464 : i32 to index
            %get3A_1242 = arith.index_cast %add3A_1194 : i32 to index
            %get3A_1243 = arith.constant 48 : index
            %get3A_1244 = tpu.vector_load %arg12[%get3A_1240, %get3A_1241, %get3A_1242, %get3A_1243] {strides = array<i32>} : memref<2x5x80x64xf32, #tpu.memory_space<vmem>>, vector<1x1x1x16xf32>,
            %get3A_1245 = vector.shape_cast %get3A_1244 : vector<1x1x1x16xf32> to vector<16xf32>
            %mul3A_1246 = vector.broadcast %squeeze3A_1190 : f32 to vector<16xf32>
            %mul3A_1247 = arith.mulf %get3A_1245, %mul3A_1246 : vector<16xf32>
            %swap3A_1248 = arith.index_cast %rem3A_493 : i32 to index
            %swap3A_1249 = arith.index_cast %scan3A_464 : i32 to index
            %swap3A_1250 = arith.index_cast %add3A_1194 : i32 to index
            %swap3A_1251 = arith.constant 48 : index
            %swap3A_1252 = tpu.vector_load %arg12[%swap3A_1248, %swap3A_1249, %swap3A_1250, %swap3A_1251] {strides = array<i32>} : memref<2x5x80x64xf32, #tpu.memory_space<vmem>>, vector<1x1x1x16xf32>,
            %swap3A_1253 = vector.shape_cast %swap3A_1252 : vector<1x1x1x16xf32> to vector<16xf32>
            %swap3A_1254 = vector.shape_cast %mul3A_1247 : vector<16xf32> to vector<1x1x1x16xf32>
            tpu.vector_store %arg12[%swap3A_1248, %swap3A_1249, %swap3A_1250, %swap3A_1251], %swap3A_1254 {strides = array<i32>} : memref<2x5x80x64xf32, #tpu.memory_space<vmem>>, vector<1x1x1x16xf32>,
            %slice3A_1255 = vector.extract_strided_slice %get3A_530 {offsets = [11], sizes = [1], strides = [1]} : vector<16xf32> to vector<1xf32>
            %squeeze3A_1256 = vector.extract %slice3A_1255[0] : f32 from vector<1xf32>
            %mul3A_1257 = arith.constant 16 : i32
            %mul3A_1258 = arith.muli %scan3A_520, %mul3A_1257 : i32
            %add3A_1259 = arith.constant 11 : i32
            %add3A_1260 = arith.addi %mul3A_1258, %add3A_1259 : i32
            %get3A_1261 = arith.index_cast %rem3A_493 : i32 to index
            %get3A_1262 = arith.index_cast %scan3A_464 : i32 to index
            %get3A_1263 = arith.index_cast %add3A_1260 : i32 to index
            %get3A_1264 = arith.constant 0 : index
            %get3A_1265 = tpu.vector_load %arg12[%get3A_1261, %get3A_1262, %get3A_1263, %get3A_1264] {strides = array<i32>} : memref<2x5x80x64xf32, #tpu.memory_space<vmem>>, vector<1x1x1x16xf32>,
            %get3A_1266 = vector.shape_cast %get3A_1265 : vector<1x1x1x16xf32> to vector<16xf32>
            %mul3A_1267 = vector.broadcast %squeeze3A_1256 : f32 to vector<16xf32>
            %mul3A_1268 = arith.mulf %get3A_1266, %mul3A_1267 : vector<16xf32>
            %swap3A_1269 = arith.index_cast %rem3A_493 : i32 to index
            %swap3A_1270 = arith.index_cast %scan3A_464 : i32 to index
            %swap3A_1271 = arith.index_cast %add3A_1260 : i32 to index
            %swap3A_1272 = arith.constant 0 : index
            %swap3A_1273 = tpu.vector_load %arg12[%swap3A_1269, %swap3A_1270, %swap3A_1271, %swap3A_1272] {strides = array<i32>} : memref<2x5x80x64xf32, #tpu.memory_space<vmem>>, vector<1x1x1x16xf32>,
            %swap3A_1274 = vector.shape_cast %swap3A_1273 : vector<1x1x1x16xf32> to vector<16xf32>
            %swap3A_1275 = vector.shape_cast %mul3A_1268 : vector<16xf32> to vector<1x1x1x16xf32>
            tpu.vector_store %arg12[%swap3A_1269, %swap3A_1270, %swap3A_1271, %swap3A_1272], %swap3A_1275 {strides = array<i32>} : memref<2x5x80x64xf32, #tpu.memory_space<vmem>>, vector<1x1x1x16xf32>,
            %get3A_1276 = arith.index_cast %rem3A_493 : i32 to index
            %get3A_1277 = arith.index_cast %scan3A_464 : i32 to index
            %get3A_1278 = arith.index_cast %add3A_1260 : i32 to index
            %get3A_1279 = arith.constant 16 : index
            %get3A_1280 = tpu.vector_load %arg12[%get3A_1276, %get3A_1277, %get3A_1278, %get3A_1279] {strides = array<i32>} : memref<2x5x80x64xf32, #tpu.memory_space<vmem>>, vector<1x1x1x16xf32>,
            %get3A_1281 = vector.shape_cast %get3A_1280 : vector<1x1x1x16xf32> to vector<16xf32>
            %mul3A_1282 = vector.broadcast %squeeze3A_1256 : f32 to vector<16xf32>
            %mul3A_1283 = arith.mulf %get3A_1281, %mul3A_1282 : vector<16xf32>
            %swap3A_1284 = arith.index_cast %rem3A_493 : i32 to index
            %swap3A_1285 = arith.index_cast %scan3A_464 : i32 to index
            %swap3A_1286 = arith.index_cast %add3A_1260 : i32 to index
            %swap3A_1287 = arith.constant 16 : index
            %swap3A_1288 = tpu.vector_load %arg12[%swap3A_1284, %swap3A_1285, %swap3A_1286, %swap3A_1287] {strides = array<i32>} : memref<2x5x80x64xf32, #tpu.memory_space<vmem>>, vector<1x1x1x16xf32>,
            %swap3A_1289 = vector.shape_cast %swap3A_1288 : vector<1x1x1x16xf32> to vector<16xf32>
            %swap3A_1290 = vector.shape_cast %mul3A_1283 : vector<16xf32> to vector<1x1x1x16xf32>
            tpu.vector_store %arg12[%swap3A_1284, %swap3A_1285, %swap3A_1286, %swap3A_1287], %swap3A_1290 {strides = array<i32>} : memref<2x5x80x64xf32, #tpu.memory_space<vmem>>, vector<1x1x1x16xf32>,
            %get3A_1291 = arith.index_cast %rem3A_493 : i32 to index
            %get3A_1292 = arith.index_cast %scan3A_464 : i32 to index
            %get3A_1293 = arith.index_cast %add3A_1260 : i32 to index
            %get3A_1294 = arith.constant 32 : index
            %get3A_1295 = tpu.vector_load %arg12[%get3A_1291, %get3A_1292, %get3A_1293, %get3A_1294] {strides = array<i32>} : memref<2x5x80x64xf32, #tpu.memory_space<vmem>>, vector<1x1x1x16xf32>,
            %get3A_1296 = vector.shape_cast %get3A_1295 : vector<1x1x1x16xf32> to vector<16xf32>
            %mul3A_1297 = vector.broadcast %squeeze3A_1256 : f32 to vector<16xf32>
            %mul3A_1298 = arith.mulf %get3A_1296, %mul3A_1297 : vector<16xf32>
            %swap3A_1299 = arith.index_cast %rem3A_493 : i32 to index
            %swap3A_1300 = arith.index_cast %scan3A_464 : i32 to index
            %swap3A_1301 = arith.index_cast %add3A_1260 : i32 to index
            %swap3A_1302 = arith.constant 32 : index
            %swap3A_1303 = tpu.vector_load %arg12[%swap3A_1299, %swap3A_1300, %swap3A_1301, %swap3A_1302] {strides = array<i32>} : memref<2x5x80x64xf32, #tpu.memory_space<vmem>>, vector<1x1x1x16xf32>,
            %swap3A_1304 = vector.shape_cast %swap3A_1303 : vector<1x1x1x16xf32> to vector<16xf32>
            %swap3A_1305 = vector.shape_cast %mul3A_1298 : vector<16xf32> to vector<1x1x1x16xf32>
            tpu.vector_store %arg12[%swap3A_1299, %swap3A_1300, %swap3A_1301, %swap3A_1302], %swap3A_1305 {strides = array<i32>} : memref<2x5x80x64xf32, #tpu.memory_space<vmem>>, vector<1x1x1x16xf32>,
            %get3A_1306 = arith.index_cast %rem3A_493 : i32 to index
            %get3A_1307 = arith.index_cast %scan3A_464 : i32 to index
            %get3A_1308 = arith.index_cast %add3A_1260 : i32 to index
            %get3A_1309 = arith.constant 48 : index
            %get3A_1310 = tpu.vector_load %arg12[%get3A_1306, %get3A_1307, %get3A_1308, %get3A_1309] {strides = array<i32>} : memref<2x5x80x64xf32, #tpu.memory_space<vmem>>, vector<1x1x1x16xf32>,
            %get3A_1311 = vector.shape_cast %get3A_1310 : vector<1x1x1x16xf32> to vector<16xf32>
            %mul3A_1312 = vector.broadcast %squeeze3A_1256 : f32 to vector<16xf32>
            %mul3A_1313 = arith.mulf %get3A_1311, %mul3A_1312 : vector<16xf32>
            %swap3A_1314 = arith.index_cast %rem3A_493 : i32 to index
            %swap3A_1315 = arith.index_cast %scan3A_464 : i32 to index
            %swap3A_1316 = arith.index_cast %add3A_1260 : i32 to index
            %swap3A_1317 = arith.constant 48 : index
            %swap3A_1318 = tpu.vector_load %arg12[%swap3A_1314, %swap3A_1315, %swap3A_1316, %swap3A_1317] {strides = array<i32>} : memref<2x5x80x64xf32, #tpu.memory_space<vmem>>, vector<1x1x1x16xf32>,
            %swap3A_1319 = vector.shape_cast %swap3A_1318 : vector<1x1x1x16xf32> to vector<16xf32>
            %swap3A_1320 = vector.shape_cast %mul3A_1313 : vector<16xf32> to vector<1x1x1x16xf32>
            tpu.vector_store %arg12[%swap3A_1314, %swap3A_1315, %swap3A_1316, %swap3A_1317], %swap3A_1320 {strides = array<i32>} : memref<2x5x80x64xf32, #tpu.memory_space<vmem>>, vector<1x1x1x16xf32>,
            %slice3A_1321 = vector.extract_strided_slice %get3A_530 {offsets = [12], sizes = [1], strides = [1]} : vector<16xf32> to vector<1xf32>
            %squeeze3A_1322 = vector.extract %slice3A_1321[0] : f32 from vector<1xf32>
            %mul3A_1323 = arith.constant 16 : i32
            %mul3A_1324 = arith.muli %scan3A_520, %mul3A_1323 : i32
            %add3A_1325 = arith.constant 12 : i32
            %add3A_1326 = arith.addi %mul3A_1324, %add3A_1325 : i32
            %get3A_1327 = arith.index_cast %rem3A_493 : i32 to index
            %get3A_1328 = arith.index_cast %scan3A_464 : i32 to index
            %get3A_1329 = arith.index_cast %add3A_1326 : i32 to index
            %get3A_1330 = arith.constant 0 : index
            %get3A_1331 = tpu.vector_load %arg12[%get3A_1327, %get3A_1328, %get3A_1329, %get3A_1330] {strides = array<i32>} : memref<2x5x80x64xf32, #tpu.memory_space<vmem>>, vector<1x1x1x16xf32>,
            %get3A_1332 = vector.shape_cast %get3A_1331 : vector<1x1x1x16xf32> to vector<16xf32>
            %mul3A_1333 = vector.broadcast %squeeze3A_1322 : f32 to vector<16xf32>
            %mul3A_1334 = arith.mulf %get3A_1332, %mul3A_1333 : vector<16xf32>
            %swap3A_1335 = arith.index_cast %rem3A_493 : i32 to index
            %swap3A_1336 = arith.index_cast %scan3A_464 : i32 to index
            %swap3A_1337 = arith.index_cast %add3A_1326 : i32 to index
            %swap3A_1338 = arith.constant 0 : index
            %swap3A_1339 = tpu.vector_load %arg12[%swap3A_1335, %swap3A_1336, %swap3A_1337, %swap3A_1338] {strides = array<i32>} : memref<2x5x80x64xf32, #tpu.memory_space<vmem>>, vector<1x1x1x16xf32>,
            %swap3A_1340 = vector.shape_cast %swap3A_1339 : vector<1x1x1x16xf32> to vector<16xf32>
            %swap3A_1341 = vector.shape_cast %mul3A_1334 : vector<16xf32> to vector<1x1x1x16xf32>
            tpu.vector_store %arg12[%swap3A_1335, %swap3A_1336, %swap3A_1337, %swap3A_1338], %swap3A_1341 {strides = array<i32>} : memref<2x5x80x64xf32, #tpu.memory_space<vmem>>, vector<1x1x1x16xf32>,
            %get3A_1342 = arith.index_cast %rem3A_493 : i32 to index
            %get3A_1343 = arith.index_cast %scan3A_464 : i32 to index
            %get3A_1344 = arith.index_cast %add3A_1326 : i32 to index
            %get3A_1345 = arith.constant 16 : index
            %get3A_1346 = tpu.vector_load %arg12[%get3A_1342, %get3A_1343, %get3A_1344, %get3A_1345] {strides = array<i32>} : memref<2x5x80x64xf32, #tpu.memory_space<vmem>>, vector<1x1x1x16xf32>,
            %get3A_1347 = vector.shape_cast %get3A_1346 : vector<1x1x1x16xf32> to vector<16xf32>
            %mul3A_1348 = vector.broadcast %squeeze3A_1322 : f32 to vector<16xf32>
            %mul3A_1349 = arith.mulf %get3A_1347, %mul3A_1348 : vector<16xf32>
            %swap3A_1350 = arith.index_cast %rem3A_493 : i32 to index
            %swap3A_1351 = arith.index_cast %scan3A_464 : i32 to index
            %swap3A_1352 = arith.index_cast %add3A_1326 : i32 to index
            %swap3A_1353 = arith.constant 16 : index
            %swap3A_1354 = tpu.vector_load %arg12[%swap3A_1350, %swap3A_1351, %swap3A_1352, %swap3A_1353] {strides = array<i32>} : memref<2x5x80x64xf32, #tpu.memory_space<vmem>>, vector<1x1x1x16xf32>,
            %swap3A_1355 = vector.shape_cast %swap3A_1354 : vector<1x1x1x16xf32> to vector<16xf32>
            %swap3A_1356 = vector.shape_cast %mul3A_1349 : vector<16xf32> to vector<1x1x1x16xf32>
            tpu.vector_store %arg12[%swap3A_1350, %swap3A_1351, %swap3A_1352, %swap3A_1353], %swap3A_1356 {strides = array<i32>} : memref<2x5x80x64xf32, #tpu.memory_space<vmem>>, vector<1x1x1x16xf32>,
            %get3A_1357 = arith.index_cast %rem3A_493 : i32 to index
            %get3A_1358 = arith.index_cast %scan3A_464 : i32 to index
            %get3A_1359 = arith.index_cast %add3A_1326 : i32 to index
            %get3A_1360 = arith.constant 32 : index
            %get3A_1361 = tpu.vector_load %arg12[%get3A_1357, %get3A_1358, %get3A_1359, %get3A_1360] {strides = array<i32>} : memref<2x5x80x64xf32, #tpu.memory_space<vmem>>, vector<1x1x1x16xf32>,
            %get3A_1362 = vector.shape_cast %get3A_1361 : vector<1x1x1x16xf32> to vector<16xf32>
            %mul3A_1363 = vector.broadcast %squeeze3A_1322 : f32 to vector<16xf32>
            %mul3A_1364 = arith.mulf %get3A_1362, %mul3A_1363 : vector<16xf32>
            %swap3A_1365 = arith.index_cast %rem3A_493 : i32 to index
            %swap3A_1366 = arith.index_cast %scan3A_464 : i32 to index
            %swap3A_1367 = arith.index_cast %add3A_1326 : i32 to index
            %swap3A_1368 = arith.constant 32 : index
            %swap3A_1369 = tpu.vector_load %arg12[%swap3A_1365, %swap3A_1366, %swap3A_1367, %swap3A_1368] {strides = array<i32>} : memref<2x5x80x64xf32, #tpu.memory_space<vmem>>, vector<1x1x1x16xf32>,
            %swap3A_1370 = vector.shape_cast %swap3A_1369 : vector<1x1x1x16xf32> to vector<16xf32>
            %swap3A_1371 = vector.shape_cast %mul3A_1364 : vector<16xf32> to vector<1x1x1x16xf32>
            tpu.vector_store %arg12[%swap3A_1365, %swap3A_1366, %swap3A_1367, %swap3A_1368], %swap3A_1371 {strides = array<i32>} : memref<2x5x80x64xf32, #tpu.memory_space<vmem>>, vector<1x1x1x16xf32>,
            %get3A_1372 = arith.index_cast %rem3A_493 : i32 to index
            %get3A_1373 = arith.index_cast %scan3A_464 : i32 to index
            %get3A_1374 = arith.index_cast %add3A_1326 : i32 to index
            %get3A_1375 = arith.constant 48 : index
            %get3A_1376 = tpu.vector_load %arg12[%get3A_1372, %get3A_1373, %get3A_1374, %get3A_1375] {strides = array<i32>} : memref<2x5x80x64xf32, #tpu.memory_space<vmem>>, vector<1x1x1x16xf32>,
            %get3A_1377 = vector.shape_cast %get3A_1376 : vector<1x1x1x16xf32> to vector<16xf32>
            %mul3A_1378 = vector.broadcast %squeeze3A_1322 : f32 to vector<16xf32>
            %mul3A_1379 = arith.mulf %get3A_1377, %mul3A_1378 : vector<16xf32>
            %swap3A_1380 = arith.index_cast %rem3A_493 : i32 to index
            %swap3A_1381 = arith.index_cast %scan3A_464 : i32 to index
            %swap3A_1382 = arith.index_cast %add3A_1326 : i32 to index
            %swap3A_1383 = arith.constant 48 : index
            %swap3A_1384 = tpu.vector_load %arg12[%swap3A_1380, %swap3A_1381, %swap3A_1382, %swap3A_1383] {strides = array<i32>} : memref<2x5x80x64xf32, #tpu.memory_space<vmem>>, vector<1x1x1x16xf32>,
            %swap3A_1385 = vector.shape_cast %swap3A_1384 : vector<1x1x1x16xf32> to vector<16xf32>
            %swap3A_1386 = vector.shape_cast %mul3A_1379 : vector<16xf32> to vector<1x1x1x16xf32>
            tpu.vector_store %arg12[%swap3A_1380, %swap3A_1381, %swap3A_1382, %swap3A_1383], %swap3A_1386 {strides = array<i32>} : memref<2x5x80x64xf32, #tpu.memory_space<vmem>>, vector<1x1x1x16xf32>,
            %slice3A_1387 = vector.extract_strided_slice %get3A_530 {offsets = [13], sizes = [1], strides = [1]} : vector<16xf32> to vector<1xf32>
            %squeeze3A_1388 = vector.extract %slice3A_1387[0] : f32 from vector<1xf32>
            %mul3A_1389 = arith.constant 16 : i32
            %mul3A_1390 = arith.muli %scan3A_520, %mul3A_1389 : i32
            %add3A_1391 = arith.constant 13 : i32
            %add3A_1392 = arith.addi %mul3A_1390, %add3A_1391 : i32
            %get3A_1393 = arith.index_cast %rem3A_493 : i32 to index
            %get3A_1394 = arith.index_cast %scan3A_464 : i32 to index
            %get3A_1395 = arith.index_cast %add3A_1392 : i32 to index
            %get3A_1396 = arith.constant 0 : index
            %get3A_1397 = tpu.vector_load %arg12[%get3A_1393, %get3A_1394, %get3A_1395, %get3A_1396] {strides = array<i32>} : memref<2x5x80x64xf32, #tpu.memory_space<vmem>>, vector<1x1x1x16xf32>,
            %get3A_1398 = vector.shape_cast %get3A_1397 : vector<1x1x1x16xf32> to vector<16xf32>
            %mul3A_1399 = vector.broadcast %squeeze3A_1388 : f32 to vector<16xf32>
            %mul3A_1400 = arith.mulf %get3A_1398, %mul3A_1399 : vector<16xf32>
            %swap3A_1401 = arith.index_cast %rem3A_493 : i32 to index
            %swap3A_1402 = arith.index_cast %scan3A_464 : i32 to index
            %swap3A_1403 = arith.index_cast %add3A_1392 : i32 to index
            %swap3A_1404 = arith.constant 0 : index
            %swap3A_1405 = tpu.vector_load %arg12[%swap3A_1401, %swap3A_1402, %swap3A_1403, %swap3A_1404] {strides = array<i32>} : memref<2x5x80x64xf32, #tpu.memory_space<vmem>>, vector<1x1x1x16xf32>,
            %swap3A_1406 = vector.shape_cast %swap3A_1405 : vector<1x1x1x16xf32> to vector<16xf32>
            %swap3A_1407 = vector.shape_cast %mul3A_1400 : vector<16xf32> to vector<1x1x1x16xf32>
            tpu.vector_store %arg12[%swap3A_1401, %swap3A_1402, %swap3A_1403, %swap3A_1404], %swap3A_1407 {strides = array<i32>} : memref<2x5x80x64xf32, #tpu.memory_space<vmem>>, vector<1x1x1x16xf32>,
            %get3A_1408 = arith.index_cast %rem3A_493 : i32 to index
            %get3A_1409 = arith.index_cast %scan3A_464 : i32 to index
            %get3A_1410 = arith.index_cast %add3A_1392 : i32 to index
            %get3A_1411 = arith.constant 16 : index
            %get3A_1412 = tpu.vector_load %arg12[%get3A_1408, %get3A_1409, %get3A_1410, %get3A_1411] {strides = array<i32>} : memref<2x5x80x64xf32, #tpu.memory_space<vmem>>, vector<1x1x1x16xf32>,
            %get3A_1413 = vector.shape_cast %get3A_1412 : vector<1x1x1x16xf32> to vector<16xf32>
            %mul3A_1414 = vector.broadcast %squeeze3A_1388 : f32 to vector<16xf32>
            %mul3A_1415 = arith.mulf %get3A_1413, %mul3A_1414 : vector<16xf32>
            %swap3A_1416 = arith.index_cast %rem3A_493 : i32 to index
            %swap3A_1417 = arith.index_cast %scan3A_464 : i32 to index
            %swap3A_1418 = arith.index_cast %add3A_1392 : i32 to index
            %swap3A_1419 = arith.constant 16 : index
            %swap3A_1420 = tpu.vector_load %arg12[%swap3A_1416, %swap3A_1417, %swap3A_1418, %swap3A_1419] {strides = array<i32>} : memref<2x5x80x64xf32, #tpu.memory_space<vmem>>, vector<1x1x1x16xf32>,
            %swap3A_1421 = vector.shape_cast %swap3A_1420 : vector<1x1x1x16xf32> to vector<16xf32>
            %swap3A_1422 = vector.shape_cast %mul3A_1415 : vector<16xf32> to vector<1x1x1x16xf32>
            tpu.vector_store %arg12[%swap3A_1416, %swap3A_1417, %swap3A_1418, %swap3A_1419], %swap3A_1422 {strides = array<i32>} : memref<2x5x80x64xf32, #tpu.memory_space<vmem>>, vector<1x1x1x16xf32>,
            %get3A_1423 = arith.index_cast %rem3A_493 : i32 to index
            %get3A_1424 = arith.index_cast %scan3A_464 : i32 to index
            %get3A_1425 = arith.index_cast %add3A_1392 : i32 to index
            %get3A_1426 = arith.constant 32 : index
            %get3A_1427 = tpu.vector_load %arg12[%get3A_1423, %get3A_1424, %get3A_1425, %get3A_1426] {strides = array<i32>} : memref<2x5x80x64xf32, #tpu.memory_space<vmem>>, vector<1x1x1x16xf32>,
            %get3A_1428 = vector.shape_cast %get3A_1427 : vector<1x1x1x16xf32> to vector<16xf32>
            %mul3A_1429 = vector.broadcast %squeeze3A_1388 : f32 to vector<16xf32>
            %mul3A_1430 = arith.mulf %get3A_1428, %mul3A_1429 : vector<16xf32>
            %swap3A_1431 = arith.index_cast %rem3A_493 : i32 to index
            %swap3A_1432 = arith.index_cast %scan3A_464 : i32 to index
            %swap3A_1433 = arith.index_cast %add3A_1392 : i32 to index
            %swap3A_1434 = arith.constant 32 : index
            %swap3A_1435 = tpu.vector_load %arg12[%swap3A_1431, %swap3A_1432, %swap3A_1433, %swap3A_1434] {strides = array<i32>} : memref<2x5x80x64xf32, #tpu.memory_space<vmem>>, vector<1x1x1x16xf32>,
            %swap3A_1436 = vector.shape_cast %swap3A_1435 : vector<1x1x1x16xf32> to vector<16xf32>
            %swap3A_1437 = vector.shape_cast %mul3A_1430 : vector<16xf32> to vector<1x1x1x16xf32>
            tpu.vector_store %arg12[%swap3A_1431, %swap3A_1432, %swap3A_1433, %swap3A_1434], %swap3A_1437 {strides = array<i32>} : memref<2x5x80x64xf32, #tpu.memory_space<vmem>>, vector<1x1x1x16xf32>,
            %get3A_1438 = arith.index_cast %rem3A_493 : i32 to index
            %get3A_1439 = arith.index_cast %scan3A_464 : i32 to index
            %get3A_1440 = arith.index_cast %add3A_1392 : i32 to index
            %get3A_1441 = arith.constant 48 : index
            %get3A_1442 = tpu.vector_load %arg12[%get3A_1438, %get3A_1439, %get3A_1440, %get3A_1441] {strides = array<i32>} : memref<2x5x80x64xf32, #tpu.memory_space<vmem>>, vector<1x1x1x16xf32>,
            %get3A_1443 = vector.shape_cast %get3A_1442 : vector<1x1x1x16xf32> to vector<16xf32>
            %mul3A_1444 = vector.broadcast %squeeze3A_1388 : f32 to vector<16xf32>
            %mul3A_1445 = arith.mulf %get3A_1443, %mul3A_1444 : vector<16xf32>
            %swap3A_1446 = arith.index_cast %rem3A_493 : i32 to index
            %swap3A_1447 = arith.index_cast %scan3A_464 : i32 to index
            %swap3A_1448 = arith.index_cast %add3A_1392 : i32 to index
            %swap3A_1449 = arith.constant 48 : index
            %swap3A_1450 = tpu.vector_load %arg12[%swap3A_1446, %swap3A_1447, %swap3A_1448, %swap3A_1449] {strides = array<i32>} : memref<2x5x80x64xf32, #tpu.memory_space<vmem>>, vector<1x1x1x16xf32>,
            %swap3A_1451 = vector.shape_cast %swap3A_1450 : vector<1x1x1x16xf32> to vector<16xf32>
            %swap3A_1452 = vector.shape_cast %mul3A_1445 : vector<16xf32> to vector<1x1x1x16xf32>
            tpu.vector_store %arg12[%swap3A_1446, %swap3A_1447, %swap3A_1448, %swap3A_1449], %swap3A_1452 {strides = array<i32>} : memref<2x5x80x64xf32, #tpu.memory_space<vmem>>, vector<1x1x1x16xf32>,
            %slice3A_1453 = vector.extract_strided_slice %get3A_530 {offsets = [14], sizes = [1], strides = [1]} : vector<16xf32> to vector<1xf32>
            %squeeze3A_1454 = vector.extract %slice3A_1453[0] : f32 from vector<1xf32>
            %mul3A_1455 = arith.constant 16 : i32
            %mul3A_1456 = arith.muli %scan3A_520, %mul3A_1455 : i32
            %add3A_1457 = arith.constant 14 : i32
            %add3A_1458 = arith.addi %mul3A_1456, %add3A_1457 : i32
            %get3A_1459 = arith.index_cast %rem3A_493 : i32 to index
            %get3A_1460 = arith.index_cast %scan3A_464 : i32 to index
            %get3A_1461 = arith.index_cast %add3A_1458 : i32 to index
            %get3A_1462 = arith.constant 0 : index
            %get3A_1463 = tpu.vector_load %arg12[%get3A_1459, %get3A_1460, %get3A_1461, %get3A_1462] {strides = array<i32>} : memref<2x5x80x64xf32, #tpu.memory_space<vmem>>, vector<1x1x1x16xf32>,
            %get3A_1464 = vector.shape_cast %get3A_1463 : vector<1x1x1x16xf32> to vector<16xf32>
            %mul3A_1465 = vector.broadcast %squeeze3A_1454 : f32 to vector<16xf32>
            %mul3A_1466 = arith.mulf %get3A_1464, %mul3A_1465 : vector<16xf32>
            %swap3A_1467 = arith.index_cast %rem3A_493 : i32 to index
            %swap3A_1468 = arith.index_cast %scan3A_464 : i32 to index
            %swap3A_1469 = arith.index_cast %add3A_1458 : i32 to index
            %swap3A_1470 = arith.constant 0 : index
            %swap3A_1471 = tpu.vector_load %arg12[%swap3A_1467, %swap3A_1468, %swap3A_1469, %swap3A_1470] {strides = array<i32>} : memref<2x5x80x64xf32, #tpu.memory_space<vmem>>, vector<1x1x1x16xf32>,
            %swap3A_1472 = vector.shape_cast %swap3A_1471 : vector<1x1x1x16xf32> to vector<16xf32>
            %swap3A_1473 = vector.shape_cast %mul3A_1466 : vector<16xf32> to vector<1x1x1x16xf32>
            tpu.vector_store %arg12[%swap3A_1467, %swap3A_1468, %swap3A_1469, %swap3A_1470], %swap3A_1473 {strides = array<i32>} : memref<2x5x80x64xf32, #tpu.memory_space<vmem>>, vector<1x1x1x16xf32>,
            %get3A_1474 = arith.index_cast %rem3A_493 : i32 to index
            %get3A_1475 = arith.index_cast %scan3A_464 : i32 to index
            %get3A_1476 = arith.index_cast %add3A_1458 : i32 to index
            %get3A_1477 = arith.constant 16 : index
            %get3A_1478 = tpu.vector_load %arg12[%get3A_1474, %get3A_1475, %get3A_1476, %get3A_1477] {strides = array<i32>} : memref<2x5x80x64xf32, #tpu.memory_space<vmem>>, vector<1x1x1x16xf32>,
            %get3A_1479 = vector.shape_cast %get3A_1478 : vector<1x1x1x16xf32> to vector<16xf32>
            %mul3A_1480 = vector.broadcast %squeeze3A_1454 : f32 to vector<16xf32>
            %mul3A_1481 = arith.mulf %get3A_1479, %mul3A_1480 : vector<16xf32>
            %swap3A_1482 = arith.index_cast %rem3A_493 : i32 to index
            %swap3A_1483 = arith.index_cast %scan3A_464 : i32 to index
            %swap3A_1484 = arith.index_cast %add3A_1458 : i32 to index
            %swap3A_1485 = arith.constant 16 : index
            %swap3A_1486 = tpu.vector_load %arg12[%swap3A_1482, %swap3A_1483, %swap3A_1484, %swap3A_1485] {strides = array<i32>} : memref<2x5x80x64xf32, #tpu.memory_space<vmem>>, vector<1x1x1x16xf32>,
            %swap3A_1487 = vector.shape_cast %swap3A_1486 : vector<1x1x1x16xf32> to vector<16xf32>
            %swap3A_1488 = vector.shape_cast %mul3A_1481 : vector<16xf32> to vector<1x1x1x16xf32>
            tpu.vector_store %arg12[%swap3A_1482, %swap3A_1483, %swap3A_1484, %swap3A_1485], %swap3A_1488 {strides = array<i32>} : memref<2x5x80x64xf32, #tpu.memory_space<vmem>>, vector<1x1x1x16xf32>,
            %get3A_1489 = arith.index_cast %rem3A_493 : i32 to index
            %get3A_1490 = arith.index_cast %scan3A_464 : i32 to index
            %get3A_1491 = arith.index_cast %add3A_1458 : i32 to index
            %get3A_1492 = arith.constant 32 : index
            %get3A_1493 = tpu.vector_load %arg12[%get3A_1489, %get3A_1490, %get3A_1491, %get3A_1492] {strides = array<i32>} : memref<2x5x80x64xf32, #tpu.memory_space<vmem>>, vector<1x1x1x16xf32>,
            %get3A_1494 = vector.shape_cast %get3A_1493 : vector<1x1x1x16xf32> to vector<16xf32>
            %mul3A_1495 = vector.broadcast %squeeze3A_1454 : f32 to vector<16xf32>
            %mul3A_1496 = arith.mulf %get3A_1494, %mul3A_1495 : vector<16xf32>
            %swap3A_1497 = arith.index_cast %rem3A_493 : i32 to index
            %swap3A_1498 = arith.index_cast %scan3A_464 : i32 to index
            %swap3A_1499 = arith.index_cast %add3A_1458 : i32 to index
            %swap3A_1500 = arith.constant 32 : index
            %swap3A_1501 = tpu.vector_load %arg12[%swap3A_1497, %swap3A_1498, %swap3A_1499, %swap3A_1500] {strides = array<i32>} : memref<2x5x80x64xf32, #tpu.memory_space<vmem>>, vector<1x1x1x16xf32>,
            %swap3A_1502 = vector.shape_cast %swap3A_1501 : vector<1x1x1x16xf32> to vector<16xf32>
            %swap3A_1503 = vector.shape_cast %mul3A_1496 : vector<16xf32> to vector<1x1x1x16xf32>
            tpu.vector_store %arg12[%swap3A_1497, %swap3A_1498, %swap3A_1499, %swap3A_1500], %swap3A_1503 {strides = array<i32>} : memref<2x5x80x64xf32, #tpu.memory_space<vmem>>, vector<1x1x1x16xf32>,
            %get3A_1504 = arith.index_cast %rem3A_493 : i32 to index
            %get3A_1505 = arith.index_cast %scan3A_464 : i32 to index
            %get3A_1506 = arith.index_cast %add3A_1458 : i32 to index
            %get3A_1507 = arith.constant 48 : index
            %get3A_1508 = tpu.vector_load %arg12[%get3A_1504, %get3A_1505, %get3A_1506, %get3A_1507] {strides = array<i32>} : memref<2x5x80x64xf32, #tpu.memory_space<vmem>>, vector<1x1x1x16xf32>,
            %get3A_1509 = vector.shape_cast %get3A_1508 : vector<1x1x1x16xf32> to vector<16xf32>
            %mul3A_1510 = vector.broadcast %squeeze3A_1454 : f32 to vector<16xf32>
            %mul3A_1511 = arith.mulf %get3A_1509, %mul3A_1510 : vector<16xf32>
            %swap3A_1512 = arith.index_cast %rem3A_493 : i32 to index
            %swap3A_1513 = arith.index_cast %scan3A_464 : i32 to index
            %swap3A_1514 = arith.index_cast %add3A_1458 : i32 to index
            %swap3A_1515 = arith.constant 48 : index
            %swap3A_1516 = tpu.vector_load %arg12[%swap3A_1512, %swap3A_1513, %swap3A_1514, %swap3A_1515] {strides = array<i32>} : memref<2x5x80x64xf32, #tpu.memory_space<vmem>>, vector<1x1x1x16xf32>,
            %swap3A_1517 = vector.shape_cast %swap3A_1516 : vector<1x1x1x16xf32> to vector<16xf32>
            %swap3A_1518 = vector.shape_cast %mul3A_1511 : vector<16xf32> to vector<1x1x1x16xf32>
            tpu.vector_store %arg12[%swap3A_1512, %swap3A_1513, %swap3A_1514, %swap3A_1515], %swap3A_1518 {strides = array<i32>} : memref<2x5x80x64xf32, #tpu.memory_space<vmem>>, vector<1x1x1x16xf32>,
            %slice3A_1519 = vector.extract_strided_slice %get3A_530 {offsets = [15], sizes = [1], strides = [1]} : vector<16xf32> to vector<1xf32>
            %squeeze3A_1520 = vector.extract %slice3A_1519[0] : f32 from vector<1xf32>
            %mul3A_1521 = arith.constant 16 : i32
            %mul3A_1522 = arith.muli %scan3A_520, %mul3A_1521 : i32
            %add3A_1523 = arith.constant 15 : i32
            %add3A_1524 = arith.addi %mul3A_1522, %add3A_1523 : i32
            %get3A_1525 = arith.index_cast %rem3A_493 : i32 to index
            %get3A_1526 = arith.index_cast %scan3A_464 : i32 to index
            %get3A_1527 = arith.index_cast %add3A_1524 : i32 to index
            %get3A_1528 = arith.constant 0 : index
            %get3A_1529 = tpu.vector_load %arg12[%get3A_1525, %get3A_1526, %get3A_1527, %get3A_1528] {strides = array<i32>} : memref<2x5x80x64xf32, #tpu.memory_space<vmem>>, vector<1x1x1x16xf32>,
            %get3A_1530 = vector.shape_cast %get3A_1529 : vector<1x1x1x16xf32> to vector<16xf32>
            %mul3A_1531 = vector.broadcast %squeeze3A_1520 : f32 to vector<16xf32>
            %mul3A_1532 = arith.mulf %get3A_1530, %mul3A_1531 : vector<16xf32>
            %swap3A_1533 = arith.index_cast %rem3A_493 : i32 to index
            %swap3A_1534 = arith.index_cast %scan3A_464 : i32 to index
            %swap3A_1535 = arith.index_cast %add3A_1524 : i32 to index
            %swap3A_1536 = arith.constant 0 : index
            %swap3A_1537 = tpu.vector_load %arg12[%swap3A_1533, %swap3A_1534, %swap3A_1535, %swap3A_1536] {strides = array<i32>} : memref<2x5x80x64xf32, #tpu.memory_space<vmem>>, vector<1x1x1x16xf32>,
            %swap3A_1538 = vector.shape_cast %swap3A_1537 : vector<1x1x1x16xf32> to vector<16xf32>
            %swap3A_1539 = vector.shape_cast %mul3A_1532 : vector<16xf32> to vector<1x1x1x16xf32>
            tpu.vector_store %arg12[%swap3A_1533, %swap3A_1534, %swap3A_1535, %swap3A_1536], %swap3A_1539 {strides = array<i32>} : memref<2x5x80x64xf32, #tpu.memory_space<vmem>>, vector<1x1x1x16xf32>,
            %get3A_1540 = arith.index_cast %rem3A_493 : i32 to index
            %get3A_1541 = arith.index_cast %scan3A_464 : i32 to index
            %get3A_1542 = arith.index_cast %add3A_1524 : i32 to index
            %get3A_1543 = arith.constant 16 : index
            %get3A_1544 = tpu.vector_load %arg12[%get3A_1540, %get3A_1541, %get3A_1542, %get3A_1543] {strides = array<i32>} : memref<2x5x80x64xf32, #tpu.memory_space<vmem>>, vector<1x1x1x16xf32>,
            %get3A_1545 = vector.shape_cast %get3A_1544 : vector<1x1x1x16xf32> to vector<16xf32>
            %mul3A_1546 = vector.broadcast %squeeze3A_1520 : f32 to vector<16xf32>
            %mul3A_1547 = arith.mulf %get3A_1545, %mul3A_1546 : vector<16xf32>
            %swap3A_1548 = arith.index_cast %rem3A_493 : i32 to index
            %swap3A_1549 = arith.index_cast %scan3A_464 : i32 to index
            %swap3A_1550 = arith.index_cast %add3A_1524 : i32 to index
            %swap3A_1551 = arith.constant 16 : index
            %swap3A_1552 = tpu.vector_load %arg12[%swap3A_1548, %swap3A_1549, %swap3A_1550, %swap3A_1551] {strides = array<i32>} : memref<2x5x80x64xf32, #tpu.memory_space<vmem>>, vector<1x1x1x16xf32>,
            %swap3A_1553 = vector.shape_cast %swap3A_1552 : vector<1x1x1x16xf32> to vector<16xf32>
            %swap3A_1554 = vector.shape_cast %mul3A_1547 : vector<16xf32> to vector<1x1x1x16xf32>
            tpu.vector_store %arg12[%swap3A_1548, %swap3A_1549, %swap3A_1550, %swap3A_1551], %swap3A_1554 {strides = array<i32>} : memref<2x5x80x64xf32, #tpu.memory_space<vmem>>, vector<1x1x1x16xf32>,
            %get3A_1555 = arith.index_cast %rem3A_493 : i32 to index
            %get3A_1556 = arith.index_cast %scan3A_464 : i32 to index
            %get3A_1557 = arith.index_cast %add3A_1524 : i32 to index
            %get3A_1558 = arith.constant 32 : index
            %get3A_1559 = tpu.vector_load %arg12[%get3A_1555, %get3A_1556, %get3A_1557, %get3A_1558] {strides = array<i32>} : memref<2x5x80x64xf32, #tpu.memory_space<vmem>>, vector<1x1x1x16xf32>,
            %get3A_1560 = vector.shape_cast %get3A_1559 : vector<1x1x1x16xf32> to vector<16xf32>
            %mul3A_1561 = vector.broadcast %squeeze3A_1520 : f32 to vector<16xf32>
            %mul3A_1562 = arith.mulf %get3A_1560, %mul3A_1561 : vector<16xf32>
            %swap3A_1563 = arith.index_cast %rem3A_493 : i32 to index
            %swap3A_1564 = arith.index_cast %scan3A_464 : i32 to index
            %swap3A_1565 = arith.index_cast %add3A_1524 : i32 to index
            %swap3A_1566 = arith.constant 32 : index
            %swap3A_1567 = tpu.vector_load %arg12[%swap3A_1563, %swap3A_1564, %swap3A_1565, %swap3A_1566] {strides = array<i32>} : memref<2x5x80x64xf32, #tpu.memory_space<vmem>>, vector<1x1x1x16xf32>,
            %swap3A_1568 = vector.shape_cast %swap3A_1567 : vector<1x1x1x16xf32> to vector<16xf32>
            %swap3A_1569 = vector.shape_cast %mul3A_1562 : vector<16xf32> to vector<1x1x1x16xf32>
            tpu.vector_store %arg12[%swap3A_1563, %swap3A_1564, %swap3A_1565, %swap3A_1566], %swap3A_1569 {strides = array<i32>} : memref<2x5x80x64xf32, #tpu.memory_space<vmem>>, vector<1x1x1x16xf32>,
            %get3A_1570 = arith.index_cast %rem3A_493 : i32 to index
            %get3A_1571 = arith.index_cast %scan3A_464 : i32 to index
            %get3A_1572 = arith.index_cast %add3A_1524 : i32 to index
            %get3A_1573 = arith.constant 48 : index
            %get3A_1574 = tpu.vector_load %arg12[%get3A_1570, %get3A_1571, %get3A_1572, %get3A_1573] {strides = array<i32>} : memref<2x5x80x64xf32, #tpu.memory_space<vmem>>, vector<1x1x1x16xf32>,
            %get3A_1575 = vector.shape_cast %get3A_1574 : vector<1x1x1x16xf32> to vector<16xf32>
            %mul3A_1576 = vector.broadcast %squeeze3A_1520 : f32 to vector<16xf32>
            %mul3A_1577 = arith.mulf %get3A_1575, %mul3A_1576 : vector<16xf32>
            %swap3A_1578 = arith.index_cast %rem3A_493 : i32 to index
            %swap3A_1579 = arith.index_cast %scan3A_464 : i32 to index
            %swap3A_1580 = arith.index_cast %add3A_1524 : i32 to index
            %swap3A_1581 = arith.constant 48 : index
            %swap3A_1582 = tpu.vector_load %arg12[%swap3A_1578, %swap3A_1579, %swap3A_1580, %swap3A_1581] {strides = array<i32>} : memref<2x5x80x64xf32, #tpu.memory_space<vmem>>, vector<1x1x1x16xf32>,
            %swap3A_1583 = vector.shape_cast %swap3A_1582 : vector<1x1x1x16xf32> to vector<16xf32>
            %swap3A_1584 = vector.shape_cast %mul3A_1577 : vector<16xf32> to vector<1x1x1x16xf32>
            tpu.vector_store %arg12[%swap3A_1578, %swap3A_1579, %swap3A_1580, %swap3A_1581], %swap3A_1584 {strides = array<i32>} : memref<2x5x80x64xf32, #tpu.memory_space<vmem>>, vector<1x1x1x16xf32>,
            %scan3A_1585 = arith.constant 0 : i32
            scf.yield %scan3A_1585 : i32
          }
          %scan3A_502 = arith.constant 5 : i32
          %rem3A_503 = arith.constant 2 : i32
          %rem3A_504 = arith.remsi %scan3A_445, %rem3A_503 : i32
          %rem3A_505 = arith.constant 3 : i32
          %rem3A_506 = arith.remsi %scan3A_445, %rem3A_505 : i32
          %dma_start3A_507 = arith.constant 0 : i32
          %dma_start3A_508 = arith.constant 0 : i32
          %dma_start3A_509 = tpu.memref_slice %arg12[%rem3A_504, %scan3A_464, %dma_start3A_507, %dma_start3A_508] : memref<2x5x80x64xf32, #tpu.memory_space<vmem>> -> memref<1x1x80x64xf32, #tpu.memory_space<vmem>>
          %dma_start3A_510 = tpu.memref_squeeze %dma_start3A_509 : memref<1x1x80x64xf32, #tpu.memory_space<vmem>> -> memref<80x64xf32, #tpu.memory_space<vmem>>
          %dma_start3A_511 = arith.constant 0 : i32
          %dma_start3A_512 = tpu.memref_slice %arg10[%rem3A_506, %scan3A_464, %dma_start3A_511] : memref<3x5x80xi32, #tpu.memory_space<vmem>> -> memref<1x1x80xi32, #tpu.memory_space<vmem>>
          %dma_start3A_513 = tpu.memref_squeeze %dma_start3A_512 : memref<1x1x80xi32, #tpu.memory_space<vmem>> -> memref<80xi32, #tpu.memory_space<vmem>>
          %dma_start3A_514 = arith.constant 0 : i32
          %dma_start3A_515 = arith.constant 0 : i32
          %dma_start3A_516 = tpu.memref_slice %arg8[%dma_start3A_514, %dma_start3A_515] : memref<10000x64xf32, #tpu.memory_space<vmem_shared>> -> memref<10000x64xf32, #tpu.memory_space<vmem_shared>>
          %dma_start3A_517 = tpu.memref_slice %arg17[%rem3A_504, %scan3A_464] : memref<2x5x!tpu.dma_semaphore, #tpu.memory_space<semaphore_mem>> -> memref<1x1x!tpu.dma_semaphore, #tpu.memory_space<semaphore_mem>>
          %dma_start3A_518 = tpu.memref_squeeze %dma_start3A_517 : memref<1x1x!tpu.dma_semaphore, #tpu.memory_space<semaphore_mem>> -> memref<!tpu.dma_semaphore, #tpu.memory_space<semaphore_mem>>
          tpu.enqueue_indirect_dma source(%dma_start3A_510 : memref<80x64xf32, #tpu.memory_space<vmem>>) target(%dma_start3A_516 : memref<10000x64xf32, #tpu.memory_space<vmem_shared>>) offsets(%dma_start3A_513 : memref<80xi32, #tpu.memory_space<vmem>>) semaphore(%dma_start3A_518 : memref<!tpu.dma_semaphore, #tpu.memory_space<semaphore_mem>>) {add = true}
          %scan3A_519 = arith.constant 0 : i32
          scf.yield %scan3A_519 : i32
        }
        %scan3A_457 = arith.constant 5 : i32
        %lt3A_458 = arith.constant 48 : i32
        %lt3A_459 = arith.cmpi slt, %scan3A_445, %lt3A_458 : i32
        %convert_element_type3A_460 = arith.extui %lt3A_459 : i1 to i32
        %cond3A_461 = arith.constant 0 : i32
        %cond3A_462 = arith.cmpi ne, %convert_element_type3A_460, %cond3A_461 : i32
        scf.if %cond3A_462 {
          %add3A_464 = arith.constant 2 : i32
          %add3A_465 = arith.addi %scan3A_445, %add3A_464 : i32
          %rem3A_466 = arith.constant 3 : i32
          %rem3A_467 = arith.remsi %add3A_465, %rem3A_466 : i32
          %mul3A_468 = arith.constant 400 : i32
          %mul3A_469 = arith.muli %add3A_465, %mul3A_468 : i32
          %add3A_470 = arith.addi %mul3A_2, %mul3A_469 : i32
          %dma_start3A_471 = arith.constant 1 : i32
          %dma_start3A_472 = arith.constant 0 : i32
          %dma_start3A_473 = tpu.memref_slice %arg9[%rem3A_467, %dma_start3A_472] : memref<3x400xi32, #tpu.memory_space<vmem>> -> memref<1x400xi32, #tpu.memory_space<vmem>>
          %dma_start3A_474 = tpu.memref_squeeze %dma_start3A_473 : memref<1x400xi32, #tpu.memory_space<vmem>> -> memref<400xi32, #tpu.memory_space<vmem>>
          %dma_start3A_475 = tpu.memref_slice %arg2[%dma_start3A_471, %add3A_470] : memref<2x320000xi32, #tpu.memory_space<hbm>> -> memref<1x400xi32, #tpu.memory_space<hbm>>
          %dma_start3A_476 = tpu.memref_squeeze %dma_start3A_475 : memref<1x400xi32, #tpu.memory_space<hbm>> -> memref<400xi32, #tpu.memory_space<hbm>>
          %dma_start3A_477 = tpu.memref_slice %arg15[%rem3A_467] : memref<3x!tpu.dma_semaphore, #tpu.memory_space<semaphore_mem>> -> memref<1x!tpu.dma_semaphore, #tpu.memory_space<semaphore_mem>>
          %dma_start3A_478 = tpu.memref_squeeze %dma_start3A_477 : memref<1x!tpu.dma_semaphore, #tpu.memory_space<semaphore_mem>> -> memref<!tpu.dma_semaphore, #tpu.memory_space<semaphore_mem>>
          %dma_start3A_479 = arith.constant 0 : i32
          %dma_start3A_480 = tpu.memref_slice %arg9[%rem3A_467, %dma_start3A_479] : memref<3x400xi32, #tpu.memory_space<vmem>> -> memref<1x400xi32, #tpu.memory_space<vmem>>
          %dma_start3A_481 = tpu.memref_squeeze %dma_start3A_480 : memref<1x400xi32, #tpu.memory_space<vmem>> -> memref<400xi32, #tpu.memory_space<vmem>>
          %dma_start3A_482 = tpu.memref_slice %arg2[%dma_start3A_471, %add3A_470] : memref<2x320000xi32, #tpu.memory_space<hbm>> -> memref<1x400xi32, #tpu.memory_space<hbm>>
          %dma_start3A_483 = tpu.memref_squeeze %dma_start3A_482 : memref<1x400xi32, #tpu.memory_space<hbm>> -> memref<400xi32, #tpu.memory_space<hbm>>
          tpu.enqueue_dma source(%dma_start3A_483 : memref<400xi32, #tpu.memory_space<hbm>>) target(%dma_start3A_481 : memref<400xi32, #tpu.memory_space<vmem>>) target_semaphore(%dma_start3A_478 : memref<!tpu.dma_semaphore, #tpu.memory_space<semaphore_mem>>)
          %scan3A_484 = arith.constant 0 : i32
          %scan3A_485 = arith.constant 0 : i32
          %scan3A_486 = arith.constant 5 : i32
          %scan3A_487 = arith.addi %scan3A_485, %scan3A_486 : i32
          %scan3A_488 = arith.constant 1 : i32
          %scan3A_489 = scf.for %scan3A_501 = %scan3A_485 to %scan3A_487 step %scan3A_488 iter_args(%scan3A_502 = %scan3A_484) -> (i32)  : i32 {
            %mul3A_503 = arith.constant 80 : i32
            %mul3A_504 = arith.muli %scan3A_501, %mul3A_503 : i32
            %add3A_505 = arith.addi %add3A_470, %mul3A_504 : i32
            %dma_start3A_506 = arith.constant 0 : i32
            %dma_start3A_507 = arith.constant 0 : i32
            %dma_start3A_508 = tpu.memref_slice %arg10[%rem3A_467, %scan3A_501, %dma_start3A_507] : memref<3x5x80xi32, #tpu.memory_space<vmem>> -> memref<1x1x80xi32, #tpu.memory_space<vmem>>
            %dma_start3A_509 = tpu.memref_squeeze %dma_start3A_508 : memref<1x1x80xi32, #tpu.memory_space<vmem>> -> memref<80xi32, #tpu.memory_space<vmem>>
            %dma_start3A_510 = tpu.memref_slice %arg2[%dma_start3A_506, %add3A_505] : memref<2x320000xi32, #tpu.memory_space<hbm>> -> memref<1x80xi32, #tpu.memory_space<hbm>>
            %dma_start3A_511 = tpu.memref_squeeze %dma_start3A_510 : memref<1x80xi32, #tpu.memory_space<hbm>> -> memref<80xi32, #tpu.memory_space<hbm>>
            %dma_start3A_512 = tpu.memref_slice %arg15[%rem3A_467] : memref<3x!tpu.dma_semaphore, #tpu.memory_space<semaphore_mem>> -> memref<1x!tpu.dma_semaphore, #tpu.memory_space<semaphore_mem>>
            %dma_start3A_513 = tpu.memref_squeeze %dma_start3A_512 : memref<1x!tpu.dma_semaphore, #tpu.memory_space<semaphore_mem>> -> memref<!tpu.dma_semaphore, #tpu.memory_space<semaphore_mem>>
            %dma_start3A_514 = arith.constant 0 : i32
            %dma_start3A_515 = tpu.memref_slice %arg10[%rem3A_467, %scan3A_501, %dma_start3A_514] : memref<3x5x80xi32, #tpu.memory_space<vmem>> -> memref<1x1x80xi32, #tpu.memory_space<vmem>>
            %dma_start3A_516 = tpu.memref_squeeze %dma_start3A_515 : memref<1x1x80xi32, #tpu.memory_space<vmem>> -> memref<80xi32, #tpu.memory_space<vmem>>
            %dma_start3A_517 = tpu.memref_slice %arg2[%dma_start3A_506, %add3A_505] : memref<2x320000xi32, #tpu.memory_space<hbm>> -> memref<1x80xi32, #tpu.memory_space<hbm>>
            %dma_start3A_518 = tpu.memref_squeeze %dma_start3A_517 : memref<1x80xi32, #tpu.memory_space<hbm>> -> memref<80xi32, #tpu.memory_space<hbm>>
            tpu.enqueue_dma source(%dma_start3A_518 : memref<80xi32, #tpu.memory_space<hbm>>) target(%dma_start3A_516 : memref<80xi32, #tpu.memory_space<vmem>>) target_semaphore(%dma_start3A_513 : memref<!tpu.dma_semaphore, #tpu.memory_space<semaphore_mem>>)
            %scan3A_519 = arith.constant 0 : i32
            scf.yield %scan3A_519 : i32
          }
          %scan3A_490 = arith.constant 5 : i32
          %dma_start3A_491 = arith.constant 0 : i32
          %dma_start3A_492 = tpu.memref_slice %arg11[%rem3A_467, %dma_start3A_491] : memref<3x400xf32, #tpu.memory_space<vmem>> -> memref<1x400xf32, #tpu.memory_space<vmem>>
          %dma_start3A_493 = tpu.memref_squeeze %dma_start3A_492 : memref<1x400xf32, #tpu.memory_space<vmem>> -> memref<400xf32, #tpu.memory_space<vmem>>
          %dma_start3A_494 = tpu.memref_slice %arg3[%add3A_470] : memref<320000xf32, #tpu.memory_space<hbm>> -> memref<400xf32, #tpu.memory_space<hbm>>
          %dma_start3A_495 = tpu.memref_slice %arg15[%rem3A_467] : memref<3x!tpu.dma_semaphore, #tpu.memory_space<semaphore_mem>> -> memref<1x!tpu.dma_semaphore, #tpu.memory_space<semaphore_mem>>
          %dma_start3A_496 = tpu.memref_squeeze %dma_start3A_495 : memref<1x!tpu.dma_semaphore, #tpu.memory_space<semaphore_mem>> -> memref<!tpu.dma_semaphore, #tpu.memory_space<semaphore_mem>>
          %dma_start3A_497 = arith.constant 0 : i32
          %dma_start3A_498 = tpu.memref_slice %arg11[%rem3A_467, %dma_start3A_497] : memref<3x400xf32, #tpu.memory_space<vmem>> -> memref<1x400xf32, #tpu.memory_space<vmem>>
          %dma_start3A_499 = tpu.memref_squeeze %dma_start3A_498 : memref<1x400xf32, #tpu.memory_space<vmem>> -> memref<400xf32, #tpu.memory_space<vmem>>
          %dma_start3A_500 = tpu.memref_slice %arg3[%add3A_470] : memref<320000xf32, #tpu.memory_space<hbm>> -> memref<400xf32, #tpu.memory_space<hbm>>
          tpu.enqueue_dma source(%dma_start3A_500 : memref<400xf32, #tpu.memory_space<hbm>>) target(%dma_start3A_499 : memref<400xf32, #tpu.memory_space<vmem>>) target_semaphore(%dma_start3A_496 : memref<!tpu.dma_semaphore, #tpu.memory_space<semaphore_mem>>)
        } else {
        }
        %scan3A_463 = arith.constant 0 : i32
        scf.yield %scan3A_463 : i32
      }
      %scan3A_427 = arith.constant 50 : i32
      %scan3A_428 = arith.constant 0 : i32
      %scan3A_429 = arith.constant 0 : i32
      %scan3A_430 = arith.constant 5 : i32
      %scan3A_431 = arith.addi %scan3A_429, %scan3A_430 : i32
      %scan3A_432 = arith.constant 1 : i32
      %scan3A_433 = scf.for %scan3A_445 = %scan3A_429 to %scan3A_431 step %scan3A_432 iter_args(%scan3A_446 = %scan3A_428) -> (i32)  : i32 {
        %rem3A_447 = arith.constant 49 : i32
        %rem3A_448 = arith.constant 2 : i32
        %rem3A_449 = arith.remsi %rem3A_447, %rem3A_448 : i32
        %rem3A_450 = arith.constant 49 : i32
        %rem3A_451 = arith.constant 3 : i32
        %rem3A_452 = arith.remsi %rem3A_450, %rem3A_451 : i32
        %dma_wait3A_453 = arith.constant 0 : i32
        %dma_wait3A_454 = arith.constant 0 : i32
        %dma_wait3A_455 = tpu.memref_slice %arg12[%rem3A_449, %scan3A_445, %dma_wait3A_453, %dma_wait3A_454] : memref<2x5x80x64xf32, #tpu.memory_space<vmem>> -> memref<1x1x80x64xf32, #tpu.memory_space<vmem>>
        %dma_wait3A_456 = tpu.memref_squeeze %dma_wait3A_455 : memref<1x1x80x64xf32, #tpu.memory_space<vmem>> -> memref<80x64xf32, #tpu.memory_space<vmem>>
        %dma_wait3A_457 = arith.constant 0 : i32
        %dma_wait3A_458 = tpu.memref_slice %arg10[%rem3A_452, %scan3A_445, %dma_wait3A_457] : memref<3x5x80xi32, #tpu.memory_space<vmem>> -> memref<1x1x80xi32, #tpu.memory_space<vmem>>
        %dma_wait3A_459 = tpu.memref_squeeze %dma_wait3A_458 : memref<1x1x80xi32, #tpu.memory_space<vmem>> -> memref<80xi32, #tpu.memory_space<vmem>>
        %dma_wait3A_460 = arith.constant 0 : i32
        %dma_wait3A_461 = arith.constant 0 : i32
        %dma_wait3A_462 = tpu.memref_slice %arg8[%dma_wait3A_460, %dma_wait3A_461] : memref<10000x64xf32, #tpu.memory_space<vmem_shared>> -> memref<10000x64xf32, #tpu.memory_space<vmem_shared>>
        %dma_wait3A_463 = tpu.memref_slice %arg17[%rem3A_449, %scan3A_445] : memref<2x5x!tpu.dma_semaphore, #tpu.memory_space<semaphore_mem>> -> memref<1x1x!tpu.dma_semaphore, #tpu.memory_space<semaphore_mem>>
        %dma_wait3A_464 = tpu.memref_squeeze %dma_wait3A_463 : memref<1x1x!tpu.dma_semaphore, #tpu.memory_space<semaphore_mem>> -> memref<!tpu.dma_semaphore, #tpu.memory_space<semaphore_mem>>
        tpu.wait_indirect_dma semaphore(%dma_wait3A_464 : memref<!tpu.dma_semaphore, #tpu.memory_space<semaphore_mem>>) src(%dma_wait3A_456 : memref<80x64xf32, #tpu.memory_space<vmem>>) dst(%dma_wait3A_462 : memref<10000x64xf32, #tpu.memory_space<vmem_shared>>)
        %scan3A_465 = arith.constant 0 : i32
        scf.yield %scan3A_465 : i32
      }
      %scan3A_434 = arith.constant 5 : i32
      %barrier3A_435 = arith.constant 0 : index
      tpu.barrier barrier_id(%barrier3A_435)
      %scan3A_436 = arith.constant 0 : i32
      %scan3A_437 = arith.constant 0 : i32
      %scan3A_438 = arith.constant 5 : i32
      %scan3A_439 = arith.addi %scan3A_437, %scan3A_438 : i32
      %scan3A_440 = arith.constant 1 : i32
      %scan3A_441 = scf.for %scan3A_445 = %scan3A_437 to %scan3A_439 step %scan3A_440 iter_args(%scan3A_446 = %scan3A_436) -> (i32)  : i32 {
        %mul3A_447 = arith.constant 125 : i32
        %mul3A_448 = arith.muli %scan3A_445, %mul3A_447 : i32
        %add3A_449 = arith.addi %mul3A_0, %mul3A_448 : i32
        "tpu.region"() ({
          %run_scoped3A = tpu.sem_alloc : memref<!tpu.dma_semaphore, #tpu.memory_space<semaphore_mem>>
          %dma_start3A_466 = arith.constant 0 : i32
          %dma_start3A_467 = tpu.memref_slice %arg8[%add3A_449, %dma_start3A_466] : memref<10000x64xf32, #tpu.memory_space<vmem_shared>> -> memref<125x64xf32, #tpu.memory_space<vmem_shared>>
          %dma_start3A_468 = arith.constant 0 : i32
          %dma_start3A_469 = tpu.memref_slice %arg8[%add3A_449, %dma_start3A_468] : memref<10000x64xf32, #tpu.memory_space<vmem_shared>> -> memref<125x64xf32, #tpu.memory_space<vmem_shared>>
          tpu.enqueue_dma source(%dma_start3A_469 : memref<125x64xf32, #tpu.memory_space<vmem_shared>>) target(%arg13 : memref<125x64xf32, #tpu.memory_space<vmem>>) target_semaphore(%run_scoped3A : memref<!tpu.dma_semaphore, #tpu.memory_space<semaphore_mem>>)
          %dma_wait3A_470 = arith.constant 0 : i32
          %dma_wait3A_471 = tpu.memref_slice %arg8[%add3A_449, %dma_wait3A_470] : memref<10000x64xf32, #tpu.memory_space<vmem_shared>> -> memref<125x64xf32, #tpu.memory_space<vmem_shared>>
          %dma_wait3A_472 = arith.constant 0 : i32
          %dma_wait3A_473 = tpu.memref_slice %arg8[%add3A_449, %dma_wait3A_472] : memref<10000x64xf32, #tpu.memory_space<vmem_shared>> -> memref<125x64xf32, #tpu.memory_space<vmem_shared>>
          tpu.wait_dma2 semaphore(%run_scoped3A : memref<!tpu.dma_semaphore, #tpu.memory_space<semaphore_mem>>) src(%dma_wait3A_473 : memref<125x64xf32, #tpu.memory_space<vmem_shared>>) dst(%arg13 : memref<125x64xf32, #tpu.memory_space<vmem>>)
          tpu.yield
        }) : () -> ()
        %add3A_450 = arith.addi %mul3A_6, %add3A_449 : i32
        "tpu.region"() ({
          %run_scoped3A = tpu.sem_alloc : memref<!tpu.dma_semaphore, #tpu.memory_space<semaphore_mem>>
          %dma_start3A_466 = arith.constant 0 : i32
          %dma_start3A_467 = tpu.memref_slice %arg7[%add3A_450, %dma_start3A_466] : memref<20000x64xf32, #tpu.memory_space<hbm>> -> memref<125x64xf32, #tpu.memory_space<hbm>>
          %dma_start3A_468 = arith.constant 0 : i32
          %dma_start3A_469 = tpu.memref_slice %arg7[%add3A_450, %dma_start3A_468] : memref<20000x64xf32, #tpu.memory_space<hbm>> -> memref<125x64xf32, #tpu.memory_space<hbm>>
          tpu.enqueue_dma source(%dma_start3A_469 : memref<125x64xf32, #tpu.memory_space<hbm>>) target(%arg14 : memref<125x64xf32, #tpu.memory_space<vmem>>) target_semaphore(%run_scoped3A : memref<!tpu.dma_semaphore, #tpu.memory_space<semaphore_mem>>)
          %dma_wait3A_470 = arith.constant 0 : i32
          %dma_wait3A_471 = tpu.memref_slice %arg7[%add3A_450, %dma_wait3A_470] : memref<20000x64xf32, #tpu.memory_space<hbm>> -> memref<125x64xf32, #tpu.memory_space<hbm>>
          %dma_wait3A_472 = arith.constant 0 : i32
          %dma_wait3A_473 = tpu.memref_slice %arg7[%add3A_450, %dma_wait3A_472] : memref<20000x64xf32, #tpu.memory_space<hbm>> -> memref<125x64xf32, #tpu.memory_space<hbm>>
          tpu.wait_dma2 semaphore(%run_scoped3A : memref<!tpu.dma_semaphore, #tpu.memory_space<semaphore_mem>>) src(%dma_wait3A_473 : memref<125x64xf32, #tpu.memory_space<hbm>>) dst(%arg14 : memref<125x64xf32, #tpu.memory_space<vmem>>)
          tpu.yield
        }) : () -> ()
        %scan3A_451 = arith.constant 0 : i32
        %scan3A_452 = arith.constant 0 : i32
        %scan3A_453 = arith.constant 125 : i32
        %scan3A_454 = arith.addi %scan3A_452, %scan3A_453 : i32
        %scan3A_455 = arith.constant 1 : i32
        %scan3A_456 = scf.for %scan3A_466 = %scan3A_452 to %scan3A_454 step %scan3A_455 iter_args(%scan3A_467 = %scan3A_451) -> (i32)  : i32 {
          %get3A_468 = arith.index_cast %scan3A_466 : i32 to index
          %get3A_469 = arith.constant 0 : index
          %get3A_470 = tpu.vector_load %arg14[%get3A_468, %get3A_469] {strides = array<i32>} : memref<125x64xf32, #tpu.memory_space<vmem>>, vector<1x16xf32>,
          %get3A_471 = vector.shape_cast %get3A_470 : vector<1x16xf32> to vector<16xf32>
          %get3A_472 = arith.index_cast %scan3A_466 : i32 to index
          %get3A_473 = arith.constant 0 : index
          %get3A_474 = tpu.vector_load %arg13[%get3A_472, %get3A_473] {strides = array<i32>} : memref<125x64xf32, #tpu.memory_space<vmem>>, vector<1x16xf32>,
          %get3A_475 = vector.shape_cast %get3A_474 : vector<1x16xf32> to vector<16xf32>
          %add3A_476 = arith.addf %get3A_471, %get3A_475 : vector<16xf32>
          %swap3A_477 = arith.index_cast %scan3A_466 : i32 to index
          %swap3A_478 = arith.constant 0 : index
          %swap3A_479 = tpu.vector_load %arg14[%swap3A_477, %swap3A_478] {strides = array<i32>} : memref<125x64xf32, #tpu.memory_space<vmem>>, vector<1x16xf32>,
          %swap3A_480 = vector.shape_cast %swap3A_479 : vector<1x16xf32> to vector<16xf32>
          %swap3A_481 = vector.shape_cast %add3A_476 : vector<16xf32> to vector<1x16xf32>
          tpu.vector_store %arg14[%swap3A_477, %swap3A_478], %swap3A_481 {strides = array<i32>} : memref<125x64xf32, #tpu.memory_space<vmem>>, vector<1x16xf32>,
          %get3A_482 = arith.index_cast %scan3A_466 : i32 to index
          %get3A_483 = arith.constant 16 : index
          %get3A_484 = tpu.vector_load %arg14[%get3A_482, %get3A_483] {strides = array<i32>} : memref<125x64xf32, #tpu.memory_space<vmem>>, vector<1x16xf32>,
          %get3A_485 = vector.shape_cast %get3A_484 : vector<1x16xf32> to vector<16xf32>
          %get3A_486 = arith.index_cast %scan3A_466 : i32 to index
          %get3A_487 = arith.constant 16 : index
          %get3A_488 = tpu.vector_load %arg13[%get3A_486, %get3A_487] {strides = array<i32>} : memref<125x64xf32, #tpu.memory_space<vmem>>, vector<1x16xf32>,
          %get3A_489 = vector.shape_cast %get3A_488 : vector<1x16xf32> to vector<16xf32>
          %add3A_490 = arith.addf %get3A_485, %get3A_489 : vector<16xf32>
          %swap3A_491 = arith.index_cast %scan3A_466 : i32 to index
          %swap3A_492 = arith.constant 16 : index
          %swap3A_493 = tpu.vector_load %arg14[%swap3A_491, %swap3A_492] {strides = array<i32>} : memref<125x64xf32, #tpu.memory_space<vmem>>, vector<1x16xf32>,
          %swap3A_494 = vector.shape_cast %swap3A_493 : vector<1x16xf32> to vector<16xf32>
          %swap3A_495 = vector.shape_cast %add3A_490 : vector<16xf32> to vector<1x16xf32>
          tpu.vector_store %arg14[%swap3A_491, %swap3A_492], %swap3A_495 {strides = array<i32>} : memref<125x64xf32, #tpu.memory_space<vmem>>, vector<1x16xf32>,
          %get3A_496 = arith.index_cast %scan3A_466 : i32 to index
          %get3A_497 = arith.constant 32 : index
          %get3A_498 = tpu.vector_load %arg14[%get3A_496, %get3A_497] {strides = array<i32>} : memref<125x64xf32, #tpu.memory_space<vmem>>, vector<1x16xf32>,
          %get3A_499 = vector.shape_cast %get3A_498 : vector<1x16xf32> to vector<16xf32>
          %get3A_500 = arith.index_cast %scan3A_466 : i32 to index
          %get3A_501 = arith.constant 32 : index
          %get3A_502 = tpu.vector_load %arg13[%get3A_500, %get3A_501] {strides = array<i32>} : memref<125x64xf32, #tpu.memory_space<vmem>>, vector<1x16xf32>,
          %get3A_503 = vector.shape_cast %get3A_502 : vector<1x16xf32> to vector<16xf32>
          %add3A_504 = arith.addf %get3A_499, %get3A_503 : vector<16xf32>
          %swap3A_505 = arith.index_cast %scan3A_466 : i32 to index
          %swap3A_506 = arith.constant 32 : index
          %swap3A_507 = tpu.vector_load %arg14[%swap3A_505, %swap3A_506] {strides = array<i32>} : memref<125x64xf32, #tpu.memory_space<vmem>>, vector<1x16xf32>,
          %swap3A_508 = vector.shape_cast %swap3A_507 : vector<1x16xf32> to vector<16xf32>
          %swap3A_509 = vector.shape_cast %add3A_504 : vector<16xf32> to vector<1x16xf32>
          tpu.vector_store %arg14[%swap3A_505, %swap3A_506], %swap3A_509 {strides = array<i32>} : memref<125x64xf32, #tpu.memory_space<vmem>>, vector<1x16xf32>,
          %get3A_510 = arith.index_cast %scan3A_466 : i32 to index
          %get3A_511 = arith.constant 48 : index
          %get3A_512 = tpu.vector_load %arg14[%get3A_510, %get3A_511] {strides = array<i32>} : memref<125x64xf32, #tpu.memory_space<vmem>>, vector<1x16xf32>,
          %get3A_513 = vector.shape_cast %get3A_512 : vector<1x16xf32> to vector<16xf32>
          %get3A_514 = arith.index_cast %scan3A_466 : i32 to index
          %get3A_515 = arith.constant 48 : index
          %get3A_516 = tpu.vector_load %arg13[%get3A_514, %get3A_515] {strides = array<i32>} : memref<125x64xf32, #tpu.memory_space<vmem>>, vector<1x16xf32>,
          %get3A_517 = vector.shape_cast %get3A_516 : vector<1x16xf32> to vector<16xf32>
          %add3A_518 = arith.addf %get3A_513, %get3A_517 : vector<16xf32>
          %swap3A_519 = arith.index_cast %scan3A_466 : i32 to index
          %swap3A_520 = arith.constant 48 : index
          %swap3A_521 = tpu.vector_load %arg14[%swap3A_519, %swap3A_520] {strides = array<i32>} : memref<125x64xf32, #tpu.memory_space<vmem>>, vector<1x16xf32>,
          %swap3A_522 = vector.shape_cast %swap3A_521 : vector<1x16xf32> to vector<16xf32>
          %swap3A_523 = vector.shape_cast %add3A_518 : vector<16xf32> to vector<1x16xf32>
          tpu.vector_store %arg14[%swap3A_519, %swap3A_520], %swap3A_523 {strides = array<i32>} : memref<125x64xf32, #tpu.memory_space<vmem>>, vector<1x16xf32>,
          %scan3A_524 = arith.constant 0 : i32
          scf.yield %scan3A_524 : i32
        }
        %scan3A_457 = arith.constant 125 : i32
        %add3A_458 = arith.addi %mul3A_6, %add3A_449 : i32
        "tpu.region"() ({
          %run_scoped3A = tpu.sem_alloc : memref<!tpu.dma_semaphore, #tpu.memory_space<semaphore_mem>>
          %dma_start3A_466 = arith.constant 0 : i32
          %dma_start3A_467 = tpu.memref_slice %arg7[%add3A_458, %dma_start3A_466] : memref<20000x64xf32, #tpu.memory_space<hbm>> -> memref<125x64xf32, #tpu.memory_space<hbm>>
          %dma_start3A_468 = arith.constant 0 : i32
          %dma_start3A_469 = tpu.memref_slice %arg7[%add3A_458, %dma_start3A_468] : memref<20000x64xf32, #tpu.memory_space<hbm>> -> memref<125x64xf32, #tpu.memory_space<hbm>>
          tpu.enqueue_dma source(%arg14 : memref<125x64xf32, #tpu.memory_space<vmem>>) target(%dma_start3A_469 : memref<125x64xf32, #tpu.memory_space<hbm>>) target_semaphore(%run_scoped3A : memref<!tpu.dma_semaphore, #tpu.memory_space<semaphore_mem>>)
          %dma_wait3A_470 = arith.constant 0 : i32
          %dma_wait3A_471 = tpu.memref_slice %arg7[%add3A_458, %dma_wait3A_470] : memref<20000x64xf32, #tpu.memory_space<hbm>> -> memref<125x64xf32, #tpu.memory_space<hbm>>
          %dma_wait3A_472 = arith.constant 0 : i32
          %dma_wait3A_473 = tpu.memref_slice %arg7[%add3A_458, %dma_wait3A_472] : memref<20000x64xf32, #tpu.memory_space<hbm>> -> memref<125x64xf32, #tpu.memory_space<hbm>>
          tpu.wait_dma2 semaphore(%run_scoped3A : memref<!tpu.dma_semaphore, #tpu.memory_space<semaphore_mem>>) src(%arg14 : memref<125x64xf32, #tpu.memory_space<vmem>>) dst(%dma_wait3A_473 : memref<125x64xf32, #tpu.memory_space<hbm>>)
          tpu.yield
        }) : () -> ()
        %add3A_459 = arith.addi %mul3A_6, %add3A_449 : i32
        "tpu.region"() ({
          %run_scoped3A = tpu.sem_alloc : memref<!tpu.dma_semaphore, #tpu.memory_space<semaphore_mem>>
          %dma_start3A_466 = arith.constant 0 : i32
          %dma_start3A_467 = tpu.memref_slice %arg6[%add3A_459, %dma_start3A_466] : memref<20000x64xf32, #tpu.memory_space<hbm>> -> memref<125x64xf32, #tpu.memory_space<hbm>>
          %dma_start3A_468 = arith.constant 0 : i32
          %dma_start3A_469 = tpu.memref_slice %arg6[%add3A_459, %dma_start3A_468] : memref<20000x64xf32, #tpu.memory_space<hbm>> -> memref<125x64xf32, #tpu.memory_space<hbm>>
          tpu.enqueue_dma source(%arg13 : memref<125x64xf32, #tpu.memory_space<vmem>>) target(%dma_start3A_469 : memref<125x64xf32, #tpu.memory_space<hbm>>) target_semaphore(%run_scoped3A : memref<!tpu.dma_semaphore, #tpu.memory_space<semaphore_mem>>)
          %dma_wait3A_470 = arith.constant 0 : i32
          %dma_wait3A_471 = tpu.memref_slice %arg6[%add3A_459, %dma_wait3A_470] : memref<20000x64xf32, #tpu.memory_space<hbm>> -> memref<125x64xf32, #tpu.memory_space<hbm>>
          %dma_wait3A_472 = arith.constant 0 : i32
          %dma_wait3A_473 = tpu.memref_slice %arg6[%add3A_459, %dma_wait3A_472] : memref<20000x64xf32, #tpu.memory_space<hbm>> -> memref<125x64xf32, #tpu.memory_space<hbm>>
          tpu.wait_dma2 semaphore(%run_scoped3A : memref<!tpu.dma_semaphore, #tpu.memory_space<semaphore_mem>>) src(%arg13 : memref<125x64xf32, #tpu.memory_space<vmem>>) dst(%dma_wait3A_473 : memref<125x64xf32, #tpu.memory_space<hbm>>)
          tpu.yield
        }) : () -> ()
        %eq3A_460 = arith.constant 2 : i32
        %eq3A_461 = arith.cmpi eq, %scan3A_24, %eq3A_460 : i32
        %convert_element_type3A_462 = arith.extui %eq3A_461 : i1 to i32
        %cond3A_463 = arith.constant 0 : i32
        %cond3A_464 = arith.cmpi ne, %convert_element_type3A_462, %cond3A_463 : i32
        scf.if %cond3A_464 {
          %scan3A_466 = arith.constant 0 : i32
          %scan3A_467 = arith.constant 0 : i32
          %scan3A_468 = arith.constant 125 : i32
          %scan3A_469 = arith.addi %scan3A_467, %scan3A_468 : i32
          %scan3A_470 = arith.constant 1 : i32
          %scan3A_471 = scf.for %scan3A_475 = %scan3A_467 to %scan3A_469 step %scan3A_470 iter_args(%scan3A_476 = %scan3A_466) -> (i32)  : i32 {
            %get3A_477 = arith.index_cast %scan3A_475 : i32 to index
            %get3A_478 = arith.constant 0 : index
            %get3A_479 = tpu.vector_load %arg14[%get3A_477, %get3A_478] {strides = array<i32>} : memref<125x64xf32, #tpu.memory_space<vmem>>, vector<1x16xf32>,
            %get3A_480 = vector.shape_cast %get3A_479 : vector<1x16xf32> to vector<16xf32>
            %mul3A_481 = vector.broadcast %scan3A_16 : f32 to vector<16xf32>
            %mul3A_482 = arith.mulf %get3A_480, %mul3A_481 : vector<16xf32>
            %swap3A_483 = arith.index_cast %scan3A_475 : i32 to index
            %swap3A_484 = arith.constant 0 : index
            %swap3A_485 = tpu.vector_load %arg14[%swap3A_483, %swap3A_484] {strides = array<i32>} : memref<125x64xf32, #tpu.memory_space<vmem>>, vector<1x16xf32>,
            %swap3A_486 = vector.shape_cast %swap3A_485 : vector<1x16xf32> to vector<16xf32>
            %swap3A_487 = vector.shape_cast %mul3A_482 : vector<16xf32> to vector<1x16xf32>
            tpu.vector_store %arg14[%swap3A_483, %swap3A_484], %swap3A_487 {strides = array<i32>} : memref<125x64xf32, #tpu.memory_space<vmem>>, vector<1x16xf32>,
            %get3A_488 = arith.index_cast %scan3A_475 : i32 to index
            %get3A_489 = arith.constant 16 : index
            %get3A_490 = tpu.vector_load %arg14[%get3A_488, %get3A_489] {strides = array<i32>} : memref<125x64xf32, #tpu.memory_space<vmem>>, vector<1x16xf32>,
            %get3A_491 = vector.shape_cast %get3A_490 : vector<1x16xf32> to vector<16xf32>
            %mul3A_492 = vector.broadcast %scan3A_16 : f32 to vector<16xf32>
            %mul3A_493 = arith.mulf %get3A_491, %mul3A_492 : vector<16xf32>
            %swap3A_494 = arith.index_cast %scan3A_475 : i32 to index
            %swap3A_495 = arith.constant 16 : index
            %swap3A_496 = tpu.vector_load %arg14[%swap3A_494, %swap3A_495] {strides = array<i32>} : memref<125x64xf32, #tpu.memory_space<vmem>>, vector<1x16xf32>,
            %swap3A_497 = vector.shape_cast %swap3A_496 : vector<1x16xf32> to vector<16xf32>
            %swap3A_498 = vector.shape_cast %mul3A_493 : vector<16xf32> to vector<1x16xf32>
            tpu.vector_store %arg14[%swap3A_494, %swap3A_495], %swap3A_498 {strides = array<i32>} : memref<125x64xf32, #tpu.memory_space<vmem>>, vector<1x16xf32>,
            %get3A_499 = arith.index_cast %scan3A_475 : i32 to index
            %get3A_500 = arith.constant 32 : index
            %get3A_501 = tpu.vector_load %arg14[%get3A_499, %get3A_500] {strides = array<i32>} : memref<125x64xf32, #tpu.memory_space<vmem>>, vector<1x16xf32>,
            %get3A_502 = vector.shape_cast %get3A_501 : vector<1x16xf32> to vector<16xf32>
            %mul3A_503 = vector.broadcast %scan3A_16 : f32 to vector<16xf32>
            %mul3A_504 = arith.mulf %get3A_502, %mul3A_503 : vector<16xf32>
            %swap3A_505 = arith.index_cast %scan3A_475 : i32 to index
            %swap3A_506 = arith.constant 32 : index
            %swap3A_507 = tpu.vector_load %arg14[%swap3A_505, %swap3A_506] {strides = array<i32>} : memref<125x64xf32, #tpu.memory_space<vmem>>, vector<1x16xf32>,
            %swap3A_508 = vector.shape_cast %swap3A_507 : vector<1x16xf32> to vector<16xf32>
            %swap3A_509 = vector.shape_cast %mul3A_504 : vector<16xf32> to vector<1x16xf32>
            tpu.vector_store %arg14[%swap3A_505, %swap3A_506], %swap3A_509 {strides = array<i32>} : memref<125x64xf32, #tpu.memory_space<vmem>>, vector<1x16xf32>,
            %get3A_510 = arith.index_cast %scan3A_475 : i32 to index
            %get3A_511 = arith.constant 48 : index
            %get3A_512 = tpu.vector_load %arg14[%get3A_510, %get3A_511] {strides = array<i32>} : memref<125x64xf32, #tpu.memory_space<vmem>>, vector<1x16xf32>,
            %get3A_513 = vector.shape_cast %get3A_512 : vector<1x16xf32> to vector<16xf32>
            %mul3A_514 = vector.broadcast %scan3A_16 : f32 to vector<16xf32>
            %mul3A_515 = arith.mulf %get3A_513, %mul3A_514 : vector<16xf32>
            %swap3A_516 = arith.index_cast %scan3A_475 : i32 to index
            %swap3A_517 = arith.constant 48 : index
            %swap3A_518 = tpu.vector_load %arg14[%swap3A_516, %swap3A_517] {strides = array<i32>} : memref<125x64xf32, #tpu.memory_space<vmem>>, vector<1x16xf32>,
            %swap3A_519 = vector.shape_cast %swap3A_518 : vector<1x16xf32> to vector<16xf32>
            %swap3A_520 = vector.shape_cast %mul3A_515 : vector<16xf32> to vector<1x16xf32>
            tpu.vector_store %arg14[%swap3A_516, %swap3A_517], %swap3A_520 {strides = array<i32>} : memref<125x64xf32, #tpu.memory_space<vmem>>, vector<1x16xf32>,
            %scan3A_521 = arith.constant 0 : i32
            scf.yield %scan3A_521 : i32
          }
          %scan3A_472 = arith.constant 125 : i32
          %add3A_473 = arith.constant 1 : i32
          %add3A_474 = arith.addi %add3A_473, %add3A_449 : i32
          "tpu.region"() ({
            %run_scoped3A = tpu.sem_alloc : memref<!tpu.dma_semaphore, #tpu.memory_space<semaphore_mem>>
            %dma_start3A_475 = tpu.memref_slice %arg5[%add3A_474, %mul3A_4] : memref<10001x128xf32, #tpu.memory_space<hbm>> -> memref<125x64xf32, #tpu.memory_space<hbm>>
            %dma_start3A_476 = tpu.memref_slice %arg5[%add3A_474, %mul3A_4] : memref<10001x128xf32, #tpu.memory_space<hbm>> -> memref<125x64xf32, #tpu.memory_space<hbm>>
            tpu.enqueue_dma source(%arg14 : memref<125x64xf32, #tpu.memory_space<vmem>>) target(%dma_start3A_476 : memref<125x64xf32, #tpu.memory_space<hbm>>) target_semaphore(%run_scoped3A : memref<!tpu.dma_semaphore, #tpu.memory_space<semaphore_mem>>)
            %dma_wait3A_477 = tpu.memref_slice %arg5[%add3A_474, %mul3A_4] : memref<10001x128xf32, #tpu.memory_space<hbm>> -> memref<125x64xf32, #tpu.memory_space<hbm>>
            %dma_wait3A_478 = tpu.memref_slice %arg5[%add3A_474, %mul3A_4] : memref<10001x128xf32, #tpu.memory_space<hbm>> -> memref<125x64xf32, #tpu.memory_space<hbm>>
            tpu.wait_dma2 semaphore(%run_scoped3A : memref<!tpu.dma_semaphore, #tpu.memory_space<semaphore_mem>>) src(%arg14 : memref<125x64xf32, #tpu.memory_space<vmem>>) dst(%dma_wait3A_478 : memref<125x64xf32, #tpu.memory_space<hbm>>)
            tpu.yield
          }) : () -> ()
        } else {
        }
        %scan3A_465 = arith.constant 0 : i32
        scf.yield %scan3A_465 : i32
      }
      %scan3A_442 = arith.constant 5 : i32
      %barrier3A_443 = arith.constant 0 : index
      tpu.barrier barrier_id(%barrier3A_443)
      %scan3A_444 = arith.constant 0 : i32
      scf.yield %scan3A_444 : i32
    }
    %scan3A_23 = arith.constant 3 : i32
    return
  }
}

</mosaic_0001>

<sc_bundles>
// kernel: kernel.3.cloned.1.call-start
scs
__scs_entry_jumppad:
0x0: {  	(pc) =	sbr.rel $0x88, $3  }
0x1: {  	(tag) =	ssettag $0x0;
	lr =	simm.s32 $0x1  }
0x2: {  	[smem:$0x3F9E] =	sst lr;
	_ =	strace $0xD0000000  }
0x3: {  	_ = 	snop  }
0x4: {  	_ = 	snop  }
0x5: {  	_ = 	snop  }
0x6: {  	_ = 	snop  }
0x7: {  	_ = 	snop  }
__scs_overlays_trampoline_lowered:
0x8: {  	[smem:$0x3FAD] =	sst s0  }
0x9: {  	[smem:$0x3FAE] =	sst s1  }
0xa: {  	[smem:$0x3FAF] =	sst s2  }
0xb: {  	[smem:$0x3FB0] =	sst s3  }
0xc: {  	[smem:$0x3FB1] =	sst s4  }
0xd: {  	[smem:$0x3FB2] =	sst s5  }
0xe: {  	[smem:$0x3FB3] =	sst s6  }
0xf: {  	[smem:$0x3FB4] =	sst s7  }
0x10: {  	[smem:$0x3FB5] =	sst s8  }
0x11: {  	[smem:$0x3FB6] =	sst s9;
	s0 =	simm.s32 @!p0 $0x0  }
0x12: {  	s1 =	sld [smem:$0x3F9C];
	s0 =	simm.s32 @p0 $0x1  }
0x13: {  	[smem:$0x3FB7] =	sst s0;
	s0 =	simm.s32 @!p1 $0x0  }
0x14: {  	s2 =	sld [smem:$0x3F9B];
	s0 =	simm.s32 @p1 $0x1  }
0x15: {  	[smem:$0x3FB8] =	sst s0;
	s0 =	simm.s32 @!p2 $0x0  }
0x16: {  	s3 =	sld [smem:$0x3FDB];
	s0 =	simm.s32 @p2 $0x1  }
0x17: {  	s4 =	simm.s32 $0x1BF5;
	[smem:$0x3FBA] =	sst s0  }
0x18: {  	s0 =	sld [smem:$0x3F9D];
	_ =	swait.ge [sflag:s4], $0x0  }
0x19: {  	s7 =	sld [smem:$0x3F9E]  }
0x1a: {  	s8 =	sadd.s32 $0xFFFFE003, lr  }
0x1b: {  	s9 =	sadd.s32 $0xFFFFFEF7, lr;
	s5 =	simm.s32 $0xFFFFFFFF;
	p2 =	slt.u32 s8, $0xFFFFF086  }
0x1c: {  	p1 =	slt.u32 s9, $0xF7A;
	s5 =	simm.s32 @!p2 $0x0  }
0x1d: {  	s5 =	simm.s32 @p1 $0x1;
	p0 =	seq.s32 s7, s2  }
0x1e: {  	s7 =	smul.u32 @!p0 $0xF7A, s2;
	p2 =	seq.s32 @!p0 s5, $0x0  }
0x1f: {  	s9 =	smul.u32 $0xF7A, s1;
	s8 =	simm.s32 @!p0 $0x1BF5;
	p2 =	por !p2, p0  }
0x20: {  	[sflag:s8] =	ssyncset.s32 @!p0 $0xFFFFF086;
	s6 =	sadd.s32 @!p0 s3, s7;
	s7 =	simm.s32 @!p0 $0x108  }
0x21: {  	s3 =	sadd.s32 s3, s9;
	s6 =	sadd.s32 @!p0 $0x88, s6;
	s7 =	simm.s32 @p2 $0x1082  }
0x22: {  	[simem:s7], [sflag:s8] =	dma.local @!p0 [hbm:s6], $0xF7A  }
0x23: {  	s9 =	sor.u32 $0xD0000000, s2;
	s6 =	simm.s32 $0x108;
	_ =	swait.ge @!p0 [sflag:s8], $0x0  }
0x24: {  	s3 =	sadd.s32 $0x88, s3;
	s6 =	simm.s32 @!p1 $0x1082;
	[sflag:s4] =	ssyncset.s32 $0xFFFFF086  }
0x25: {  	[simem:s6], [sflag:s4] =	dma.local [hbm:s3], $0xF7A  }
0x26: {  	[smem:$0x3F9E] =	sst s1;
	(tag) =	ssettag s2;
	_ =	strace s9  }
0x27: {  	s1 =	sld [smem:$0x3FAE]  }
0x28: {  	s2 =	sld [smem:$0x3FAF]  }
0x29: {  	s4 =	sld [smem:$0x3FB1]  }
0x2a: {  	p0 =	seq.s32 s5, $0x0;
	s5 =	sld [smem:$0x3FB2]  }
0x2b: {  	s6 =	sld [smem:$0x3FB3]  }
0x2c: {  	s7 =	sld [smem:$0x3FB4]  }
0x2d: {  	s3 =	simm.s32 $0x108;
	s8 =	sld [smem:$0x3FB5]  }
0x2e: {  	s3 =	simm.s32 @!p0 $0x1082;
	s9 =	sld [smem:$0x3FB6]  }
0x2f: {  	lr =	sadd.s32 s0, s3;
	s0 =	sld [smem:$0x3FAD]  }
0x30: {  	s3 =	sld [smem:$0x3FB0]  }
0x31: {  	[smem:$0x3FB9] =	sst s10  }
0x32: {  	s10 =	sld [smem:$0x3FB7];
	_ =	sdelay $0x3  }
0x33: {  	p0 =	seq.s32 s10, $0x1;
	s10 =	sld [smem:$0x3FB9];
	_ =	sdelay $0x3  }
0x34: {  	[smem:$0x3FB9] =	sst s10  }
0x35: {  	s10 =	sld [smem:$0x3FB8];
	_ =	sdelay $0x3  }
0x36: {  	p1 =	seq.s32 s10, $0x1;
	s10 =	sld [smem:$0x3FB9];
	_ =	sdelay $0x3  }
0x37: {  	[smem:$0x3FB9] =	sst s10  }
0x38: {  	s10 =	sld [smem:$0x3FBA]  }
0x39: {  	_ = 	snop;
	(pc) =	sbr.ind lr, $3  }
0x3a: {  	_ = 	snop  }
0x3b: {  	_ = 	snop  }
0x3c: {  	p2 =	seq.s32 s10, $0x1;
	s10 =	sld [smem:$0x3FB9]  }
0x3d: {  	_ =	shalt  }
0x3e: {  	_ =	shalt  }
0x3f: {  	_ =	shalt  }
0x40: {  	_ =	shalt  }
0x41: {  	_ =	shalt  }
0x42: {  	_ =	shalt  }
0x43: {  	_ =	shalt  }
0x44: {  	_ =	shalt  }
0x45: {  	_ =	shalt  }
0x46: {  	_ =	shalt  }
0x47: {  	_ =	shalt  }
0x48: {  	_ =	shalt  }
0x49: {  	_ =	shalt  }
0x4a: {  	_ =	shalt  }
0x4b: {  	_ =	shalt  }
0x4c: {  	_ =	shalt  }
0x4d: {  	_ =	shalt  }
0x4e: {  	_ =	shalt  }
0x4f: {  	_ =	shalt  }
0x50: {  	_ =	shalt  }
0x51: {  	_ =	shalt  }
0x52: {  	_ =	shalt  }
0x53: {  	_ =	shalt  }
0x54: {  	_ =	shalt  }
0x55: {  	_ =	shalt  }
0x56: {  	_ =	shalt  }
0x57: {  	_ =	shalt  }
0x58: {  	_ =	shalt  }
0x59: {  	_ =	shalt  }
0x5a: {  	_ =	shalt  }
0x5b: {  	_ =	shalt  }
0x5c: {  	_ =	shalt  }
0x5d: {  	_ =	shalt  }
0x5e: {  	_ =	shalt  }
0x5f: {  	_ =	shalt  }
0x60: {  	_ =	shalt  }
0x61: {  	_ =	shalt  }
0x62: {  	_ =	shalt  }
0x63: {  	_ =	shalt  }
0x64: {  	_ =	shalt  }
0x65: {  	_ =	shalt  }
0x66: {  	_ =	shalt  }
0x67: {  	_ =	shalt  }
0x68: {  	_ =	shalt  }
0x69: {  	_ =	shalt  }
0x6a: {  	_ =	shalt  }
0x6b: {  	_ =	shalt  }
0x6c: {  	_ =	shalt  }
0x6d: {  	_ =	shalt  }
0x6e: {  	_ =	shalt  }
0x6f: {  	_ =	shalt  }
0x70: {  	_ =	shalt  }
0x71: {  	_ =	shalt  }
0x72: {  	_ =	shalt  }
0x73: {  	_ =	shalt  }
0x74: {  	_ =	shalt  }
0x75: {  	_ =	shalt  }
0x76: {  	_ =	shalt  }
0x77: {  	_ =	shalt  }
0x78: {  	_ =	shalt  }
0x79: {  	_ =	shalt  }
0x7a: {  	_ =	shalt  }
0x7b: {  	_ =	shalt  }
0x7c: {  	_ =	shalt  }
0x7d: {  	_ =	shalt  }
0x7e: {  	_ =	shalt  }
0x7f: {  	_ =	shalt  }
0x80: {  	_ =	shalt  }
0x81: {  	_ =	shalt  }
0x82: {  	_ =	shalt  }
0x83: {  	_ =	shalt  }
0x84: {  	_ =	shalt  }
0x85: {  	_ =	shalt  }
0x86: {  	_ =	shalt  }
0x87: {  	_ =	shalt  }
.Lfunc_end0:
.L_simem_size_0:
called_computation_lowered:
.L_overlay_start_0:
0x88: {  	s2 =	sld [smem:$0x3FD9]  }
0x89: {  	s3 =	sld [smem:$0x3FFE];
	_ =	sdelay $0x1  }
0x8a: {  	s1 =	srdreg.scid  }
0x8b: {  	s0 =	sand.u32 $0x1, s1  }
0x8c: {  	s17 =	sshll.u32 s0, $0xA;
	s2 =	sadd.s32 s3, s2  }
0x8d: {  	s3 =	sadd.s32 s2, s17  }
0x8e: {  	[smem:$0x3FC5] =	sst s3  }
0x8f: {  	_ = 	snop  }
0x90: {  	s3 =	sld [smem:$0x3FC8]  }
0x91: {  	s4 =	sld [smem:$0x3FC7]  }
0x92: {  	s5 =	sld [smem:$0x3FD0];
	(tm) =	ssettm $0x1  }
0x93: {  	s6 =	sld [smem:$0x3FFB];
	_ =	sdelay $0x3  }
0x94: {  	_ =	strace s6  }
0x95: {  	s6 =	sld [smem:$0x3FFC];
	_ =	sdelay $0x3  }
0x96: {  	_ =	strace s6  }
0x97: {  	s6 =	sld [smem:$0x3FFD];
	_ =	sdelay $0x3  }
0x98: {  	_ =	strace s6  }
0x99: {  	_ =	strace $0x8FFFFFFF  }
0x9a: {  	s18 =	sld [smem:$0x3FDB];
	_ =	sdelay $0x1  }
0x9b: {  	s7 =	simm.s32 $_scs_section_size  }
0x9c: {  	s8 =	simm.s32 $_size__tile_overlayer_lowered;
	s9 =	simm.s32 $_tile_overlayer_lowered  }
0x9d: {  	s21 =	simm.s32 $0x1BFF;
	s20 =	sshll.u32 s9, $0x1;
	s6 =	sadd.s32 s7, s18  }
0x9e: {  	s10 =	simm.s32 $0x0;
	s19 =	sshll.u32 s8, $0x1;
	s8 =	sadd.s32 s20, s6  }
0x9f: {  	[timem:s10], [sflag:s21] =	dma.local [hbm:s8], s19  }
0xa0: {  	_ =	swait.ge [sflag:s21], s19  }
0xa1: {  	s7 =	ssub.s32 $0x0, s19;
	[sflag:s21] =	ssyncset.done $0x0  }
0xa2: {  	[sflag:s21] =	ssyncadd.s32 s7;
	_ =	sdelay $0x1  }
0xa3: {  	s22 =	simm.s32 $0x1B8B  }
0xa4: {  	_ =	swait.ge [sflag:s22], $0x1  }
0xa5: {  	[sflag:s22] =	ssyncset.done $0x0  }
0xa6: {  	s24 =	simm.s32 $0x1B8E;
	s23 =	sld [smem:$0x3FFE];
	[sflag:s22] =	ssyncadd.s32 $0xFFFFFFFF  }
0xa7: {  	s25 =	simm.s32 $execute0_lowered;
	[smem:$0x3FD2] =	sst s24  }
0xa8: {  	s8 =	sshll.u32 s25, $0x1;
	_ =	strace $0x80000046;
	[dreg:$0x1] =	wrdreg $0xFFFFFFFF  }
0xa9: {  	s26 =	simm.s32 $_size_execute0_lowered;
	s6 =	sadd.s32 s6, s8;
	[dreg:$0x0] =	wrdreg $0x0  }
0xaa: {  	s8 =	sshll.u32 s26, $0x1;
	[dreg:$0x2] =	wrdreg s6  }
0xab: {  	[dreg:$0x3] =	wrdreg s8  }
0xac: {  	[dreg:$0x4] =	wrdreg $0xC0  }
0xad: {  	_ =	task [dreg:s10], $0x5FFFF  }
0xae: {  	[dreg:$0x1] =	wrdreg $0xFFFFFFFF  }
0xaf: {  	[dreg:$0x0] =	wrdreg $0x60  }
0xb0: {  	[dreg:$0x2] =	wrdreg s23  }
0xb1: {  	[dreg:$0x3] =	wrdreg s3  }
0xb2: {  	[dreg:$0x4] =	wrdreg s4  }
0xb3: {  	s28 =	sadd.s32 $0x27900, s2;
	[dreg:$0x5] =	wrdreg s5  }
0xb4: {  	s2 =	sadd.s32 $0x800, s2;
	[dreg:$0x6] =	wrdreg s28  }
0xb5: {  	[dreg:$0x7] =	wrdreg s2  }
0xb6: {  	[dreg:$0x8] =	wrdreg $0x0  }
0xb7: {  	[dreg:$0x9] =	wrdreg $0x9  }
0xb8: {  	_ =	task.clear_ibuf [dreg:s10], $0xAFFFF;
	_ =	strace $0x90000046  }
0xb9: {  	s29 =	simm.s32 $0x9;
	_ =	strace $0x80000048  }
0xba: {  	_ =	swait.ge [sflag:s29], $0x1  }
0xbb: {  	[sflag:s29] =	ssyncadd.s32 $0xFFFFFFFF  }
0xbc: {  	_ =	strace $0x90000048  }
0xbd: {  	_ =	sfence  }
0xbe: {  	s30 =	sld [smem:$0x0];
	_ =	sdelay $0x2  }
0xbf: {  	s31 =	sshll.u32 s1, $0xD;
	s1 =	sshrl.u32 s1, $0x2  }
0xc0: {  	s3 =	sand.u32 $0x4000, s31;
	s1 =	sadd.s32 s1, s30  }
0xc1: {  	s0 =	sor.u32 s3, s0;
	s1 =	sshll.u32 s1, $0x11  }
0xc2: {  	s0 =	sor.u32 s1, s0  }
0xc3: {  	s0 =	sadd.s32 $0x8F2B, s0  }
0xc4: {  	[sflag:s0] =	ssyncadd.remote.s32 $0x1  }
0xc5: {  	_ =	sfence.sel $0xFFFF  }
0xc6: {  	[dreg:$0x0] =	wrdreg $0xFFFFFFFF;
	(pc) =	sbr.abs _section_cstart, $3  }
0xc7: {  	[dreg:$0x1] =	wrdreg $0xFFFFFFFF  }
0xc8: {  	_ =	task.clear_ibuf [dreg:s10], $0x2FFFF;
	_ =	strace $0x9FFFFFFF  }
0xc9: {  	(tm) =	ssettm $0x7FFFFFFF  }
tec
execute0_lowered:
.L_overlay_start_1:
0x0: {  	(tag) =	ssettag $0x1  }
0x1: {  	s0 =	rddreg [dreg:$0x0]  }
0x2: {  	s3 =	rddreg [dreg:$0x1]  }
0x3: {  	s1 =	rddreg [dreg:$0x2]  }
0x4: {  	s15 =	rddreg [dreg:$0x3]  }
0x5: {  	s20 =	rddreg [dreg:$0x4]  }
0x6: {  	s4 =	rddreg [dreg:$0x5]  }
0x7: {  	s5 =	rddreg [dreg:$0x6];
	s22 =	stileid.u32  }
0x8: {  	s6 =	simm.s32 $0x0;
	s2 =	srdreg.scid;
	s7 =	smul.u32 $0x271, s22  }
0x9: {  	[smem:$0x7FF] =	sst s6;
	s9 =	smul.u32 $0x4E20, s22  }
0xa: {  	s2 =	sand.u32 $0x1, s2;
	s8 =	sadd.s32 $0x400, s0;
	s11 =	smul.u32 $0x13880, s22  }
0xb: {  	p0 =	sne.s32 s22, $0x0;
	s19 =	smul.u32 $0x27100, s22;
	s10 =	ssub.s32 $0x2, s2  }
0xc: {  	_ =	strace $0x80000047;
	s13 =	sshll.u32 s2, $0x6;
	s23 =	sshrl.u32 s10, $0x1  }
0xd: {  	s12 =	sadd.s32 $0x7D, s7;
	s11 =	sor.u32 s13, s11;
	s26 =	sshrl.u32 s9, $0x3  }
0xe: {  	s21 =	sor.u32 $0x80, s13;
	s0 =	ssub.s32 s10, s23;
	s10 =	smul.u32 $0x2710, s2  }
0xf: {  	s14 =	sshll.u32 s12, $0x7;
	s2 =	sshll.u32 s2, $0x3;
	s24 =	sshrl.u32 s11, $0x3  }
0x10: {  	s11 =	sadd.s32 $0x177, s7;
	s31 =	sadd.s32 s3, s26;
	[dreg:$0x10] =	wrdreg s21  }
0x11: {  	s14 =	sor.u32 s13, s14;
	s2 =	sadd.s32 s15, s2;
	s15 =	sadd.s32 $0x1F4, s7  }
0x12: {  	s17 =	sshll.u32 s11, $0x7;
	[dreg:$0xf] =	wrdreg s31;
	s0 =	smax.u32 s0, $0x1  }
0x13: {  	[dreg:$0x8] =	wrdreg s2;
	s25 =	sshrl.u32 s14, $0x3;
	s2 =	sadd.s32 s1, s24  }
0x14: {  	s18 =	sshll.u32 s15, $0x7;
	s17 =	sor.u32 s13, s17;
	[dreg:$0x11] =	wrdreg s0  }
0x15: {  	s22 =	sadd.s32 s10, s12;
	s24 =	sadd.s32 s10, s11;
	[dreg:$0x9] =	wrdreg s2  }
0x16: {  	s28 =	sadd.s32 s1, s25;
	s2 =	sadd.s32 $0xFA, s7;
	s18 =	sor.u32 s13, s18  }
0x17: {  	s17 =	sshrl.u32 s17, $0x3;
	s6 =	sshll.u32 s22, $0x3;
	[dreg:$0xa] =	wrdreg s28  }
0x18: {  	s16 =	sshll.u32 s2, $0x7;
	s29 =	sadd.s32 s1, s17;
	s17 =	sadd.s32 $0x32, s26  }
0x19: {  	s23 =	sadd.s32 s10, s2;
	[dreg:$0x13] =	wrdreg s6;
	s28 =	sshll.u32 s12, $0x6  }
0x1a: {  	s6 =	sshll.u32 s11, $0x6;
	[dreg:$0xc] =	wrdreg s29;
	s25 =	sshll.u32 s23, $0x3  }
0x1b: {  	s11 =	sshll.u32 s15, $0x6;
	s31 =	sadd.s32 s28, s5;
	[dreg:$0x14] =	wrdreg s25  }
0x1c: {  	s16 =	sor.u32 s13, s16;
	s13 =	sadd.s32 s11, s5;
	[dreg:$0x18] =	wrdreg s31  }
0x1d: {  	s14 =	sadd.s32 s3, s17;
	[dreg:$0x1b] =	wrdreg s13  }
0x1e: {  	s29 =	sadd.s32 s10, s15;
	s15 =	sadd.s32 s8, s17;
	[dreg:$0x1c] =	wrdreg s14  }
0x1f: {  	s16 =	sshrl.u32 s16, $0x3;
	s12 =	sshll.u32 s29, $0x3;
	[dreg:$0x1d] =	wrdreg s15  }
0x20: {  	s18 =	sshrl.u32 s18, $0x3;
	s16 =	sadd.s32 s1, s16;
	[dreg:$0x16] =	wrdreg s12  }
0x21: {  	s1 =	sadd.s32 s1, s18;
	[dreg:$0xb] =	wrdreg s16  }
0x22: {  	s18 =	sadd.s32 s10, s7;
	s12 =	sadd.s32 s6, s5;
	[dreg:$0xd] =	wrdreg s1  }
0x23: {  	s0 =	sshll.u32 s18, $0x3;
	[dreg:$0x1a] =	wrdreg s12  }
0x24: {  	s16 =	sadd.s32 s8, s26;
	s26 =	sshll.u32 s24, $0x3;
	[dreg:$0x12] =	wrdreg s0  }
0x25: {  	[dreg:$0x15] =	wrdreg s26  }
0x26: {  	s17 =	sadd.s32 $0x9C40, s16;
	[dreg:$0xe] =	wrdreg s16  }
0x27: {  	s18 =	sadd.s32 $0x9C72, s16;
	[dreg:$0x1e] =	wrdreg s17  }
0x28: {  	s30 =	simm.s32 $0x50;
	s22 =	sadd.s32 $0xA, s16;
	[dreg:$0x1f] =	wrdreg s18  }
0x29: {  	s2 =	sshll.u32 s2, $0x6;
	s23 =	sadd.s32 $0x14, s16;
	[smem:$0x7F6] =	sst s22  }
0x2a: {  	s14 =	simm.s32 $0x19;
	s24 =	sadd.s32 $0x1E, s16;
	[smem:$0x7F7] =	sst s23  }
0x2b: {  	s1 =	simm.s32 $0x0;
	s25 =	sadd.s32 $0x28, s16;
	[smem:$0x7F8] =	sst s24  }
0x2c: {  	s0 =	sshrl.u32 s19, $0x2;
	s26 =	sadd.s32 $0x3C, s16;
	[smem:$0x7F9] =	sst s25  }
0x2d: {  	s19 =	smov.u32 s3;
	s28 =	sadd.s32 $0x46, s16;
	[smem:$0x7FA] =	sst s26  }
.Ltmp0:
0x2e: {  	s29 =	sadd.s32 $0x50, s16;
	[smem:$0x7FB] =	sst s28;
	(pc) =	sbr.rel .LBB2_1-.Ltmp0, $4  }
0x2f: {  	s31 =	sadd.s32 $0x5A, s16;
	s16 =	simm.s32 $0x40;
	[smem:$0x7FC] =	sst s29  }
0x30: {  	s0 =	sadd.s32 s0, s5;
	[smem:$0x7FD] =	sst s31;
	s22 =	simm.s32 $0x80  }
0x31: {  	s18 =	simm.s32 $0x17250;
	[dreg:$0x17] =	wrdreg s0;
	s0 =	sadd.s32 s2, s5  }
0x32: {  	v1 =	vimm.f32 $0.0e+00;
	v0 =	vmov s10;
	s17 =	simm.s32 $0x18;
	s26 =	simm.s32 $0x19190;
	[dreg:$0x19] =	wrdreg s0  }
.LBB2_21:
0x33: {  	s1 =	sld [smem:$0x7F5];
	_ =	sdelay $0x2  }
0x34: {  	s0 =	rddreg [dreg:$0x11];
	s1 =	sadd.s32 $0x1, s1  }
0x35: {  	p1 =	sne.s32 s1, s0  }
.Ltmp1:
0x36: {  	_ = 	snop;
	(pc) =	sbr.rel @!p1 .LBB2_22-.Ltmp1, $1  }
0x37: {  	_ =	sdelay $0x3  }
.LBB2_1:
0x38: {  	[smem:$0x7F5] =	sst s1  }
0x39: {  	s0 =	rddreg [dreg:$0x9]  }
0x3a: {  	[tilespmem:s18], [sflag:$0x18] =	stream.strided.gather [hbm4b:s0+s16], $0x1F40, s22, s16, $0x38;
	[tilespmem:$0x1B0D0] =	vst v63  }
0x3b: {  	_ =	swait.ge [sflag:s17], $0x1F40  }
0x3c: {  	[sflag:s17] =	ssyncset.done $0x0;
	s2 =	rddreg [dreg:$0x12]  }
0x3d: {  	s1 =	simm.s32 $0x0;
	[sflag:s17] =	ssyncadd.s32 $0xFFFFE0C0;
	s24 =	sadd.s32 s2, s20  }
0x3e: {  	[hbm4b:s24+s1] =	stream.linear.scatter [tilespmem:s18], [sflag:$0x18], $0x1F40, $0x38;
	[tilespmem:$0x1B0D0] =	vst v63  }
0x3f: {  	_ =	swait.ge [sflag:s17], $0x1F40  }
0x40: {  	[sflag:s17] =	ssyncset.done $0x0  }
0x41: {  	s25 =	sadd.s32 s2, s4;
	[sflag:s17] =	ssyncadd.s32 $0xFFFFE0C0  }
0x42: {  	[hbm4b:s25+s1] =	stream.linear.scatter [tilespmem:s18], [sflag:$0x18], $0x1F40, $0x38;
	[tilespmem:$0x1B0D0] =	vst v63  }
0x43: {  	_ =	swait.ge [sflag:s17], $0x1F40  }
0x44: {  	[sflag:s17] =	ssyncset.done $0x0  }
0x45: {  	s28 =	rddreg [dreg:$0xa];
	[sflag:s17] =	ssyncadd.s32 $0xFFFFE0C0  }
0x46: {  	[tilespmem:s18], [sflag:$0x18] =	stream.strided.gather [hbm4b:s28+s16], $0x1F40, s22, s16, $0x38;
	[tilespmem:$0x1B0D0] =	vst v63  }
0x47: {  	_ =	swait.ge [sflag:s17], $0x1F40  }
0x48: {  	[sflag:s17] =	ssyncset.done $0x0;
	s29 =	rddreg [dreg:$0x13]  }
0x49: {  	[sflag:s17] =	ssyncadd.s32 $0xFFFFE0C0;
	s31 =	sadd.s32 s29, s20  }
0x4a: {  	[hbm4b:s31+s1] =	stream.linear.scatter [tilespmem:s18], [sflag:$0x18], $0x1F40, $0x38;
	[tilespmem:$0x1B0D0] =	vst v63  }
0x4b: {  	_ =	swait.ge [sflag:s17], $0x1F40  }
0x4c: {  	[sflag:s17] =	ssyncset.done $0x0  }
0x4d: {  	s3 =	sadd.s32 s29, s4;
	[sflag:s17] =	ssyncadd.s32 $0xFFFFE0C0  }
0x4e: {  	[hbm4b:s3+s1] =	stream.linear.scatter [tilespmem:s18], [sflag:$0x18], $0x1F40, $0x38;
	[tilespmem:$0x1B0D0] =	vst v63  }
0x4f: {  	_ =	swait.ge [sflag:s17], $0x1F40  }
0x50: {  	[sflag:s17] =	ssyncset.done $0x0  }
0x51: {  	s6 =	rddreg [dreg:$0xb];
	[sflag:s17] =	ssyncadd.s32 $0xFFFFE0C0  }
0x52: {  	[tilespmem:s18], [sflag:$0x18] =	stream.strided.gather [hbm4b:s6+s16], $0x1F40, s22, s16, $0x38;
	[tilespmem:$0x1B0D0] =	vst v63  }
0x53: {  	_ =	swait.ge [sflag:s17], $0x1F40  }
0x54: {  	[sflag:s17] =	ssyncset.done $0x0;
	s11 =	rddreg [dreg:$0x14]  }
0x55: {  	[sflag:s17] =	ssyncadd.s32 $0xFFFFE0C0;
	s12 =	sadd.s32 s11, s20  }
0x56: {  	[hbm4b:s12+s1] =	stream.linear.scatter [tilespmem:s18], [sflag:$0x18], $0x1F40, $0x38;
	[tilespmem:$0x1B0D0] =	vst v63  }
0x57: {  	_ =	swait.ge [sflag:s17], $0x1F40  }
0x58: {  	[sflag:s17] =	ssyncset.done $0x0  }
0x59: {  	s13 =	sadd.s32 s11, s4;
	[sflag:s17] =	ssyncadd.s32 $0xFFFFE0C0  }
0x5a: {  	[hbm4b:s13+s1] =	stream.linear.scatter [tilespmem:s18], [sflag:$0x18], $0x1F40, $0x38;
	[tilespmem:$0x1B0D0] =	vst v63  }
0x5b: {  	_ =	swait.ge [sflag:s17], $0x1F40  }
0x5c: {  	[sflag:s17] =	ssyncset.done $0x0  }
0x5d: {  	s15 =	rddreg [dreg:$0xc];
	[sflag:s17] =	ssyncadd.s32 $0xFFFFE0C0  }
0x5e: {  	[tilespmem:s18], [sflag:$0x18] =	stream.strided.gather [hbm4b:s15+s16], $0x1F40, s22, s16, $0x38;
	[tilespmem:$0x1B0D0] =	vst v63  }
0x5f: {  	_ =	swait.ge [sflag:s17], $0x1F40  }
0x60: {  	[sflag:s17] =	ssyncset.done $0x0;
	s21 =	rddreg [dreg:$0x15]  }
0x61: {  	[sflag:s17] =	ssyncadd.s32 $0xFFFFE0C0;
	s23 =	sadd.s32 s21, s20  }
0x62: {  	[hbm4b:s23+s1] =	stream.linear.scatter [tilespmem:s18], [sflag:$0x18], $0x1F40, $0x38;
	[tilespmem:$0x1B0D0] =	vst v63  }
0x63: {  	_ =	swait.ge [sflag:s17], $0x1F40  }
0x64: {  	[sflag:s17] =	ssyncset.done $0x0  }
0x65: {  	s24 =	sadd.s32 s21, s4;
	[sflag:s17] =	ssyncadd.s32 $0xFFFFE0C0  }
0x66: {  	[hbm4b:s24+s1] =	stream.linear.scatter [tilespmem:s18], [sflag:$0x18], $0x1F40, $0x38;
	[tilespmem:$0x1B0D0] =	vst v63  }
0x67: {  	_ =	swait.ge [sflag:s17], $0x1F40  }
0x68: {  	[sflag:s17] =	ssyncset.done $0x0  }
0x69: {  	s25 =	rddreg [dreg:$0xd];
	[sflag:s17] =	ssyncadd.s32 $0xFFFFE0C0  }
0x6a: {  	[tilespmem:s18], [sflag:$0x18] =	stream.strided.gather [hbm4b:s25+s16], $0x1F40, s22, s16, $0x38;
	[tilespmem:$0x1B0D0] =	vst v63  }
0x6b: {  	_ =	swait.ge [sflag:s17], $0x1F40  }
0x6c: {  	[sflag:s17] =	ssyncset.done $0x0;
	s28 =	rddreg [dreg:$0x16]  }
0x6d: {  	[sflag:s17] =	ssyncadd.s32 $0xFFFFE0C0;
	s29 =	sadd.s32 s28, s20  }
0x6e: {  	[hbm4b:s29+s1] =	stream.linear.scatter [tilespmem:s18], [sflag:$0x18], $0x1F40, $0x38;
	[tilespmem:$0x1B0D0] =	vst v63  }
0x6f: {  	_ =	swait.ge [sflag:s17], $0x1F40  }
0x70: {  	[sflag:s17] =	ssyncset.done $0x0  }
0x71: {  	s31 =	sadd.s32 s28, s4;
	[sflag:s17] =	ssyncadd.s32 $0xFFFFE0C0  }
0x72: {  	[hbm4b:s31+s1] =	stream.linear.scatter [tilespmem:s18], [sflag:$0x18], $0x1F40, $0x38;
	[tilespmem:$0x1B0D0] =	vst v63  }
0x73: {  	_ =	swait.ge [sflag:s17], $0x1F40  }
0x74: {  	[sflag:s17] =	ssyncset.done $0x0  }
0x75: {  	v2 =	vimm.f32 @!p0 $0.0e+00;
	[sflag:s17] =	ssyncadd.s32 $0xFFFFE0C0  }
0x76: {  	[tilespmem:$0x19190] =	vst @!p0 v2  }
0x77: {  	[tilespmem:$0x191A0] =	vst @!p0 v2  }
0x78: {  	[tilespmem:$0x191B0] =	vst @!p0 v2  }
0x79: {  	s0 =	simm.s32 @!p0 $0x0;
	s1 =	simm.s32 @!p0 $0x19190;
	s2 =	rddreg [dreg:$0x8];
	[tilespmem:$0x191C0] =	vst @!p0 v2  }
0x7a: {  	[hbm4b:s2+s0] =	stream.linear.scatter @!p0 [tilespmem:s1], [sflag:$0x18], $0x40, $0x38;
	[tilespmem:$0x1B0D0] =	vst v63  }
.Ltmp2:
0x7b: {  	_ = 	snop;
	(pc) =	sbr.rel .LBB2_2-.Ltmp2, $4  }
0x7c: {  	s0 =	simm.s32 @!p0 $0x18  }
0x7d: {  	_ =	swait.ge @!p0 [sflag:s0], $0x40  }
0x7e: {  	[sflag:s0] =	ssyncset.done @!p0 $0x0  }
0x7f: {  	s23 =	simm.s32 $0x0;
	[sflag:s0] =	ssyncadd.s32 @!p0 $0xFFFFFFC0  }
.LBB2_20:
0x80: {  	s23 =	sadd.s32 $0x1, s23  }
0x81: {  	p1 =	sne.s32 s23, $0x3  }
.Ltmp3:
0x82: {  	_ = 	snop;
	(pc) =	sbr.rel @!p1 .LBB2_21-.Ltmp3, $2  }
0x83: {  	_ =	sdelay $0x1  }
0x84: {  	[bflag:$0x0] =	sbarrier.arrive $0xFFFF;
	_ =	sdelay $0x1  }
.LBB2_2:
0x85: {  	[smem:$0x7F4] =	sst s23;
	s1 =	simm.s32 $0x100;
	s0 =	simm.s32 $0x0  }
.LBB2_3:
0x86: {  	p1 =	sne.s32 s1, $0x7C00;
	[tilespmem:s0+$0x191C0] =	vst v1;
	s2 =	smov.u32 s1;
	s1 =	sadd.s32 $0x100, s1  }
.Ltmp4:
0x87: {  	[tilespmem:s0+$0x191B0] =	vst v1;
	(pc) =	sbr.rel @p1 .LBB2_3-.Ltmp4, $3  }
0x88: {  	[tilespmem:s0+$0x19190] =	vst v1  }
0x89: {  	[tilespmem:s0+$0x191A0] =	vst v1;
	_ =	sdelay $0x1  }
0x8a: {  	s0 =	sshra.s32 s2, $0x2  }
0x8b: {  	[tilespmem:s0+$0x191C0] =	vst v1  }
0x8c: {  	[tilespmem:s0+$0x191B0] =	vst v1  }
0x8d: {  	[tilespmem:s0+$0x19190] =	vst v1  }
0x8e: {  	[tilespmem:s0+$0x191A0] =	vst v1;
	s15 =	rddreg [dreg:$0x17]  }
0x8f: {  	[spmem:s15] =	stream.linear.scatter [tilespmem:s26], [sflag:$0x18], $0x1F40, $0x38;
	[tilespmem:$0x1B0D0] =	vst v63  }
0x90: {  	_ =	swait.ge [sflag:s17], $0x1F40  }
0x91: {  	[sflag:s17] =	ssyncset.done $0x0  }
0x92: {  	s16 =	rddreg [dreg:$0x18];
	[sflag:s17] =	ssyncadd.s32 $0xFFFFE0C0  }
0x93: {  	[spmem:s16] =	stream.linear.scatter [tilespmem:s26], [sflag:$0x18], $0x1F40, $0x38;
	[tilespmem:$0x1B0D0] =	vst v63  }
0x94: {  	_ =	swait.ge [sflag:s17], $0x1F40  }
0x95: {  	[sflag:s17] =	ssyncset.done $0x0  }
0x96: {  	s20 =	rddreg [dreg:$0x19];
	[sflag:s17] =	ssyncadd.s32 $0xFFFFE0C0  }
0x97: {  	[spmem:s20] =	stream.linear.scatter [tilespmem:s26], [sflag:$0x18], $0x1F40, $0x38;
	[tilespmem:$0x1B0D0] =	vst v63  }
0x98: {  	_ =	swait.ge [sflag:s17], $0x1F40  }
0x99: {  	[sflag:s17] =	ssyncset.done $0x0  }
0x9a: {  	s21 =	rddreg [dreg:$0x1a];
	[sflag:s17] =	ssyncadd.s32 $0xFFFFE0C0  }
0x9b: {  	[spmem:s21] =	stream.linear.scatter [tilespmem:s26], [sflag:$0x18], $0x1F40, $0x38;
	[tilespmem:$0x1B0D0] =	vst v63  }
0x9c: {  	_ =	swait.ge [sflag:s17], $0x1F40  }
0x9d: {  	[sflag:s17] =	ssyncset.done $0x0  }
0x9e: {  	s22 =	rddreg [dreg:$0x1b];
	[sflag:s17] =	ssyncadd.s32 $0xFFFFE0C0  }
0x9f: {  	[spmem:s22] =	stream.linear.scatter [tilespmem:s26], [sflag:$0x18], $0x1F40, $0x38;
	[tilespmem:$0x1B0D0] =	vst v63  }
0xa0: {  	_ =	swait.ge [sflag:s17], $0x1F40  }
0xa1: {  	[sflag:s17] =	ssyncset.done $0x0  }
0xa2: {  	[sflag:s17] =	ssyncadd.s32 $0xFFFFE0C0  }
0xa3: {  	[bflag:$0x0] =	sbarrier.arrive $0xFFFF  }
0xa4: {  	s23 =	rddreg [dreg:$0x1e]  }
0xa5: {  	s1 =	simm.s32 $0x9C40;
	s20 =	simm.s32 $0x0;
	s24 =	rddreg [dreg:$0xe]  }
0xa6: {  	[tilespmem:s1], [sflag:$0x1] =	stream.linear.gather [hbm4b:s23+s20], $0x190, $0x38;
	[tilespmem:$0x1B0D0] =	vst v63  }
0xa7: {  	s2 =	simm.s32 $0xA0F0;
	s25 =	sld [smem:$0x7F6]  }
0xa8: {  	[tilespmem:s2], [sflag:$0x1] =	stream.linear.gather [hbm4b:s24+s20], $0x50, $0x38;
	[tilespmem:$0x1B0D0] =	vst v63  }
0xa9: {  	s28 =	simm.s32 $0xA140;
	s29 =	sld [smem:$0x7F7]  }
0xaa: {  	[tilespmem:s28], [sflag:$0x1] =	stream.linear.gather [hbm4b:s25+s20], $0x50, $0x38;
	[tilespmem:$0x1B0D0] =	vst v63  }
0xab: {  	s31 =	simm.s32 $0xA190;
	s2 =	sld [smem:$0x7F8]  }
0xac: {  	[tilespmem:s31], [sflag:$0x1] =	stream.linear.gather [hbm4b:s29+s20], $0x50, $0x38;
	[tilespmem:$0x1B0D0] =	vst v63  }
0xad: {  	s3 =	simm.s32 $0xA1E0;
	s6 =	sld [smem:$0x7F9]  }
0xae: {  	[tilespmem:s3], [sflag:$0x1] =	stream.linear.gather [hbm4b:s2+s20], $0x50, $0x38;
	[tilespmem:$0x1B0D0] =	vst v63  }
0xaf: {  	s11 =	simm.s32 $0xA230;
	s12 =	rddreg [dreg:$0xf]  }
0xb0: {  	[tilespmem:s11], [sflag:$0x1] =	stream.linear.gather [hbm4b:s6+s20], $0x50, $0x38;
	[tilespmem:$0x1B0D0] =	vst v63  }
0xb1: {  	s16 =	simm.s32 $0xA5A0;
	s13 =	rddreg [dreg:$0x1f]  }
0xb2: {  	[tilespmem:s16], [sflag:$0x1] =	stream.linear.gather [hbm4b:s12+s20], $0x190, $0x38;
	[tilespmem:$0x1B0D0] =	vst v63  }
0xb3: {  	s15 =	simm.s32 $0x9DD0;
	s21 =	rddreg [dreg:$0x1d]  }
0xb4: {  	[tilespmem:s15], [sflag:$0x2] =	stream.linear.gather [hbm4b:s13+s20], $0x190, $0x38;
	[tilespmem:$0x1B0D0] =	vst v63  }
0xb5: {  	s22 =	simm.s32 $0xA280;
	s23 =	sld [smem:$0x7FA]  }
0xb6: {  	[tilespmem:s22], [sflag:$0x2] =	stream.linear.gather [hbm4b:s21+s20], $0x50, $0x38;
	[tilespmem:$0x1B0D0] =	vst v63  }
0xb7: {  	s24 =	simm.s32 $0xA2D0;
	s25 =	sld [smem:$0x7FB]  }
0xb8: {  	[tilespmem:s24], [sflag:$0x2] =	stream.linear.gather [hbm4b:s23+s20], $0x50, $0x38;
	[tilespmem:$0x1B0D0] =	vst v63  }
0xb9: {  	s28 =	simm.s32 $0xA320;
	s29 =	sld [smem:$0x7FC]  }
0xba: {  	[tilespmem:s28], [sflag:$0x2] =	stream.linear.gather [hbm4b:s25+s20], $0x50, $0x38;
	[tilespmem:$0x1B0D0] =	vst v63  }
0xbb: {  	s31 =	simm.s32 $0xA370;
	s3 =	sld [smem:$0x7FD]  }
0xbc: {  	[tilespmem:s31], [sflag:$0x2] =	stream.linear.gather [hbm4b:s29+s20], $0x50, $0x38;
	[tilespmem:$0x1B0D0] =	vst v63  }
0xbd: {  	s6 =	simm.s32 $0xA3C0  }
0xbe: {  	[tilespmem:s6], [sflag:$0x2] =	stream.linear.gather [hbm4b:s3+s20], $0x50, $0x38;
	[tilespmem:$0x1B0D0] =	vst v63  }
0xbf: {  	s11 =	rddreg [dreg:$0x1c];
	s12 =	simm.s32 $0xA730;
	s13 =	simm.s32 $0x1  }
0xc0: {  	[tilespmem:s12], [sflag:$0x2] =	stream.linear.gather [hbm4b:s11+s20], $0x190, $0x38;
	[tilespmem:$0x1B0D0] =	vst v63  }
0xc1: {  	_ =	swait.ge [sflag:s13], $0x190  }
0xc2: {  	[sflag:s13] =	ssyncset.done $0x0  }
0xc3: {  	[sflag:s13] =	ssyncadd.s32 $0xFFFFFE70  }
0xc4: {  	_ =	swait.ge [sflag:s13], $0x50  }
0xc5: {  	[sflag:s13] =	ssyncset.done $0x0  }
0xc6: {  	[sflag:s13] =	ssyncadd.s32 $0xFFFFFFB0  }
0xc7: {  	_ =	swait.ge [sflag:s13], $0x50  }
0xc8: {  	[sflag:s13] =	ssyncset.done $0x0  }
0xc9: {  	[sflag:s13] =	ssyncadd.s32 $0xFFFFFFB0  }
0xca: {  	_ =	swait.ge [sflag:s13], $0x50  }
0xcb: {  	[sflag:s13] =	ssyncset.done $0x0  }
0xcc: {  	[sflag:s13] =	ssyncadd.s32 $0xFFFFFFB0  }
0xcd: {  	_ =	swait.ge [sflag:s13], $0x50  }
0xce: {  	[sflag:s13] =	ssyncset.done $0x0  }
0xcf: {  	[sflag:s13] =	ssyncadd.s32 $0xFFFFFFB0  }
0xd0: {  	_ =	swait.ge [sflag:s13], $0x50  }
0xd1: {  	[sflag:s13] =	ssyncset.done $0x0  }
0xd2: {  	[sflag:s13] =	ssyncadd.s32 $0xFFFFFFB0  }
0xd3: {  	_ =	swait.ge [sflag:s13], $0x190  }
0xd4: {  	[sflag:s13] =	ssyncset.done $0x0  }
0xd5: {  	[sflag:s13] =	ssyncadd.s32 $0xFFFFFE70  }
0xd6: {  	v2 =	vld [tilespmem:$0x9C40]  }
0xd7: {  	v3 =	vld [tilespmem:$0x9C50]  }
0xd8: {  	v4 =	vld [tilespmem:$0x9C60]  }
0xd9: {  	v5 =	vld [tilespmem:$0x9C70]  }
0xda: {  	v6 =	vld [tilespmem:$0x9C80]  }
0xdb: {  	v7 =	vld [tilespmem:$0x9C90];
	v2 =	vadd.s32 v0, v2  }
0xdc: {  	[tilespmem:$0x9C40] =	vst v2;
	v2 =	vadd.s32 v0, v3;
	v3 =	vld [tilespmem:$0x9CA0]  }
0xdd: {  	v49 =	vld [tilespmem:$0x9CB0];
	[tilespmem:$0x9C50] =	vst v2;
	v2 =	vadd.s32 v0, v4  }
0xde: {  	v50 =	vld [tilespmem:$0x9CC0];
	[tilespmem:$0x9C60] =	vst v2;
	v2 =	vadd.s32 v0, v5  }
0xdf: {  	v51 =	vld [tilespmem:$0x9CD0];
	[tilespmem:$0x9C70] =	vst v2;
	v2 =	vadd.s32 v0, v6  }
0xe0: {  	v52 =	vld [tilespmem:$0x9CE0];
	[tilespmem:$0x9C80] =	vst v2;
	v2 =	vadd.s32 v0, v7  }
0xe1: {  	[tilespmem:$0x9C90] =	vst v2;
	v2 =	vadd.s32 v0, v3;
	v3 =	vld [tilespmem:$0x9CF0]  }
0xe2: {  	v53 =	vld [tilespmem:$0x9D00];
	[tilespmem:$0x9CA0] =	vst v2;
	v2 =	vadd.s32 v0, v49  }
0xe3: {  	v54 =	vld [tilespmem:$0x9D10];
	[tilespmem:$0x9CB0] =	vst v2;
	v2 =	vadd.s32 v0, v50  }
0xe4: {  	v55 =	vld [tilespmem:$0x9D20];
	[tilespmem:$0x9CC0] =	vst v2;
	v2 =	vadd.s32 v0, v51  }
0xe5: {  	v56 =	vld [tilespmem:$0x9D30];
	[tilespmem:$0x9CD0] =	vst v2;
	v2 =	vadd.s32 v0, v52  }
0xe6: {  	[tilespmem:$0x9CE0] =	vst v2;
	v2 =	vadd.s32 v0, v3;
	v3 =	vld [tilespmem:$0x9D40]  }
0xe7: {  	v57 =	vld [tilespmem:$0x9D50];
	[tilespmem:$0x9CF0] =	vst v2;
	v2 =	vadd.s32 v0, v53  }
0xe8: {  	v58 =	vld [tilespmem:$0x9D60];
	[tilespmem:$0x9D00] =	vst v2;
	v2 =	vadd.s32 v0, v54  }
0xe9: {  	v59 =	vld [tilespmem:$0x9D70];
	[tilespmem:$0x9D10] =	vst v2;
	v2 =	vadd.s32 v0, v55  }
0xea: {  	v60 =	vld [tilespmem:$0x9D80];
	[tilespmem:$0x9D20] =	vst v2;
	v2 =	vadd.s32 v0, v56  }
0xeb: {  	[tilespmem:$0x9D30] =	vst v2;
	v2 =	vadd.s32 v0, v3;
	v3 =	vld [tilespmem:$0x9D90]  }
0xec: {  	v61 =	vld [tilespmem:$0x9DA0];
	[tilespmem:$0x9D40] =	vst v2;
	v2 =	vadd.s32 v0, v57  }
0xed: {  	v62 =	vld [tilespmem:$0x9DB0];
	[tilespmem:$0x9D50] =	vst v2;
	v2 =	vadd.s32 v0, v58  }
0xee: {  	v63 =	vld [tilespmem:$0x9DC0];
	[tilespmem:$0x9D60] =	vst v2;
	v2 =	vadd.s32 v0, v59  }
0xef: {  	[tilespmem:$0x9D70] =	vst v2;
	v2 =	vadd.s32 v0, v60  }
0xf0: {  	[tilespmem:$0x9D80] =	vst v2;
	v2 =	vadd.s32 v0, v3  }
0xf1: {  	[tilespmem:$0x9D90] =	vst v2;
	v2 =	vadd.s32 v0, v61  }
0xf2: {  	[tilespmem:$0x9DA0] =	vst v2;
	v2 =	vadd.s32 v0, v62  }
0xf3: {  	[tilespmem:$0x9DB0] =	vst v2;
	v2 =	vadd.s32 v0, v63  }
0xf4: {  	s15 =	simm.s32 $0xAA50;
	[tilespmem:$0x9DC0] =	vst v2  }
0xf5: {  	[tilespmem:s15], [sflag:$0x4] =	stream.indirect.gather [hbm4b:s4+s30], $0x40, s1, s30, $0xb8;
	[tilespmem:$0x1B0D0] =	vst v63  }
0xf6: {  	s21 =	simm.s32 $0x9C90;
	s22 =	simm.s32 $0xBE50  }
0xf7: {  	[tilespmem:s22], [sflag:$0x5] =	stream.indirect.gather [hbm4b:s4+s30], $0x40, s21, s30, $0xb8;
	[tilespmem:$0x1B0D0] =	vst v63  }
0xf8: {  	s23 =	simm.s32 $0x9CE0;
	s24 =	simm.s32 $0xD250  }
0xf9: {  	[tilespmem:s24], [sflag:$0x6] =	stream.indirect.gather [hbm4b:s4+s30], $0x40, s23, s30, $0xb8;
	[tilespmem:$0x1B0D0] =	vst v63  }
0xfa: {  	s25 =	simm.s32 $0x9D30;
	s28 =	simm.s32 $0xE650  }
0xfb: {  	[tilespmem:s28], [sflag:$0x7] =	stream.indirect.gather [hbm4b:s4+s30], $0x40, s25, s30, $0xb8;
	[tilespmem:$0x1B0D0] =	vst v63  }
0xfc: {  	p1 =	por $0x0, $0x0;
	s29 =	simm.s32 $0x9D80;
	s31 =	simm.s32 $0xFA50  }
0xfd: {  	[tilespmem:s31], [sflag:$0x8] =	stream.indirect.gather [hbm4b:s4+s30], $0x40, s29, s30, $0xb8;
	[tilespmem:$0x1B0D0] =	vst v63  }
.LBB2_5:
0xfe: {  	p2 =	seq.s32 s20, $0x31  }
.Ltmp5:
0xff: {  	_ = 	snop;
	(pc) =	sbr.rel @p2 .LBB2_7-.Ltmp5, $1  }
0x100: {  	_ =	sdelay $0x3  }
0x101: {  	s0 =	sadd.s32 $0x1, s20  }
0x102: {  	s1 =	sand.u32 $0xFF, s0  }
0x103: {  	s1 =	smul.u32 $0xAB, s1;
	_ =	sdelay $0x1  }
0x104: {  	s1 =	sshrl.u32 s1, $0x9  }
0x105: {  	s1 =	smul.u32 $0x3, s1;
	_ =	sdelay $0x1  }
0x106: {  	s0 =	ssub.s32 s0, s1  }
0x107: {  	s0 =	sand.u32 $0xFF, s0  }
0x108: {  	s31 =	sadd.s32 $0x1, s0  }
0x109: {  	_ =	swait.ge [sflag:s31], $0x190  }
0x10a: {  	[sflag:s31] =	ssyncset.done $0x0  }
0x10b: {  	[sflag:s31] =	ssyncadd.s32 $0xFFFFFE70  }
0x10c: {  	_ =	swait.ge [sflag:s31], $0x50  }
0x10d: {  	[sflag:s31] =	ssyncset.done $0x0  }
0x10e: {  	[sflag:s31] =	ssyncadd.s32 $0xFFFFFFB0  }
0x10f: {  	_ =	swait.ge [sflag:s31], $0x50  }
0x110: {  	[sflag:s31] =	ssyncset.done $0x0  }
0x111: {  	[sflag:s31] =	ssyncadd.s32 $0xFFFFFFB0  }
0x112: {  	_ =	swait.ge [sflag:s31], $0x50  }
0x113: {  	[sflag:s31] =	ssyncset.done $0x0  }
0x114: {  	[sflag:s31] =	ssyncadd.s32 $0xFFFFFFB0  }
0x115: {  	_ =	swait.ge [sflag:s31], $0x50  }
0x116: {  	[sflag:s31] =	ssyncset.done $0x0  }
0x117: {  	[sflag:s31] =	ssyncadd.s32 $0xFFFFFFB0  }
0x118: {  	_ =	swait.ge [sflag:s31], $0x50  }
0x119: {  	[sflag:s31] =	ssyncset.done $0x0  }
0x11a: {  	[sflag:s31] =	ssyncadd.s32 $0xFFFFFFB0  }
0x11b: {  	s0 =	smul.u32 $0x640, s0;
	_ =	swait.ge [sflag:s31], $0x190  }
0x11c: {  	[sflag:s31] =	ssyncset.done $0x0  }
0x11d: {  	s0 =	sshrl.u32 s0, $0x2;
	[sflag:s31] =	ssyncadd.s32 $0xFFFFFE70  }
0x11e: {  	v2 =	vld [tilespmem:s0+$0x9C40]  }
0x11f: {  	v3 =	vld [tilespmem:s0+$0x9C50]  }
0x120: {  	v4 =	vld [tilespmem:s0+$0x9C60]  }
0x121: {  	v5 =	vld [tilespmem:s0+$0x9C70]  }
0x122: {  	v6 =	vld [tilespmem:s0+$0x9C80]  }
0x123: {  	v7 =	vld [tilespmem:s0+$0x9C90];
	v2 =	vadd.s32 v0, v2  }
0x124: {  	[tilespmem:s0+$0x9C40] =	vst v2;
	v2 =	vadd.s32 v0, v3;
	v3 =	vld [tilespmem:s0+$0x9CA0]  }
0x125: {  	v49 =	vld [tilespmem:s0+$0x9CB0];
	[tilespmem:s0+$0x9C50] =	vst v2;
	v2 =	vadd.s32 v0, v4  }
0x126: {  	v50 =	vld [tilespmem:s0+$0x9CC0];
	[tilespmem:s0+$0x9C60] =	vst v2;
	v2 =	vadd.s32 v0, v5  }
0x127: {  	v51 =	vld [tilespmem:s0+$0x9CD0];
	[tilespmem:s0+$0x9C70] =	vst v2;
	v2 =	vadd.s32 v0, v6  }
0x128: {  	v52 =	vld [tilespmem:s0+$0x9CE0];
	[tilespmem:s0+$0x9C80] =	vst v2;
	v2 =	vadd.s32 v0, v7  }
0x129: {  	[tilespmem:s0+$0x9C90] =	vst v2;
	v2 =	vadd.s32 v0, v3;
	v3 =	vld [tilespmem:s0+$0x9CF0]  }
0x12a: {  	v53 =	vld [tilespmem:s0+$0x9D00];
	[tilespmem:s0+$0x9CA0] =	vst v2;
	v2 =	vadd.s32 v0, v49  }
0x12b: {  	v54 =	vld [tilespmem:s0+$0x9D10];
	[tilespmem:s0+$0x9CB0] =	vst v2;
	v2 =	vadd.s32 v0, v50  }
0x12c: {  	v55 =	vld [tilespmem:s0+$0x9D20];
	[tilespmem:s0+$0x9CC0] =	vst v2;
	v2 =	vadd.s32 v0, v51  }
0x12d: {  	v56 =	vld [tilespmem:s0+$0x9D30];
	[tilespmem:s0+$0x9CD0] =	vst v2;
	v2 =	vadd.s32 v0, v52  }
0x12e: {  	[tilespmem:s0+$0x9CE0] =	vst v2;
	v2 =	vadd.s32 v0, v3;
	v3 =	vld [tilespmem:s0+$0x9D40]  }
0x12f: {  	v57 =	vld [tilespmem:s0+$0x9D50];
	[tilespmem:s0+$0x9CF0] =	vst v2;
	v2 =	vadd.s32 v0, v53  }
0x130: {  	v58 =	vld [tilespmem:s0+$0x9D60];
	[tilespmem:s0+$0x9D00] =	vst v2;
	v2 =	vadd.s32 v0, v54  }
0x131: {  	v59 =	vld [tilespmem:s0+$0x9D70];
	[tilespmem:s0+$0x9D10] =	vst v2;
	v2 =	vadd.s32 v0, v55  }
0x132: {  	v60 =	vld [tilespmem:s0+$0x9D80];
	[tilespmem:s0+$0x9D20] =	vst v2;
	v2 =	vadd.s32 v0, v56  }
0x133: {  	[tilespmem:s0+$0x9D30] =	vst v2;
	v2 =	vadd.s32 v0, v3;
	v3 =	vld [tilespmem:s0+$0x9D90]  }
0x134: {  	v61 =	vld [tilespmem:s0+$0x9DA0];
	[tilespmem:s0+$0x9D40] =	vst v2;
	v2 =	vadd.s32 v0, v57  }
0x135: {  	v62 =	vld [tilespmem:s0+$0x9DB0];
	[tilespmem:s0+$0x9D50] =	vst v2;
	v2 =	vadd.s32 v0, v58  }
0x136: {  	v63 =	vld [tilespmem:s0+$0x9DC0];
	[tilespmem:s0+$0x9D60] =	vst v2;
	v2 =	vadd.s32 v0, v59  }
0x137: {  	[tilespmem:s0+$0x9D70] =	vst v2;
	v2 =	vadd.s32 v0, v60  }
0x138: {  	[tilespmem:s0+$0x9D80] =	vst v2;
	v2 =	vadd.s32 v0, v3  }
0x139: {  	[tilespmem:s0+$0x9D90] =	vst v2;
	v2 =	vadd.s32 v0, v61  }
0x13a: {  	[tilespmem:s0+$0x9DA0] =	vst v2;
	v2 =	vadd.s32 v0, v62  }
0x13b: {  	[tilespmem:s0+$0x9DB0] =	vst v2;
	v2 =	vadd.s32 v0, v63  }
0x13c: {  	[tilespmem:s0+$0x9DC0] =	vst v2  }
.LBB2_7:
0x13d: {  	s0 =	smulhi.u32 $0xAAAAAAAB, s20;
	s21 =	sadd.s32 $0x1, s20  }
0x13e: {  	s11 =	sand.u32 $0x1, s20;
	s2 =	smulhi.u32 $0xAAAAAAAB, s21  }
0x13f: {  	s25 =	smul.u32 $0x19000, s11  }
0x140: {  	s12 =	sxor.u32 $0x1, s11;
	s11 =	smul.u32 $0x5, s11  }
0x141: {  	s13 =	sand.u32 $0x1, s21;
	s12 =	smul.u32 $0x14, s12  }
0x142: {  	s15 =	smul.u32 $0x19000, s13  }
0x143: {  	s1 =	sshrl.u32 s0, $0x1;
	s13 =	smul.u32 $0x14, s13  }
0x144: {  	s0 =	simm.s32 $0x1;
	s6 =	smul.u32 $0xFFFFED40, s1  }
0x145: {  	p2 =	seq.s32 s20, $0x0;
	s0 =	simm.s32 @!p1 $0x0;
	s1 =	smul.u32 $0x3, s1  }
0x146: {  	p3 =	sne.s32 @!p2 s20, $0x31;
	s2 =	sshrl.u32 s2, $0x1;
	s0 =	smul.u32 $0x19000, s0  }
0x147: {  	p3 =	por p2, p3;
	s2 =	smul.u32 $0x3, s2  }
0x148: {  	s29 =	sshrl.u32 s12, $0x2;
	s3 =	sshrl.u32 s15, $0x2;
	s15 =	sshrl.u32 s13, $0x2  }
0x149: {  	s6 =	sshra.s32 s6, $0x2;
	s24 =	sadd.s32 $0xE, s29;
	s2 =	ssub.s32 s21, s2  }
0x14a: {  	s28 =	sadd.s32 $0xAA50, s3;
	s1 =	ssub.s32 s20, s1;
	s2 =	smul.u32 $0x640, s2  }
0x14b: {  	s0 =	sshrl.u32 s0, $0x2;
	s22 =	sadd.s32 s6, s16;
	s23 =	smul.u32 $0x640, s1  }
0x14c: {  	s1 =	sadd.s32 $0x4, s15;
	s0 =	sadd.s32 $0xAC50, s0;
	s2 =	sshrl.u32 s2, $0x2  }
0x14d: {  	s29 =	sshrl.u32 s23, $0x2;
	s31 =	sadd.s32 $0x9C40, s2;
	s2 =	sshrl.u32 s25, $0x2  }
0x14e: {  	s12 =	sadd.s32 $0xA0F0, s29;
	s13 =	sadd.s32 $0xAA50, s2;
	s2 =	simm.s32 $0x0  }
.LBB2_8:
0x14f: {  	s6 =	sadd.s32 @!p2 s2, s24  }
0x150: {  	_ =	swait.ge @!p2 [sflag:s6], $0x1400  }
0x151: {  	s25 =	smul.u32 $0x140, s2;
	[sflag:s6] =	ssyncset.done @!p2 $0x0  }
0x152: {  	[sflag:s6] =	ssyncadd.s32 @!p2 $0xFFFFEC00;
	s6 =	smul.u32 @p3 $0x5000, s2;
	_ =	sdelay $0x1  }
0x153: {  	s15 =	sshra.s32 @p3 s25, $0x2;
	s6 =	sshra.s32 @p3 s6, $0x2  }
0x154: {  	s23 =	sadd.s32 @p3 s2, s1;
	s15 =	sadd.s32 @p3 s15, s31;
	s6 =	sadd.s32 @p3 s6, s28  }
0x155: {  	[tilespmem:s6], [sflag:s23] =	stream.indirect.gather @p3 [hbm4b:s4+s30], $0x40, s15, s30, $0xb8;
	[tilespmem:$0x1B0D0] =	vst v63  }
0x156: {  	s6 =	sadd.s32 s11, s2  }
0x157: {  	s3 =	smul.u32 $0x5000, s2;
	v2 =	vmov s22;
	s15 =	sadd.s32 $0x4, s6  }
0x158: {  	_ =	swait.ge [sflag:s15], $0x1400  }
0x159: {  	s29 =	simm.s32 $0x0;
	s23 =	sshra.s32 s3, $0x2;
	[sflag:s15] =	ssyncset.done $0x0  }
0x15a: {  	[sflag:s15] =	ssyncadd.s32 $0xFFFFEC00;
	s15 =	sadd.s32 s23, s13;
	s23 =	smov.u32 s0  }
.LBB2_9:
0x15b: {  	s3 =	sshra.s32 s29, $0x2  }
0x15c: {  	v3 =	vld.idx.msk [tilespmem:v2+s3+$0x0 ss:$0x1], $0xffff;
	_ =	sdelay $0x1  }
0x15d: {  	v4 =	vld [tilespmem:s23+$0xFFFFFE00];
	_ =	sdelay $0x1  }
0x15e: {  	v43 =	vld [tilespmem:s23+$0xFFFFFE10]  }
0x15f: {  	v5 =	vbroadcast v3, $0x0  }
0x160: {  	v44 =	vld [tilespmem:s23+$0xFFFFFE20]  }
0x161: {  	v4 =	vmul.f32 v5, v4  }
0x162: {  	v45 =	vld [tilespmem:s23+$0xFFFFFE30]  }
0x163: {  	[tilespmem:s23+$0xFFFFFE00] =	vst v4;
	v4 =	vmul.f32 v43, v5  }
0x164: {  	v46 =	vld [tilespmem:s23+$0xFFFFFE40]  }
0x165: {  	[tilespmem:s23+$0xFFFFFE10] =	vst v4;
	v4 =	vmul.f32 v44, v5  }
0x166: {  	v48 =	vld [tilespmem:s23+$0xFFFFFE50]  }
0x167: {  	v47 =	vbroadcast v3, $0x1;
	[tilespmem:s23+$0xFFFFFE20] =	vst v4;
	v4 =	vmul.f32 v45, v5  }
0x168: {  	v49 =	vld [tilespmem:s23+$0xFFFFFE60]  }
0x169: {  	[tilespmem:s23+$0xFFFFFE30] =	vst v4;
	v4 =	vmul.f32 v46, v47  }
0x16a: {  	v50 =	vld [tilespmem:s23+$0xFFFFFE70]  }
0x16b: {  	[tilespmem:s23+$0xFFFFFE40] =	vst v4;
	v4 =	vmul.f32 v48, v47  }
0x16c: {  	v51 =	vld [tilespmem:s23+$0xFFFFFE80]  }
0x16d: {  	[tilespmem:s23+$0xFFFFFE50] =	vst v4;
	v4 =	vmul.f32 v49, v47  }
0x16e: {  	v53 =	vld [tilespmem:s23+$0xFFFFFE90]  }
0x16f: {  	v52 =	vbroadcast v3, $0x2;
	[tilespmem:s23+$0xFFFFFE60] =	vst v4;
	v4 =	vmul.f32 v50, v47  }
0x170: {  	v54 =	vld [tilespmem:s23+$0xFFFFFEA0]  }
0x171: {  	[tilespmem:s23+$0xFFFFFE70] =	vst v4;
	v4 =	vmul.f32 v51, v52  }
0x172: {  	v55 =	vld [tilespmem:s23+$0xFFFFFEB0]  }
0x173: {  	[tilespmem:s23+$0xFFFFFE80] =	vst v4;
	v4 =	vmul.f32 v53, v52  }
0x174: {  	v56 =	vld [tilespmem:s23+$0xFFFFFEC0]  }
0x175: {  	[tilespmem:s23+$0xFFFFFE90] =	vst v4;
	v4 =	vmul.f32 v54, v52  }
0x176: {  	v58 =	vld [tilespmem:s23+$0xFFFFFED0]  }
0x177: {  	v57 =	vbroadcast v3, $0x3;
	[tilespmem:s23+$0xFFFFFEA0] =	vst v4;
	v4 =	vmul.f32 v55, v52  }
0x178: {  	v59 =	vld [tilespmem:s23+$0xFFFFFEE0]  }
0x179: {  	[tilespmem:s23+$0xFFFFFEB0] =	vst v4;
	v4 =	vmul.f32 v56, v57  }
0x17a: {  	v60 =	vld [tilespmem:s23+$0xFFFFFEF0]  }
0x17b: {  	[tilespmem:s23+$0xFFFFFEC0] =	vst v4;
	v4 =	vmul.f32 v58, v57  }
0x17c: {  	v61 =	vld [tilespmem:s23+$0xFFFFFF00]  }
0x17d: {  	[tilespmem:s23+$0xFFFFFED0] =	vst v4;
	v4 =	vmul.f32 v59, v57  }
0x17e: {  	v63 =	vld [tilespmem:s23+$0xFFFFFF10]  }
0x17f: {  	v62 =	vbroadcast v3, $0x4;
	[tilespmem:s23+$0xFFFFFEE0] =	vst v4;
	v4 =	vmul.f32 v60, v57  }
0x180: {  	v8 =	vld [tilespmem:s23+$0xFFFFFF20]  }
0x181: {  	[tilespmem:s23+$0xFFFFFEF0] =	vst v4;
	v4 =	vmul.f32 v61, v62  }
0x182: {  	v9 =	vld [tilespmem:s23+$0xFFFFFF30]  }
0x183: {  	[tilespmem:s23+$0xFFFFFF00] =	vst v4;
	v4 =	vmul.f32 v63, v62  }
0x184: {  	v10 =	vld [tilespmem:s23+$0xFFFFFF40]  }
0x185: {  	[tilespmem:s23+$0xFFFFFF10] =	vst v4;
	v4 =	vmul.f32 v8, v62  }
0x186: {  	v12 =	vld [tilespmem:s23+$0xFFFFFF50]  }
0x187: {  	v11 =	vbroadcast v3, $0x5;
	[tilespmem:s23+$0xFFFFFF20] =	vst v4;
	v4 =	vmul.f32 v9, v62  }
0x188: {  	v13 =	vld [tilespmem:s23+$0xFFFFFF60]  }
0x189: {  	[tilespmem:s23+$0xFFFFFF30] =	vst v4;
	v4 =	vmul.f32 v10, v11  }
0x18a: {  	v14 =	vld [tilespmem:s23+$0xFFFFFF70]  }
0x18b: {  	[tilespmem:s23+$0xFFFFFF40] =	vst v4;
	v4 =	vmul.f32 v12, v11  }
0x18c: {  	v15 =	vld [tilespmem:s23+$0xFFFFFF80]  }
0x18d: {  	[tilespmem:s23+$0xFFFFFF50] =	vst v4;
	v4 =	vmul.f32 v13, v11  }
0x18e: {  	v17 =	vld [tilespmem:s23+$0xFFFFFF90]  }
0x18f: {  	v16 =	vbroadcast v3, $0x6;
	[tilespmem:s23+$0xFFFFFF60] =	vst v4;
	v4 =	vmul.f32 v14, v11  }
0x190: {  	v18 =	vld [tilespmem:s23+$0xFFFFFFA0]  }
0x191: {  	[tilespmem:s23+$0xFFFFFF70] =	vst v4;
	v4 =	vmul.f32 v15, v16  }
0x192: {  	v19 =	vld [tilespmem:s23+$0xFFFFFFB0]  }
0x193: {  	[tilespmem:s23+$0xFFFFFF80] =	vst v4;
	v4 =	vmul.f32 v17, v16  }
0x194: {  	v20 =	vld [tilespmem:s23+$0xFFFFFFC0]  }
0x195: {  	[tilespmem:s23+$0xFFFFFF90] =	vst v4;
	v4 =	vmul.f32 v18, v16  }
0x196: {  	v22 =	vld [tilespmem:s23+$0xFFFFFFD0]  }
0x197: {  	v21 =	vbroadcast v3, $0x7;
	[tilespmem:s23+$0xFFFFFFA0] =	vst v4;
	v4 =	vmul.f32 v19, v16  }
0x198: {  	v23 =	vld [tilespmem:s23+$0xFFFFFFE0]  }
0x199: {  	[tilespmem:s23+$0xFFFFFFB0] =	vst v4;
	v4 =	vmul.f32 v20, v21  }
0x19a: {  	v24 =	vld [tilespmem:s23+$0xFFFFFFF0]  }
0x19b: {  	[tilespmem:s23+$0xFFFFFFC0] =	vst v4;
	v4 =	vmul.f32 v22, v21  }
0x19c: {  	v25 =	vld [tilespmem:s23+$0x0]  }
0x19d: {  	[tilespmem:s23+$0xFFFFFFD0] =	vst v4;
	v4 =	vmul.f32 v23, v21  }
0x19e: {  	v27 =	vld [tilespmem:s23+$0x10]  }
0x19f: {  	v26 =	vbroadcast v3, $0x8;
	[tilespmem:s23+$0xFFFFFFE0] =	vst v4;
	v4 =	vmul.f32 v24, v21  }
0x1a0: {  	v28 =	vld [tilespmem:s23+$0x20]  }
0x1a1: {  	[tilespmem:s23+$0xFFFFFFF0] =	vst v4;
	v4 =	vmul.f32 v25, v26  }
0x1a2: {  	v29 =	vld [tilespmem:s23+$0x30]  }
0x1a3: {  	[tilespmem:s23+$0x0] =	vst v4;
	v4 =	vmul.f32 v27, v26  }
0x1a4: {  	v30 =	vld [tilespmem:s23+$0x40]  }
0x1a5: {  	[tilespmem:s23+$0x10] =	vst v4;
	v4 =	vmul.f32 v28, v26  }
0x1a6: {  	v32 =	vld [tilespmem:s23+$0x50]  }
0x1a7: {  	v31 =	vbroadcast v3, $0x9;
	[tilespmem:s23+$0x20] =	vst v4;
	v4 =	vmul.f32 v29, v26  }
0x1a8: {  	v33 =	vld [tilespmem:s23+$0x60]  }
0x1a9: {  	[tilespmem:s23+$0x30] =	vst v4;
	v4 =	vmul.f32 v30, v31  }
0x1aa: {  	v34 =	vld [tilespmem:s23+$0x70]  }
0x1ab: {  	[tilespmem:s23+$0x40] =	vst v4;
	v4 =	vmul.f32 v32, v31  }
0x1ac: {  	v35 =	vld [tilespmem:s23+$0x80]  }
0x1ad: {  	[tilespmem:s23+$0x50] =	vst v4;
	v4 =	vmul.f32 v33, v31  }
0x1ae: {  	v37 =	vld [tilespmem:s23+$0x90]  }
0x1af: {  	v36 =	vbroadcast v3, $0xA;
	[tilespmem:s23+$0x60] =	vst v4;
	v4 =	vmul.f32 v34, v31  }
0x1b0: {  	v38 =	vld [tilespmem:s23+$0xA0]  }
0x1b1: {  	[tilespmem:s23+$0x70] =	vst v4;
	v4 =	vmul.f32 v35, v36  }
0x1b2: {  	v39 =	vld [tilespmem:s23+$0xB0]  }
0x1b3: {  	[tilespmem:s23+$0x80] =	vst v4;
	v4 =	vmul.f32 v37, v36  }
0x1b4: {  	v40 =	vld [tilespmem:s23+$0xC0]  }
0x1b5: {  	[tilespmem:s23+$0x90] =	vst v4;
	v4 =	vmul.f32 v38, v36  }
0x1b6: {  	v42 =	vld [tilespmem:s23+$0xD0]  }
0x1b7: {  	v41 =	vbroadcast v3, $0xB;
	[tilespmem:s23+$0xA0] =	vst v4;
	v4 =	vmul.f32 v39, v36  }
0x1b8: {  	v43 =	vld [tilespmem:s23+$0xE0]  }
0x1b9: {  	[tilespmem:s23+$0xB0] =	vst v4;
	v4 =	vmul.f32 v40, v41  }
0x1ba: {  	v44 =	vld [tilespmem:s23+$0xF0]  }
0x1bb: {  	[tilespmem:s23+$0xC0] =	vst v4;
	v4 =	vmul.f32 v42, v41  }
0x1bc: {  	v45 =	vld [tilespmem:s23+$0x100]  }
0x1bd: {  	[tilespmem:s23+$0xD0] =	vst v4;
	v4 =	vmul.f32 v43, v41  }
0x1be: {  	v47 =	vld [tilespmem:s23+$0x110]  }
0x1bf: {  	v46 =	vbroadcast v3, $0xC;
	[tilespmem:s23+$0xE0] =	vst v4;
	v4 =	vmul.f32 v44, v41  }
0x1c0: {  	v48 =	vld [tilespmem:s23+$0x120]  }
0x1c1: {  	[tilespmem:s23+$0xF0] =	vst v4;
	v4 =	vmul.f32 v45, v46  }
0x1c2: {  	v49 =	vld [tilespmem:s23+$0x130]  }
0x1c3: {  	[tilespmem:s23+$0x100] =	vst v4;
	v4 =	vmul.f32 v47, v46  }
0x1c4: {  	v50 =	vld [tilespmem:s23+$0x140]  }
0x1c5: {  	[tilespmem:s23+$0x110] =	vst v4;
	v4 =	vmul.f32 v48, v46  }
0x1c6: {  	v52 =	vld [tilespmem:s23+$0x150]  }
0x1c7: {  	v51 =	vbroadcast v3, $0xD;
	[tilespmem:s23+$0x120] =	vst v4;
	v4 =	vmul.f32 v49, v46  }
0x1c8: {  	v53 =	vld [tilespmem:s23+$0x160]  }
0x1c9: {  	[tilespmem:s23+$0x130] =	vst v4;
	v4 =	vmul.f32 v50, v51  }
0x1ca: {  	v54 =	vld [tilespmem:s23+$0x170]  }
0x1cb: {  	[tilespmem:s23+$0x140] =	vst v4;
	v4 =	vmul.f32 v52, v51  }
0x1cc: {  	v55 =	vld [tilespmem:s23+$0x180]  }
0x1cd: {  	[tilespmem:s23+$0x150] =	vst v4;
	v4 =	vmul.f32 v53, v51  }
0x1ce: {  	v57 =	vld [tilespmem:s23+$0x190]  }
0x1cf: {  	v56 =	vbroadcast v3, $0xE;
	[tilespmem:s23+$0x160] =	vst v4;
	v4 =	vmul.f32 v54, v51  }
0x1d0: {  	v58 =	vld [tilespmem:s23+$0x1A0]  }
0x1d1: {  	[tilespmem:s23+$0x170] =	vst v4;
	v4 =	vmul.f32 v55, v56  }
0x1d2: {  	v59 =	vld [tilespmem:s23+$0x1B0]  }
0x1d3: {  	[tilespmem:s23+$0x180] =	vst v4;
	v4 =	vmul.f32 v57, v56  }
0x1d4: {  	v60 =	vld [tilespmem:s23+$0x1C0]  }
0x1d5: {  	[tilespmem:s23+$0x190] =	vst v4;
	v4 =	vmul.f32 v58, v56  }
0x1d6: {  	v61 =	vld [tilespmem:s23+$0x1D0]  }
0x1d7: {  	v3 =	vbroadcast v3, $0xF;
	[tilespmem:s23+$0x1A0] =	vst v4;
	v4 =	vmul.f32 v59, v56  }
0x1d8: {  	v62 =	vld [tilespmem:s23+$0x1E0]  }
0x1d9: {  	v63 =	vld [tilespmem:s23+$0x1F0];
	[tilespmem:s23+$0x1B0] =	vst v4;
	v4 =	vmul.f32 v60, v3;
	_ =	sdelay $0x1  }
0x1da: {  	p4 =	sne.s32 s29, $0x100;
	[tilespmem:s23+$0x1C0] =	vst v4;
	v4 =	vmul.f32 v61, v3  }
.Ltmp6:
0x1db: {  	_ = 	snop;
	(pc) =	sbr.rel @p4 .LBB2_9-.Ltmp6, $4  }
0x1dc: {  	[tilespmem:s23+$0x1D0] =	vst v4;
	v4 =	vmul.f32 v62, v3  }
0x1dd: {  	v3 =	vmul.f32 v63, v3  }
0x1de: {  	[tilespmem:s23+$0x1E0] =	vst v4  }
0x1df: {  	s29 =	sadd.s32 $0x40, s29;
	[tilespmem:s23+$0x1F0] =	vst v3;
	s23 =	sadd.s32 $0x400, s23  }
0x1e0: {  	s2 =	sadd.s32 $0x1, s2  }
0x1e1: {  	p4 =	sne.s32 s2, $0x5  }
.Ltmp7:
0x1e2: {  	_ = 	snop;
	(pc) =	sbr.rel @p4 .LBB2_8-.Ltmp7, $4  }
0x1e3: {  	_ = 	snop  }
0x1e4: {  	s3 =	sshra.s32 s25, $0x2;
	s6 =	sadd.s32 $0xE, s6  }
0x1e5: {  	s22 =	sadd.s32 $0x50, s22;
	s0 =	sadd.s32 $0x1400, s0;
	s3 =	sadd.s32 s3, s12  }
0x1e6: {  	[spmem:s5] =	stream.indirect.scatter.add.f32 [tilespmem:s15], [sflag:s6], $0x40, s3, s30, $0xb8;
	[tilespmem:$0x1B0D0] =	vst v63  }
0x1e7: {  	p2 =	sgt.u32 s20, $0x2F  }
0x1e8: {  	s0 =	sadd.s32 @!p2 $0x2, s20  }
0x1e9: {  	s1 =	smul.u32 @!p2 $0xAB, s0;
	_ =	sdelay $0x1  }
0x1ea: {  	s1 =	sshrl.u32 @!p2 s1, $0x9  }
0x1eb: {  	s1 =	sand.u32 @!p2 $0x7F, s1  }
0x1ec: {  	s1 =	smul.u32 @!p2 $0x3, s1  }
0x1ed: {  	s2 =	smul.u32 @!p2 $0x190, s0  }
0x1ee: {  	s0 =	ssub.s32 @!p2 s0, s1  }
0x1ef: {  	s1 =	sadd.s32 @!p2 s9, s2;
	s0 =	sand.u32 @!p2 $0xFF, s0  }
0x1f0: {  	s1 =	sshrl.u32 @!p2 s1, $0x3;
	s2 =	smul.u32 @!p2 $0x190, s0  }
0x1f1: {  	s12 =	simm.s32 @!p2 $0x0;
	s3 =	sadd.s32 @!p2 s8, s1  }
0x1f2: {  	s0 =	sadd.s32 @!p2 $0x1, s0;
	s11 =	sadd.s32 @!p2 $0x9C40, s3;
	s6 =	sadd.s32 @!p2 $0x9C40, s2  }
0x1f3: {  	[tilespmem:s6], [sflag:s0] =	stream.linear.gather @!p2 [hbm4b:s11+s12], $0x190, $0x38;
	[tilespmem:$0x1B0D0] =	vst v63  }
0x1f4: {  	s6 =	sadd.s32 @!p2 $0xA0F0, s2  }
0x1f5: {  	[tilespmem:s6], [sflag:s0] =	stream.linear.gather @!p2 [hbm4b:s3+s12], $0x50, $0x38;
	[tilespmem:$0x1B0D0] =	vst v63  }
0x1f6: {  	s11 =	sadd.s32 @!p2 $0xA, s3;
	s6 =	sadd.s32 @!p2 $0xA140, s2  }
0x1f7: {  	[tilespmem:s6], [sflag:s0] =	stream.linear.gather @!p2 [hbm4b:s11+s12], $0x50, $0x38;
	[tilespmem:$0x1B0D0] =	vst v63  }
0x1f8: {  	s6 =	sadd.s32 @!p2 $0xA190, s2;
	s11 =	sadd.s32 @!p2 $0x14, s3  }
0x1f9: {  	[tilespmem:s6], [sflag:s0] =	stream.linear.gather @!p2 [hbm4b:s11+s12], $0x50, $0x38;
	[tilespmem:$0x1B0D0] =	vst v63  }
0x1fa: {  	s6 =	sadd.s32 @!p2 $0xA1E0, s2;
	s11 =	sadd.s32 @!p2 $0x1E, s3  }
0x1fb: {  	[tilespmem:s6], [sflag:s0] =	stream.linear.gather @!p2 [hbm4b:s11+s12], $0x50, $0x38;
	[tilespmem:$0x1B0D0] =	vst v63  }
0x1fc: {  	s3 =	sadd.s32 @!p2 $0x28, s3;
	s6 =	sadd.s32 @!p2 $0xA230, s2  }
0x1fd: {  	[tilespmem:s6], [sflag:s0] =	stream.linear.gather @!p2 [hbm4b:s3+s12], $0x50, $0x38;
	[tilespmem:$0x1B0D0] =	vst v63  }
0x1fe: {  	s1 =	sadd.s32 @!p2 s19, s1;
	s2 =	sadd.s32 @!p2 $0xA5A0, s2  }
0x1ff: {  	[tilespmem:s2], [sflag:s0] =	stream.linear.gather @!p2 [hbm4b:s1+s12], $0x190, $0x38;
	[tilespmem:$0x1B0D0] =	vst v63  }
0x200: {  	p2 =	sne.s32 s21, $0x32  }
.Ltmp8:
0x201: {  	_ = 	snop;
	(pc) =	sbr.rel @p2 .LBB2_5-.Ltmp8, $2  }
0x202: {  	_ =	sdelay $0x2  }
0x203: {  	s16 =	sadd.s32 $0x190, s16;
	p1 =	por !p1, !p1;
	s20 =	smov.u32 s21  }
0x204: {  	s0 =	simm.s32 $0x13  }
0x205: {  	_ =	swait.ge [sflag:s0], $0x1400  }
0x206: {  	[sflag:s0] =	ssyncset.done $0x0  }
0x207: {  	s25 =	simm.s32 $0x14;
	[sflag:s0] =	ssyncadd.s32 $0xFFFFEC00  }
0x208: {  	_ =	swait.ge [sflag:s25], $0x1400  }
0x209: {  	[sflag:s25] =	ssyncset.done $0x0  }
0x20a: {  	s28 =	simm.s32 $0x15;
	[sflag:s25] =	ssyncadd.s32 $0xFFFFEC00  }
0x20b: {  	_ =	swait.ge [sflag:s28], $0x1400  }
0x20c: {  	[sflag:s28] =	ssyncset.done $0x0  }
0x20d: {  	s29 =	simm.s32 $0x16;
	[sflag:s28] =	ssyncadd.s32 $0xFFFFEC00  }
0x20e: {  	_ =	swait.ge [sflag:s29], $0x1400  }
0x20f: {  	[sflag:s29] =	ssyncset.done $0x0  }
0x210: {  	s31 =	simm.s32 $0x17;
	[sflag:s29] =	ssyncadd.s32 $0xFFFFEC00  }
0x211: {  	_ =	swait.ge [sflag:s31], $0x1400  }
0x212: {  	[sflag:s31] =	ssyncset.done $0x0  }
0x213: {  	[sflag:s31] =	ssyncadd.s32 $0xFFFFEC00  }
.Ltmp9:
0x214: {  	[bflag:$0x0] =	sbarrier.arrive $0xFFFF;
	(pc) =	sbr.rel .LBB2_13-.Ltmp9, $4  }
0x215: {  	s23 =	sld [smem:$0x7F4]  }
0x216: {  	s1 =	simm.s32 $0x0;
	s15 =	rddreg [dreg:$0x3]  }
0x217: {  	s16 =	simm.s32 $0x40;
	s22 =	simm.s32 $0x80;
	s20 =	rddreg [dreg:$0x4]  }
0x218: {  	s0 =	simm.s32 $0x0;
	s21 =	rddreg [dreg:$0x10];
	p1 =	sne.s32 s23, $0x2  }
.LBB2_18:
0x219: {  	v5 =	vld [tilespmem:s6+$0x191C0];
	_ =	sdelay $0x1  }
0x21a: {  	v2 =	vmul.f32 $2.500000000e-01, v2  }
0x21b: {  	v4 =	vmul.f32 $2.500000000e-01, v4  }
0x21c: {  	s2 =	sshll.u32 s2, $0x7;
	[tilespmem:s6+$0x19190] =	vst v2;
	v2 =	vmul.f32 $2.500000000e-01, v3  }
0x21d: {  	s2 =	sadd.s32 s21, s2;
	[tilespmem:s6+$0x191A0] =	vst v4;
	v3 =	vmul.f32 $2.500000000e-01, v5  }
0x21e: {  	s2 =	sshrl.u32 s2, $0x3;
	[tilespmem:s6+$0x191B0] =	vst v2  }
0x21f: {  	s2 =	sadd.s32 s15, s2;
	[tilespmem:s6+$0x191C0] =	vst v3  }
0x220: {  	[hbm4b:s2+s16] =	stream.strided.scatter [tilespmem:s26], [sflag:$0x18], $0x1F40, s22, s16, $0x38;
	[tilespmem:$0x1B0D0] =	vst v63  }
0x221: {  	_ =	swait.ge [sflag:s17], $0x1F40  }
0x222: {  	[sflag:s17] =	ssyncset.done $0x0  }
0x223: {  	[sflag:s17] =	ssyncadd.s32 $0xFFFFE0C0  }
.LBB2_19:
0x224: {  	s1 =	sadd.s32 $0x1, s1  }
0x225: {  	p2 =	sne.s32 s1, $0x5  }
.Ltmp10:
0x226: {  	_ = 	snop;
	(pc) =	sbr.rel @!p2 .LBB2_20-.Ltmp10, $1  }
0x227: {  	_ =	sdelay $0x3  }
.LBB2_13:
0x228: {  	s2 =	smul.u32 $0x7D, s1;
	_ =	sdelay $0x1  }
0x229: {  	s2 =	sadd.s32 s7, s2  }
0x22a: {  	s3 =	sshll.u32 s2, $0x6  }
0x22b: {  	s3 =	sand.u32 $0x3FFFFFC0, s3  }
0x22c: {  	s3 =	sadd.s32 s3, s5  }
0x22d: {  	[tilespmem:s18], [sflag:$0x19] =	stream.linear.gather [spmem:s3], $0x1F40, $0x38;
	[tilespmem:$0x1B0D0] =	vst v63  }
0x22e: {  	s31 =	sadd.s32 s10, s2;
	_ =	swait.ge [sflag:s14], $0x1F40  }
0x22f: {  	s6 =	sshll.u32 s31, $0x3;
	[sflag:s14] =	ssyncset.done $0x0  }
0x230: {  	s11 =	sadd.s32 s6, s20;
	[sflag:s14] =	ssyncadd.s32 $0xFFFFE0C0  }
0x231: {  	[tilespmem:s26], [sflag:$0x19] =	stream.linear.gather [hbm4b:s11+s0], $0x1F40, $0x38;
	[tilespmem:$0x1B0D0] =	vst v63  }
0x232: {  	_ =	swait.ge [sflag:s14], $0x1F40  }
0x233: {  	[sflag:s14] =	ssyncset.done $0x0  }
0x234: {  	s12 =	simm.s32 $0x0;
	[sflag:s14] =	ssyncadd.s32 $0xFFFFE0C0  }
0x235: {  	v7 =	vld [tilespmem:s12+$0x17250]  }
0x236: {  	v8 =	vld [tilespmem:s12+$0x17260]  }
0x237: {  	v3 =	vld [tilespmem:s12+$0x17270]  }
0x238: {  	v2 =	vld [tilespmem:s12+$0x17280]  }
0x239: {  	v4 =	vld [tilespmem:s12+$0x19190]  }
0x23a: {  	v6 =	vld [tilespmem:s12+$0x191A0]  }
0x23b: {  	s13 =	simm.s32 $0x100;
	v5 =	vld [tilespmem:s12+$0x191B0]  }
.LBB2_14:
0x23c: {  	s3 =	sshra.s32 s13, $0x2;
	p2 =	sne.s32 s13, $0x7C00;
	v9 =	vld [tilespmem:s12+$0x191C0];
	v10 =	vmov v3  }
0x23d: {  	v11 =	vld [tilespmem:s3+$0x17250];
	v12 =	vmov v2  }
0x23e: {  	v13 =	vld [tilespmem:s3+$0x17260];
	v4 =	vadd.f32 v7, v4  }
.Ltmp11:
0x23f: {  	v3 =	vld [tilespmem:s3+$0x17270];
	v6 =	vadd.f32 v8, v6;
	(pc) =	sbr.rel @p2 .LBB2_14-.Ltmp11, $4  }
0x240: {  	v2 =	vld [tilespmem:s3+$0x17280];
	[tilespmem:s12+$0x19190] =	vst v4;
	v5 =	vadd.f32 v10, v5  }
0x241: {  	v4 =	vld [tilespmem:s3+$0x19190];
	[tilespmem:s12+$0x191A0] =	vst v6;
	v9 =	vadd.f32 v12, v9  }
0x242: {  	v6 =	vld [tilespmem:s3+$0x191A0];
	[tilespmem:s12+$0x191B0] =	vst v5;
	v7 =	vmov v11  }
0x243: {  	s13 =	sadd.s32 $0x100, s13;
	v5 =	vld [tilespmem:s3+$0x191B0];
	[tilespmem:s12+$0x191C0] =	vst v9;
	v8 =	vmov v13;
	s12 =	smov.u32 s3  }
0x244: {  	v9 =	vld [tilespmem:s12+$0x191C0];
	_ =	sdelay $0x1  }
0x245: {  	v4 =	vadd.f32 v7, v4  }
0x246: {  	v6 =	vadd.f32 v8, v6  }
0x247: {  	[tilespmem:s12+$0x19190] =	vst v4;
	v3 =	vadd.f32 v3, v5  }
0x248: {  	[tilespmem:s12+$0x191A0] =	vst v6;
	v2 =	vadd.f32 v2, v9  }
0x249: {  	[tilespmem:s12+$0x191B0] =	vst v3  }
0x24a: {  	s3 =	simm.s32 $0x0;
	[tilespmem:s12+$0x191C0] =	vst v2  }
0x24b: {  	[hbm4b:s11+s3] =	stream.linear.scatter [tilespmem:s26], [sflag:$0x19], $0x1F40, $0x38;
	[tilespmem:$0x1B0D0] =	vst v63  }
0x24c: {  	_ =	swait.ge [sflag:s14], $0x1F40  }
0x24d: {  	[sflag:s14] =	ssyncset.done $0x0  }
.Ltmp12:
0x24e: {  	s6 =	sadd.s32 s6, s4;
	[sflag:s14] =	ssyncadd.s32 $0xFFFFE0C0;
	(pc) =	sbr.rel @p1 .LBB2_19-.Ltmp12, $4  }
0x24f: {  	[hbm4b:s6+s3] =	stream.linear.scatter [tilespmem:s18], [sflag:$0x19], $0x1F40, $0x38;
	[tilespmem:$0x1B0D0] =	vst v63  }
0x250: {  	_ =	swait.ge [sflag:s14], $0x1F40  }
0x251: {  	[sflag:s14] =	ssyncset.done $0x0  }
0x252: {  	[sflag:s14] =	ssyncadd.s32 $0xFFFFE0C0  }
0x253: {  	s6 =	simm.s32 $0x0  }
0x254: {  	v2 =	vld [tilespmem:s6+$0x19190]  }
0x255: {  	v4 =	vld [tilespmem:s6+$0x191A0]  }
0x256: {  	s11 =	simm.s32 $0x100;
	v3 =	vld [tilespmem:s6+$0x191B0]  }
.LBB2_17:
0x257: {  	p2 =	sne.s32 s11, $0x7C00;
	v5 =	vld [tilespmem:s6+$0x191C0];
	_ =	sdelay $0x1  }
0x258: {  	v2 =	vmul.f32 $2.500000000e-01, v2  }
.Ltmp13:
0x259: {  	v4 =	vmul.f32 $2.500000000e-01, v4;
	(pc) =	sbr.rel @p2 .LBB2_17-.Ltmp13, $4  }
0x25a: {  	s3 =	sshra.s32 s11, $0x2;
	v3 =	vmul.f32 $2.500000000e-01, v3;
	[tilespmem:s6+$0x19190] =	vst v2  }
0x25b: {  	v2 =	vld [tilespmem:s3+$0x19190];
	[tilespmem:s6+$0x191A0] =	vst v4;
	v5 =	vmul.f32 $2.500000000e-01, v5  }
0x25c: {  	v4 =	vld [tilespmem:s3+$0x191A0];
	[tilespmem:s6+$0x191B0] =	vst v3  }
0x25d: {  	s11 =	sadd.s32 $0x100, s11;
	v3 =	vld [tilespmem:s3+$0x191B0];
	[tilespmem:s6+$0x191C0] =	vst v5;
	s6 =	smov.u32 s3  }
.Ltmp14:
0x25e: {  	_ = 	snop;
	(pc) =	sbr.rel .LBB2_18-.Ltmp14, $1  }
0x25f: {  	_ =	sdelay $0x3  }
.LBB2_22:
0x260: {  	_ =	sfence.sel $0x180000  }
0x261: {  	[bflag:$0x0] =	sbarrier.arrive $0xFFFF  }
0x262: {  	_ =	strace $0x90000047  }
0x263: {  	[bflag:$0x2] =	sbarrier.arrive $0xFFFF  }
0x264: {  	s0 =	rddreg [dreg:$0x7]  }
0x265: {  	s0 =	sadd.s32 @!p0 $0x100000, s0  }
0x266: {  	[sflag:s0] =	ssyncadd.tile.s32 @!p0 $0x1;
	_ =	shalt  }
.Lfunc_end2:
_tile_overlayer_lowered:
.L_overlay_start_2:
0x267: {  	(tag) =	ssettag $0x2  }
0x268: {  	s0 =	rddreg [dreg:$0x0];
	s2 =	stileid.u32  }
0x269: {  	s1 =	rddreg [dreg:$0x1];
	p0 =	sne.s32 s2, $0x0  }
0x26a: {  	s3 =	rddreg [dreg:$0x2];
	[bflag:$0x3] =	sbarrier.arrive $0xFFFF;
	s2 =	simm.s32 @!p0 $0x1C18  }
0x26b: {  	[timem:s3], [sflag:s2] =	dma.local @!p0 [hbm:s0], s1  }
0x26c: {  	s0 =	simm.s32 @!p0 $0x18  }
0x26d: {  	_ =	swait.ge @!p0 [sflag:s0], s1  }
0x26e: {  	s1 =	ssub.s32 @!p0 $0x0, s1;
	[sflag:s0] =	ssyncset.done @!p0 $0x0  }
0x26f: {  	[sflag:s0] =	ssyncadd.s32 @!p0 s1  }
0x270: {  	[bflag:$0x3] =	sbarrier.arrive $0xFFFF  }
0x271: {  	_ =	shalt  }

</sc_bundles>
